<compile_context>
chip_gen: v7x
topology: tpu7x:2x2x1
jax: 0.10.2.dev20260603
libtpu: 0.0.44.dev20260713+nightly
codegen_flags: <defaults>
</compile_context>

<pallas_src>
import functools

import jax
import jax.numpy as jnp
import numpy as np
from jax.experimental import pallas as pl
from jax.experimental.pallas import tpu as pltpu
from jax.experimental.pallas import tpu_sc as plsc


B, IN_F, OUT_F, N_ET = 1024, 128, 256, 3



def _tf2x32_scalar(k0, k1, c0, c1):
    M = 0xFFFFFFFF
    ks = [k0, k1, (k0 ^ k1 ^ 0x1BD11BDA) & M]
    x0, x1 = (c0 + ks[0]) & M, (c1 + ks[1]) & M
    rots = [[13, 15, 26, 6], [17, 29, 16, 24]]
    for i in range(5):
        for r in rots[i % 2]:
            x0 = (x0 + x1) & M
            x1 = ((x1 << r) | (x1 >> (32 - r))) & M
            x1 ^= x0
        x0 = (x0 + ks[(i + 1) % 3]) & M
        x1 = (x1 + ks[(i + 2) % 3] + i + 1) & M
    return x0, x1


_KS0, _KS1 = _tf2x32_scalar(0, 1234, 0, 0)
_K0 = np.uint32(_KS0)
_K1 = np.uint32(_KS1)
_K2 = np.uint32(_KS0 ^ _KS1 ^ 0x1BD11BDA)

_ROTS = [[13, 15, 26, 6], [17, 29, 16, 24]]
_KEYSCHED = [_K0, _K1, _K2]

_B_TC = 768
_B_SC = B - _B_TC

_B_T = 16
_O_T = 256

_SC_SUBCORES = 32
_SC_B_PER_SUB = _B_SC // _SC_SUBCORES
_LANES = 16


def _tf_bits(idx):
    x0 = _K0
    x1 = idx + _K1
    for i in range(5):
        for r in _ROTS[i % 2]:
            x0 = x0 + x1
            x1 = (x1 << r) | (x1 >> (32 - r))
            x1 = x1 ^ x0
        x0 = x0 + _KEYSCHED[(i + 1) % 3]
        x1 = x1 + (_KEYSCHED[(i + 2) % 3] + np.uint32(i + 1))
    return x0 ^ x1


def _fwd_kernel_tc(x_ref, opidx_ref, out_ref):
    i = pl.program_id(0)
    j = pl.program_id(1)
    bi = jax.lax.broadcasted_iota(jnp.uint32, (_B_T, _O_T, 1), 0)
    oi = jax.lax.broadcasted_iota(jnp.uint32, (_B_T, _O_T, 1), 1)
    fi = jax.lax.broadcasted_iota(jnp.uint32, (1, 1, IN_F), 2)
    base = (jnp.uint32(i) * _B_T) * np.uint32(OUT_F * IN_F * N_ET) + (
        jnp.uint32(j) * _O_T
    ) * np.uint32(IN_F * N_ET)
    row = (
        base
        + bi * np.uint32(OUT_F * IN_F * N_ET)
        + oi * np.uint32(IN_F * N_ET)
    )
    idx0 = row + fi * np.uint32(N_ET)

    u0 = (_tf_bits(idx0) >> 9).astype(jnp.int32)
    u1 = (_tf_bits(idx0 + np.uint32(1)) >> 9).astype(jnp.int32)
    u2 = (_tf_bits(idx0 + np.uint32(2)) >> 9).astype(jnp.int32)

    take1 = u1 > u0
    take2 = u2 > jnp.maximum(u0, u1)
    active = take1 | take2

    xb = x_ref[...][:, None, :]
    val = jnp.where(take2, 1.0 - xb, jnp.broadcast_to(xb, (_B_T, _O_T, IN_F)))

    rmin = jnp.min(jnp.where(active, val, 10.0), axis=-1)
    rmax = jnp.max(jnp.where(active, val, -10.0), axis=-1)

    is_tnorm = opidx_ref[...] == 0
    out_ref[...] = jnp.where(is_tnorm, rmin, rmax)


_SC_SCHED = [_KS0, _KS1, _KS0 ^ _KS1 ^ 0x1BD11BDA]


def _i32c(v):
    v &= 0xFFFFFFFF
    return np.int32(v - (1 << 32) if v >= (1 << 31) else v)


def _sc_tf_bits(idx):
    srl = jax.lax.shift_right_logical
    x0 = _i32c(_SC_SCHED[0])
    x1 = idx + _i32c(_SC_SCHED[1])
    for i in range(5):
        for r in _ROTS[i % 2]:
            x0 = x0 + x1
            x1 = (x1 << r) | srl(x1, 32 - r)
            x1 = x1 ^ x0
        x0 = x0 + _i32c(_SC_SCHED[(i + 1) % 3])
        x1 = x1 + _i32c(_SC_SCHED[(i + 2) % 3] + i + 1)
    return x0 ^ x1


def _sc_edge_minmax(idx0, xv, vmin, vmax):
    srl = jax.lax.shift_right_logical
    u0 = srl(_sc_tf_bits(idx0), np.int32(9))
    u1 = srl(_sc_tf_bits(idx0 + np.int32(1)), np.int32(9))
    u2 = srl(_sc_tf_bits(idx0 + np.int32(2)), np.int32(9))
    take1 = u1 > u0
    take2 = u2 > jnp.maximum(u0, u1)
    active = take1 | take2
    val = jnp.where(take2, 1.0 - xv, xv)
    vmin = jnp.minimum(vmin, jnp.where(active, val, 10.0))
    vmax = jnp.maximum(vmax, jnp.where(active, val, -10.0))
    return vmin, vmax


def _fwd_kernel_sc(x_rep_hbm, opidx_hbm, out_hbm, xb_vmem, op_vmem,
                   obuf_vmem, accmin_vmem, accmax_vmem):
    core = jax.lax.axis_index("c")
    sub = jax.lax.axis_index("s")
    sub_id = core * 16 + sub
    b0 = sub_id * _SC_B_PER_SUB

    pltpu.sync_copy(opidx_hbm, op_vmem)
    lane = jax.lax.broadcasted_iota(jnp.int32, (_LANES,), 0)

    @pl.loop(0, _SC_B_PER_SUB)
    def _b_loop(bl):
        b = b0 + bl
        b_glob = b + np.int32(_B_TC)
        pltpu.sync_copy(x_rep_hbm.at[b], xb_vmem)

        @pl.loop(0, OUT_F // _LANES)
        def _o_loop(j):
            vbase = (j * _LANES + lane) * np.int32(IN_F * N_ET) + (
                b_glob * np.int32(OUT_F * IN_F * N_ET)
            )
            accmin_vmem[...] = jnp.full((_LANES,), 10.0, jnp.float32)
            accmax_vmem[...] = jnp.full((_LANES,), -10.0, jnp.float32)

            @pl.loop(0, IN_F, step=2)
            def _f_loop(f):
                vmin = accmin_vmem[...]
                vmax = accmax_vmem[...]
                for k in range(2):
                    idx_k = vbase + (f + k) * np.int32(N_ET)
                    xv_k = xb_vmem[f + k, :]
                    vmin, vmax = _sc_edge_minmax(idx_k, xv_k, vmin, vmax)
                accmin_vmem[...] = vmin
                accmax_vmem[...] = vmax

            is_tnorm = op_vmem[j, :] == 0
            obuf_vmem[pl.ds(j * _LANES, _LANES)] = jnp.where(
                is_tnorm, accmin_vmem[...], accmax_vmem[...]
            )

        pltpu.sync_copy(obuf_vmem, out_hbm.at[b])


def _sc_part(x_sc, opidx):
    x_rep = jnp.broadcast_to(x_sc[:, :, None], (_B_SC, IN_F, _LANES))
    opidx2d = opidx.reshape(OUT_F // _LANES, _LANES)
    mesh = plsc.VectorSubcoreMesh(core_axis_name="c", subcore_axis_name="s")
    kern = pl.kernel(
        _fwd_kernel_sc,
        out_type=jax.ShapeDtypeStruct((_B_SC, OUT_F), jnp.float32),
        mesh=mesh,
        scratch_types=[
            pltpu.VMEM((IN_F, _LANES), jnp.float32),
            pltpu.VMEM((OUT_F // _LANES, _LANES), jnp.int32),
            pltpu.VMEM((OUT_F,), jnp.float32),
            pltpu.VMEM((_LANES,), jnp.float32),
            pltpu.VMEM((_LANES,), jnp.float32),
        ],
    )
    return kern(x_rep, opidx2d)


@functools.partial(jax.jit, static_argnums=())
def kernel(x, edge_type_count, operator_type_counts, operator_indices):
    del edge_type_count, operator_type_counts
    opidx = operator_indices.reshape(1, OUT_F)
    grid = (_B_TC // _B_T, OUT_F // _O_T)
    out_tc = pl.pallas_call(
        _fwd_kernel_tc,
        grid=grid,
        in_specs=[
            pl.BlockSpec((_B_T, IN_F), lambda i, j: (i, 0)),
            pl.BlockSpec((1, _O_T), lambda i, j: (0, j)),
        ],
        out_specs=pl.BlockSpec((_B_T, _O_T), lambda i, j: (i, j)),
        out_shape=jax.ShapeDtypeStruct((_B_TC, OUT_F), jnp.float32),
    )(x[:_B_TC], opidx)
    out_sc = _sc_part(x[_B_TC:], operator_indices)
    return jnp.concatenate([out_tc, out_sc], axis=0)

# --- scband reference (transcript-rebuilt; emitter-appended) ---
"""Pipeline reference for scband-forward-forward-couting-layer-19593640804423 (READ-ONLY COPY).

The authoritative reference and input builder live on the scoring server;
editing this copy changes nothing except your own understanding.
"""

import jax, jax.numpy as jnp
import numpy as np

NO_EDGE_OFFSET_T_CONORM = -10.0
NO_EDGE_OFFSET_T_NORM = 10.0

# Enum conventions assumed (the original code references external enums):
#   edge_types    = [no_edge(=0), identity(=1), negation(=2)]
#     no_edge.value(s)  = 0.0
#     identity.value(s) = s
#     negation.value(s) = 1 - s
#   operator_types = [t_norm_min(=0), t_conorm_max(=1)]
#     t_norm_min.value(ev)  = min(ev)   (no_edge gets +10 so min ignores it)
#     t_conorm_max.value(ev)= max(ev)   (no_edge gets -10 so max ignores it)

B, IN_F, OUT_F, N_OPS, N_ET = 1024, 128, 256, 2, 3


def setup_inputs(seed: int = 0) -> dict:
    key = jax.random.key(seed)
    k1, k2 = jax.random.split(key)
    x = jax.random.uniform(k1, (B, IN_F), dtype=jnp.float32)
    edge_type_count = jnp.ones((OUT_F, N_OPS, IN_F, N_ET), dtype=jnp.float32)
    operator_type_counts = jnp.ones((OUT_F, N_OPS), dtype=jnp.float32)
    # sample_operator_indices(): multinomial over per-node operator counts (fixed at init)
    operator_indices = jax.random.categorical(
        k2, jnp.log(operator_type_counts), axis=-1
    ).astype(jnp.int32)
    return {
        "x": x,
        "edge_type_count": edge_type_count,
        "operator_type_counts": operator_type_counts,
        "operator_indices": operator_indices,
    }


def reference(x, edge_type_count, operator_type_counts, operator_indices):
    num_samples, in_f = x.shape
    out_f = edge_type_count.shape[0]
    key = jax.random.key(1234)
    ks, kf = jax.random.split(key)

    # per-node edge-type count table selected by that node's operator index:
    # edge_type_count[node][operator_indices[node]] -> [out_f, in_f, n_edge_types]
    probs = edge_type_count[jnp.arange(out_f), operator_indices]
    logits = jnp.log(probs)

    # torch.multinomial(counts, 1) per (sample, node, in_feature)
    eti = jax.random.categorical(ks, logits, axis=-1, shape=(num_samples, out_f, in_f))

    # if count_nonzero(edge_type_indices) == 0: set a random position to 1
    all_zero = jnp.all(eti == 0, axis=-1)  # [B, out_f]
    rand_pos = jax.random.randint(kf, (num_samples, out_f), 0, in_f)
    fix = (jnp.arange(in_f)[None, None, :] == rand_pos[:, :, None]) & all_zero[:, :, None]
    eti = jnp.where(fix, 1, eti)

    # edge values per edge type (gather of x broadcast over nodes)
    s = x[:, None, :]  # [B, 1, in_f]
    ev = jnp.where(eti == 1, s, jnp.where(eti == 2, 1.0 - s, 0.0))

    # no_edge offset depends on whether the node's operator is a T-norm or T-conorm
    op_is_tnorm = operator_indices == 0  # [out_f]
    offset = jnp.where(op_is_tnorm, NO_EDGE_OFFSET_T_NORM, NO_EDGE_OFFSET_T_CONORM)
    ev = ev + jnp.where(eti == 0, offset[None, :, None], 0.0)

    # operator.value(edge_values): min for T-norm, max for T-conorm
    node_values = jnp.where(
        op_is_tnorm[None, :], jnp.min(ev, axis=-1), jnp.max(ev, axis=-1)
    )
    return node_values

if __name__ == "__main__":
    import jax
    _d = setup_inputs()
    print(jax.jit(kernel)(*tuple(_d.values())))

</pallas_src>

<mosaic_0001>
#map = affine_map<(d0, d1) -> (0, 0, 0)>
#map1 = affine_map<(d0, d1) -> (0, 0)>
module attributes {stable_mosaic.version = 14 : i64} {
  func.func @_fwd_kernel_sc(%arg0: i32, %arg1: i32, %arg2: memref<256x128x16xf32, #tpu.memory_space<hbm>>, %arg3: memref<16x16xi32, #tpu.memory_space<hbm>>, %arg4: memref<256x256xf32, #tpu.memory_space<hbm>>, %arg5: memref<128x16xf32, #tpu.memory_space<vmem>>, %arg6: memref<16x16xi32, #tpu.memory_space<vmem>>, %arg7: memref<256xf32, #tpu.memory_space<vmem>>, %arg8: memref<16xf32, #tpu.memory_space<vmem>>, %arg9: memref<16xf32, #tpu.memory_space<vmem>>) attributes {dimension_semantics = [#tpu.dimension_semantics<core_parallel>, #tpu.dimension_semantics<subcore_parallel>], iteration_bounds = array<i64: 2, 16>, scalar_prefetch = 0 : i64, scratch_operands = 5 : i64, tpu.core_type = #tpu.core_type<sc_vector_subcore>, window_params = [{transform_indices = #map}, {transform_indices = #map1}, {transform_indices = #map1}]} {
    %mul3A = arith.constant 16 : i32
    %mul3A_0 = arith.muli %arg0, %mul3A : i32
    %add3A = arith.addi %mul3A_0, %arg1 : i32
    %mul3A_1 = arith.constant 8 : i32
    %mul3A_2 = arith.muli %add3A, %mul3A_1 : i32
    "tpu.region"() ({
      %run_scoped3A = tpu.sem_alloc : memref<!tpu.dma_semaphore, #tpu.memory_space<semaphore_mem>>
      tpu.enqueue_dma source(%arg3 : memref<16x16xi32, #tpu.memory_space<hbm>>) target(%arg6 : memref<16x16xi32, #tpu.memory_space<vmem>>) target_semaphore(%run_scoped3A : memref<!tpu.dma_semaphore, #tpu.memory_space<semaphore_mem>>)
      tpu.wait_dma2 semaphore(%run_scoped3A : memref<!tpu.dma_semaphore, #tpu.memory_space<semaphore_mem>>) src(%arg3 : memref<16x16xi32, #tpu.memory_space<hbm>>) dst(%arg6 : memref<16x16xi32, #tpu.memory_space<vmem>>)
      tpu.yield
    }) : () -> ()
    %iota3A = tpu.iota {dimensions = array<i32: 0>} : vector<16xi32>
    %scan3A = arith.constant 0 : i32
    %scan3A_3 = arith.constant 8 : i32
    %scan3A_4 = arith.addi %scan3A, %scan3A_3 : i32
    %scan3A_5 = arith.constant 1 : i32
    scf.for %scan3A_7 = %scan3A to %scan3A_4 step %scan3A_5  : i32 {
      %mul3A_8 = arith.constant 1 : i32
      %mul3A_9 = arith.muli %scan3A_7, %mul3A_8 : i32
      %add3A_10 = arith.constant 0 : i32
      %add3A_11 = arith.addi %add3A_10, %mul3A_9 : i32
      %add3A_12 = arith.addi %mul3A_2, %add3A_11 : i32
      %add3A_13 = arith.constant 768 : i32
      %add3A_14 = arith.addi %add3A_12, %add3A_13 : i32
      "tpu.region"() ({
        %run_scoped3A = tpu.sem_alloc : memref<!tpu.dma_semaphore, #tpu.memory_space<semaphore_mem>>
        %dma_start3A = arith.constant 0 : i32
        %dma_start3A_20 = arith.constant 0 : i32
        %dma_start3A_21 = tpu.memref_slice %arg2[%add3A_12, %dma_start3A, %dma_start3A_20] : memref<256x128x16xf32, #tpu.memory_space<hbm>> -> memref<1x128x16xf32, #tpu.memory_space<hbm>>
        %dma_start3A_22 = tpu.memref_squeeze %dma_start3A_21 : memref<1x128x16xf32, #tpu.memory_space<hbm>> -> memref<128x16xf32, #tpu.memory_space<hbm>>
        %dma_start3A_23 = arith.constant 0 : i32
        %dma_start3A_24 = arith.constant 0 : i32
        %dma_start3A_25 = tpu.memref_slice %arg2[%add3A_12, %dma_start3A_23, %dma_start3A_24] : memref<256x128x16xf32, #tpu.memory_space<hbm>> -> memref<1x128x16xf32, #tpu.memory_space<hbm>>
        %dma_start3A_26 = tpu.memref_squeeze %dma_start3A_25 : memref<1x128x16xf32, #tpu.memory_space<hbm>> -> memref<128x16xf32, #tpu.memory_space<hbm>>
        tpu.enqueue_dma source(%dma_start3A_26 : memref<128x16xf32, #tpu.memory_space<hbm>>) target(%arg5 : memref<128x16xf32, #tpu.memory_space<vmem>>) target_semaphore(%run_scoped3A : memref<!tpu.dma_semaphore, #tpu.memory_space<semaphore_mem>>)
        %dma_wait3A = arith.constant 0 : i32
        %dma_wait3A_27 = arith.constant 0 : i32
        %dma_wait3A_28 = tpu.memref_slice %arg2[%add3A_12, %dma_wait3A, %dma_wait3A_27] : memref<256x128x16xf32, #tpu.memory_space<hbm>> -> memref<1x128x16xf32, #tpu.memory_space<hbm>>
        %dma_wait3A_29 = tpu.memref_squeeze %dma_wait3A_28 : memref<1x128x16xf32, #tpu.memory_space<hbm>> -> memref<128x16xf32, #tpu.memory_space<hbm>>
        %dma_wait3A_30 = arith.constant 0 : i32
        %dma_wait3A_31 = arith.constant 0 : i32
        %dma_wait3A_32 = tpu.memref_slice %arg2[%add3A_12, %dma_wait3A_30, %dma_wait3A_31] : memref<256x128x16xf32, #tpu.memory_space<hbm>> -> memref<1x128x16xf32, #tpu.memory_space<hbm>>
        %dma_wait3A_33 = tpu.memref_squeeze %dma_wait3A_32 : memref<1x128x16xf32, #tpu.memory_space<hbm>> -> memref<128x16xf32, #tpu.memory_space<hbm>>
        tpu.wait_dma2 semaphore(%run_scoped3A : memref<!tpu.dma_semaphore, #tpu.memory_space<semaphore_mem>>) src(%dma_wait3A_33 : memref<128x16xf32, #tpu.memory_space<hbm>>) dst(%arg5 : memref<128x16xf32, #tpu.memory_space<vmem>>)
        tpu.yield
      }) : () -> ()
      %scan3A_15 = arith.constant 0 : i32
      %scan3A_16 = arith.constant 16 : i32
      %scan3A_17 = arith.addi %scan3A_15, %scan3A_16 : i32
      %scan3A_18 = arith.constant 1 : i32
      scf.for %scan3A_20 = %scan3A_15 to %scan3A_17 step %scan3A_18  : i32 {
        %mul3A_21 = arith.constant 1 : i32
        %mul3A_22 = arith.muli %scan3A_20, %mul3A_21 : i32
        %add3A_23 = arith.constant 0 : i32
        %add3A_24 = arith.addi %add3A_23, %mul3A_22 : i32
        %mul3A_25 = arith.constant 16 : i32
        %mul3A_26 = arith.muli %add3A_24, %mul3A_25 : i32
        %add3A_27 = vector.broadcast %mul3A_26 : i32 to vector<16xi32>
        %add3A_28 = arith.addi %add3A_27, %iota3A : vector<16xi32>
        %mul3A_29 = arith.constant 384 : i32
        %mul3A_30 = vector.broadcast %mul3A_29 : i32 to vector<16xi32>
        %mul3A_31 = arith.muli %add3A_28, %mul3A_30 : vector<16xi32>
        %mul3A_32 = arith.constant 98304 : i32
        %mul3A_33 = arith.muli %add3A_14, %mul3A_32 : i32
        %add3A_34 = vector.broadcast %mul3A_33 : i32 to vector<16xi32>
        %add3A_35 = arith.addi %mul3A_31, %add3A_34 : vector<16xi32>
        %broadcast_in_dim3A = arith.constant 1.000000e+01 : f32
        %broadcast_in_dim3A_36 = vector.broadcast %broadcast_in_dim3A : f32 to vector<16xf32>
        %swap3A = arith.constant 0 : index
        %swap3A_37 = tpu.vector_load %arg8[%swap3A] {strides = array<i32>} : memref<16xf32, #tpu.memory_space<vmem>>, vector<16xf32>,
        %swap3A_38 = vector.shape_cast %swap3A_37 : vector<16xf32> to vector<16xf32>
        %swap3A_39 = vector.shape_cast %broadcast_in_dim3A_36 : vector<16xf32> to vector<16xf32>
        tpu.vector_store %arg8[%swap3A], %swap3A_39 {strides = array<i32>} : memref<16xf32, #tpu.memory_space<vmem>>, vector<16xf32>,
        %broadcast_in_dim3A_40 = arith.constant -1.000000e+01 : f32
        %broadcast_in_dim3A_41 = vector.broadcast %broadcast_in_dim3A_40 : f32 to vector<16xf32>
        %swap3A_42 = arith.constant 0 : index
        %swap3A_43 = tpu.vector_load %arg9[%swap3A_42] {strides = array<i32>} : memref<16xf32, #tpu.memory_space<vmem>>, vector<16xf32>,
        %swap3A_44 = vector.shape_cast %swap3A_43 : vector<16xf32> to vector<16xf32>
        %swap3A_45 = vector.shape_cast %broadcast_in_dim3A_41 : vector<16xf32> to vector<16xf32>
        tpu.vector_store %arg9[%swap3A_42], %swap3A_45 {strides = array<i32>} : memref<16xf32, #tpu.memory_space<vmem>>, vector<16xf32>,
        %scan3A_46 = arith.constant 0 : i32
        %scan3A_47 = arith.constant 64 : i32
        %scan3A_48 = arith.addi %scan3A_46, %scan3A_47 : i32
        %scan3A_49 = arith.constant 1 : i32
        scf.for %scan3A_68 = %scan3A_46 to %scan3A_48 step %scan3A_49  : i32 {
          %mul3A_69 = arith.constant 2 : i32
          %mul3A_70 = arith.muli %scan3A_68, %mul3A_69 : i32
          %add3A_71 = arith.constant 0 : i32
          %add3A_72 = arith.addi %add3A_71, %mul3A_70 : i32
          %get3A_73 = arith.constant 0 : index
          %get3A_74 = tpu.vector_load %arg8[%get3A_73] {strides = array<i32>} : memref<16xf32, #tpu.memory_space<vmem>>, vector<16xf32>,
          %get3A_75 = vector.shape_cast %get3A_74 : vector<16xf32> to vector<16xf32>
          %get3A_76 = arith.constant 0 : index
          %get3A_77 = tpu.vector_load %arg9[%get3A_76] {strides = array<i32>} : memref<16xf32, #tpu.memory_space<vmem>>, vector<16xf32>,
          %get3A_78 = vector.shape_cast %get3A_77 : vector<16xf32> to vector<16xf32>
          %add3A_79 = arith.constant 0 : i32
          %add3A_80 = arith.addi %add3A_72, %add3A_79 : i32
          %mul3A_81 = arith.constant 3 : i32
          %mul3A_82 = arith.muli %add3A_80, %mul3A_81 : i32
          %add3A_83 = vector.broadcast %mul3A_82 : i32 to vector<16xi32>
          %add3A_84 = arith.addi %add3A_35, %add3A_83 : vector<16xi32>
          %add3A_85 = arith.constant 0 : i32
          %add3A_86 = arith.addi %add3A_72, %add3A_85 : i32
          %get3A_87 = arith.index_cast %add3A_86 : i32 to index
          %get3A_88 = arith.constant 0 : index
          %get3A_89 = tpu.vector_load %arg5[%get3A_87, %get3A_88] {strides = array<i32>} : memref<128x16xf32, #tpu.memory_space<vmem>>, vector<1x16xf32>,
          %get3A_90 = vector.shape_cast %get3A_89 : vector<1x16xf32> to vector<16xf32>
          %add3A_91 = arith.constant -1776851121 : i32
          %add3A_92 = vector.broadcast %add3A_91 : i32 to vector<16xi32>
          %add3A_93 = arith.addi %add3A_84, %add3A_92 : vector<16xi32>
          %add3A_94 = arith.constant 1264997412 : i32
          %add3A_95 = vector.broadcast %add3A_94 : i32 to vector<16xi32>
          %add3A_96 = arith.addi %add3A_95, %add3A_93 : vector<16xi32>
          %shift_left3A = arith.constant 13 : i32
          %shift_left3A_97 = vector.broadcast %shift_left3A : i32 to vector<16xi32>
          %shift_left3A_98 = arith.shli %add3A_93, %shift_left3A_97 : vector<16xi32>
          %shift_right_logical3A = arith.constant 19 : i32
          %shift_right_logical3A_99 = vector.broadcast %shift_right_logical3A : i32 to vector<16xi32>
          %shift_right_logical3A_100 = arith.shrui %add3A_93, %shift_right_logical3A_99 : vector<16xi32>
          %or3A = arith.ori %shift_left3A_98, %shift_right_logical3A_100 : vector<16xi32>
          %xor3A = arith.xori %or3A, %add3A_96 : vector<16xi32>
          %add3A_101 = arith.addi %add3A_96, %xor3A : vector<16xi32>
          %shift_left3A_102 = arith.constant 15 : i32
          %shift_left3A_103 = vector.broadcast %shift_left3A_102 : i32 to vector<16xi32>
          %shift_left3A_104 = arith.shli %xor3A, %shift_left3A_103 : vector<16xi32>
          %shift_right_logical3A_105 = arith.constant 17 : i32
          %shift_right_logical3A_106 = vector.broadcast %shift_right_logical3A_105 : i32 to vector<16xi32>
          %shift_right_logical3A_107 = arith.shrui %xor3A, %shift_right_logical3A_106 : vector<16xi32>
          %or3A_108 = arith.ori %shift_left3A_104, %shift_right_logical3A_107 : vector<16xi32>
          %xor3A_109 = arith.xori %or3A_108, %add3A_101 : vector<16xi32>
          %add3A_110 = arith.addi %add3A_101, %xor3A_109 : vector<16xi32>
          %shift_left3A_111 = arith.constant 26 : i32
          %shift_left3A_112 = vector.broadcast %shift_left3A_111 : i32 to vector<16xi32>
          %shift_left3A_113 = arith.shli %xor3A_109, %shift_left3A_112 : vector<16xi32>
          %shift_right_logical3A_114 = arith.constant 6 : i32
          %shift_right_logical3A_115 = vector.broadcast %shift_right_logical3A_114 : i32 to vector<16xi32>
          %shift_right_logical3A_116 = arith.shrui %xor3A_109, %shift_right_logical3A_115 : vector<16xi32>
          %or3A_117 = arith.ori %shift_left3A_113, %shift_right_logical3A_116 : vector<16xi32>
          %xor3A_118 = arith.xori %or3A_117, %add3A_110 : vector<16xi32>
          %add3A_119 = arith.addi %add3A_110, %xor3A_118 : vector<16xi32>
          %shift_left3A_120 = arith.constant 6 : i32
          %shift_left3A_121 = vector.broadcast %shift_left3A_120 : i32 to vector<16xi32>
          %shift_left3A_122 = arith.shli %xor3A_118, %shift_left3A_121 : vector<16xi32>
          %shift_right_logical3A_123 = arith.constant 26 : i32
          %shift_right_logical3A_124 = vector.broadcast %shift_right_logical3A_123 : i32 to vector<16xi32>
          %shift_right_logical3A_125 = arith.shrui %xor3A_118, %shift_right_logical3A_124 : vector<16xi32>
          %or3A_126 = arith.ori %shift_left3A_122, %shift_right_logical3A_125 : vector<16xi32>
          %xor3A_127 = arith.xori %or3A_126, %add3A_119 : vector<16xi32>
          %add3A_128 = arith.constant -1776851121 : i32
          %add3A_129 = vector.broadcast %add3A_128 : i32 to vector<16xi32>
          %add3A_130 = arith.addi %add3A_119, %add3A_129 : vector<16xi32>
          %add3A_131 = arith.constant -962582350 : i32
          %add3A_132 = vector.broadcast %add3A_131 : i32 to vector<16xi32>
          %add3A_133 = arith.addi %xor3A_127, %add3A_132 : vector<16xi32>
          %add3A_134 = arith.addi %add3A_130, %add3A_133 : vector<16xi32>
          %shift_left3A_135 = arith.constant 17 : i32
          %shift_left3A_136 = vector.broadcast %shift_left3A_135 : i32 to vector<16xi32>
          %shift_left3A_137 = arith.shli %add3A_133, %shift_left3A_136 : vector<16xi32>
          %shift_right_logical3A_138 = arith.constant 15 : i32
          %shift_right_logical3A_139 = vector.broadcast %shift_right_logical3A_138 : i32 to vector<16xi32>
          %shift_right_logical3A_140 = arith.shrui %add3A_133, %shift_right_logical3A_139 : vector<16xi32>
          %or3A_141 = arith.ori %shift_left3A_137, %shift_right_logical3A_140 : vector<16xi32>
          %xor3A_142 = arith.xori %or3A_141, %add3A_134 : vector<16xi32>
          %add3A_143 = arith.addi %add3A_134, %xor3A_142 : vector<16xi32>
          %shift_left3A_144 = arith.constant 29 : i32
          %shift_left3A_145 = vector.broadcast %shift_left3A_144 : i32 to vector<16xi32>
          %shift_left3A_146 = arith.shli %xor3A_142, %shift_left3A_145 : vector<16xi32>
          %shift_right_logical3A_147 = arith.constant 3 : i32
          %shift_right_logical3A_148 = vector.broadcast %shift_right_logical3A_147 : i32 to vector<16xi32>
          %shift_right_logical3A_149 = arith.shrui %xor3A_142, %shift_right_logical3A_148 : vector<16xi32>
          %or3A_150 = arith.ori %shift_left3A_146, %shift_right_logical3A_149 : vector<16xi32>
          %xor3A_151 = arith.xori %or3A_150, %add3A_143 : vector<16xi32>
          %add3A_152 = arith.addi %add3A_143, %xor3A_151 : vector<16xi32>
          %shift_left3A_153 = arith.constant 16 : i32
          %shift_left3A_154 = vector.broadcast %shift_left3A_153 : i32 to vector<16xi32>
          %shift_left3A_155 = arith.shli %xor3A_151, %shift_left3A_154 : vector<16xi32>
          %shift_right_logical3A_156 = arith.constant 16 : i32
          %shift_right_logical3A_157 = vector.broadcast %shift_right_logical3A_156 : i32 to vector<16xi32>
          %shift_right_logical3A_158 = arith.shrui %xor3A_151, %shift_right_logical3A_157 : vector<16xi32>
          %or3A_159 = arith.ori %shift_left3A_155, %shift_right_logical3A_158 : vector<16xi32>
          %xor3A_160 = arith.xori %or3A_159, %add3A_152 : vector<16xi32>
          %add3A_161 = arith.addi %add3A_152, %xor3A_160 : vector<16xi32>
          %shift_left3A_162 = arith.constant 24 : i32
          %shift_left3A_163 = vector.broadcast %shift_left3A_162 : i32 to vector<16xi32>
          %shift_left3A_164 = arith.shli %xor3A_160, %shift_left3A_163 : vector<16xi32>
          %shift_right_logical3A_165 = arith.constant 8 : i32
          %shift_right_logical3A_166 = vector.broadcast %shift_right_logical3A_165 : i32 to vector<16xi32>
          %shift_right_logical3A_167 = arith.shrui %xor3A_160, %shift_right_logical3A_166 : vector<16xi32>
          %or3A_168 = arith.ori %shift_left3A_164, %shift_right_logical3A_167 : vector<16xi32>
          %xor3A_169 = arith.xori %or3A_168, %add3A_161 : vector<16xi32>
          %add3A_170 = arith.constant -962582351 : i32
          %add3A_171 = vector.broadcast %add3A_170 : i32 to vector<16xi32>
          %add3A_172 = arith.addi %add3A_161, %add3A_171 : vector<16xi32>
          %add3A_173 = arith.constant 1264997414 : i32
          %add3A_174 = vector.broadcast %add3A_173 : i32 to vector<16xi32>
          %add3A_175 = arith.addi %xor3A_169, %add3A_174 : vector<16xi32>
          %add3A_176 = arith.addi %add3A_172, %add3A_175 : vector<16xi32>
          %shift_left3A_177 = arith.constant 13 : i32
          %shift_left3A_178 = vector.broadcast %shift_left3A_177 : i32 to vector<16xi32>
          %shift_left3A_179 = arith.shli %add3A_175, %shift_left3A_178 : vector<16xi32>
          %shift_right_logical3A_180 = arith.constant 19 : i32
          %shift_right_logical3A_181 = vector.broadcast %shift_right_logical3A_180 : i32 to vector<16xi32>
          %shift_right_logical3A_182 = arith.shrui %add3A_175, %shift_right_logical3A_181 : vector<16xi32>
          %or3A_183 = arith.ori %shift_left3A_179, %shift_right_logical3A_182 : vector<16xi32>
          %xor3A_184 = arith.xori %or3A_183, %add3A_176 : vector<16xi32>
          %add3A_185 = arith.addi %add3A_176, %xor3A_184 : vector<16xi32>
          %shift_left3A_186 = arith.constant 15 : i32
          %shift_left3A_187 = vector.broadcast %shift_left3A_186 : i32 to vector<16xi32>
          %shift_left3A_188 = arith.shli %xor3A_184, %shift_left3A_187 : vector<16xi32>
          %shift_right_logical3A_189 = arith.constant 17 : i32
          %shift_right_logical3A_190 = vector.broadcast %shift_right_logical3A_189 : i32 to vector<16xi32>
          %shift_right_logical3A_191 = arith.shrui %xor3A_184, %shift_right_logical3A_190 : vector<16xi32>
          %or3A_192 = arith.ori %shift_left3A_188, %shift_right_logical3A_191 : vector<16xi32>
          %xor3A_193 = arith.xori %or3A_192, %add3A_185 : vector<16xi32>
          %add3A_194 = arith.addi %add3A_185, %xor3A_193 : vector<16xi32>
          %shift_left3A_195 = arith.constant 26 : i32
          %shift_left3A_196 = vector.broadcast %shift_left3A_195 : i32 to vector<16xi32>
          %shift_left3A_197 = arith.shli %xor3A_193, %shift_left3A_196 : vector<16xi32>
          %shift_right_logical3A_198 = arith.constant 6 : i32
          %shift_right_logical3A_199 = vector.broadcast %shift_right_logical3A_198 : i32 to vector<16xi32>
          %shift_right_logical3A_200 = arith.shrui %xor3A_193, %shift_right_logical3A_199 : vector<16xi32>
          %or3A_201 = arith.ori %shift_left3A_197, %shift_right_logical3A_200 : vector<16xi32>
          %xor3A_202 = arith.xori %or3A_201, %add3A_194 : vector<16xi32>
          %add3A_203 = arith.addi %add3A_194, %xor3A_202 : vector<16xi32>
          %shift_left3A_204 = arith.constant 6 : i32
          %shift_left3A_205 = vector.broadcast %shift_left3A_204 : i32 to vector<16xi32>
          %shift_left3A_206 = arith.shli %xor3A_202, %shift_left3A_205 : vector<16xi32>
          %shift_right_logical3A_207 = arith.constant 26 : i32
          %shift_right_logical3A_208 = vector.broadcast %shift_right_logical3A_207 : i32 to vector<16xi32>
          %shift_right_logical3A_209 = arith.shrui %xor3A_202, %shift_right_logical3A_208 : vector<16xi32>
          %or3A_210 = arith.ori %shift_left3A_206, %shift_right_logical3A_209 : vector<16xi32>
          %xor3A_211 = arith.xori %or3A_210, %add3A_203 : vector<16xi32>
          %add3A_212 = arith.constant 1264997412 : i32
          %add3A_213 = vector.broadcast %add3A_212 : i32 to vector<16xi32>
          %add3A_214 = arith.addi %add3A_203, %add3A_213 : vector<16xi32>
          %add3A_215 = arith.constant -1776851118 : i32
          %add3A_216 = vector.broadcast %add3A_215 : i32 to vector<16xi32>
          %add3A_217 = arith.addi %xor3A_211, %add3A_216 : vector<16xi32>
          %add3A_218 = arith.addi %add3A_214, %add3A_217 : vector<16xi32>
          %shift_left3A_219 = arith.constant 17 : i32
          %shift_left3A_220 = vector.broadcast %shift_left3A_219 : i32 to vector<16xi32>
          %shift_left3A_221 = arith.shli %add3A_217, %shift_left3A_220 : vector<16xi32>
          %shift_right_logical3A_222 = arith.constant 15 : i32
          %shift_right_logical3A_223 = vector.broadcast %shift_right_logical3A_222 : i32 to vector<16xi32>
          %shift_right_logical3A_224 = arith.shrui %add3A_217, %shift_right_logical3A_223 : vector<16xi32>
          %or3A_225 = arith.ori %shift_left3A_221, %shift_right_logical3A_224 : vector<16xi32>
          %xor3A_226 = arith.xori %or3A_225, %add3A_218 : vector<16xi32>
          %add3A_227 = arith.addi %add3A_218, %xor3A_226 : vector<16xi32>
          %shift_left3A_228 = arith.constant 29 : i32
          %shift_left3A_229 = vector.broadcast %shift_left3A_228 : i32 to vector<16xi32>
          %shift_left3A_230 = arith.shli %xor3A_226, %shift_left3A_229 : vector<16xi32>
          %shift_right_logical3A_231 = arith.constant 3 : i32
          %shift_right_logical3A_232 = vector.broadcast %shift_right_logical3A_231 : i32 to vector<16xi32>
          %shift_right_logical3A_233 = arith.shrui %xor3A_226, %shift_right_logical3A_232 : vector<16xi32>
          %or3A_234 = arith.ori %shift_left3A_230, %shift_right_logical3A_233 : vector<16xi32>
          %xor3A_235 = arith.xori %or3A_234, %add3A_227 : vector<16xi32>
          %add3A_236 = arith.addi %add3A_227, %xor3A_235 : vector<16xi32>
          %shift_left3A_237 = arith.constant 16 : i32
          %shift_left3A_238 = vector.broadcast %shift_left3A_237 : i32 to vector<16xi32>
          %shift_left3A_239 = arith.shli %xor3A_235, %shift_left3A_238 : vector<16xi32>
          %shift_right_logical3A_240 = arith.constant 16 : i32
          %shift_right_logical3A_241 = vector.broadcast %shift_right_logical3A_240 : i32 to vector<16xi32>
          %shift_right_logical3A_242 = arith.shrui %xor3A_235, %shift_right_logical3A_241 : vector<16xi32>
          %or3A_243 = arith.ori %shift_left3A_239, %shift_right_logical3A_242 : vector<16xi32>
          %xor3A_244 = arith.xori %or3A_243, %add3A_236 : vector<16xi32>
          %add3A_245 = arith.addi %add3A_236, %xor3A_244 : vector<16xi32>
          %shift_left3A_246 = arith.constant 24 : i32
          %shift_left3A_247 = vector.broadcast %shift_left3A_246 : i32 to vector<16xi32>
          %shift_left3A_248 = arith.shli %xor3A_244, %shift_left3A_247 : vector<16xi32>
          %shift_right_logical3A_249 = arith.constant 8 : i32
          %shift_right_logical3A_250 = vector.broadcast %shift_right_logical3A_249 : i32 to vector<16xi32>
          %shift_right_logical3A_251 = arith.shrui %xor3A_244, %shift_right_logical3A_250 : vector<16xi32>
          %or3A_252 = arith.ori %shift_left3A_248, %shift_right_logical3A_251 : vector<16xi32>
          %xor3A_253 = arith.xori %or3A_252, %add3A_245 : vector<16xi32>
          %add3A_254 = arith.constant -1776851121 : i32
          %add3A_255 = vector.broadcast %add3A_254 : i32 to vector<16xi32>
          %add3A_256 = arith.addi %add3A_245, %add3A_255 : vector<16xi32>
          %add3A_257 = arith.constant -962582347 : i32
          %add3A_258 = vector.broadcast %add3A_257 : i32 to vector<16xi32>
          %add3A_259 = arith.addi %xor3A_253, %add3A_258 : vector<16xi32>
          %add3A_260 = arith.addi %add3A_256, %add3A_259 : vector<16xi32>
          %shift_left3A_261 = arith.constant 13 : i32
          %shift_left3A_262 = vector.broadcast %shift_left3A_261 : i32 to vector<16xi32>
          %shift_left3A_263 = arith.shli %add3A_259, %shift_left3A_262 : vector<16xi32>
          %shift_right_logical3A_264 = arith.constant 19 : i32
          %shift_right_logical3A_265 = vector.broadcast %shift_right_logical3A_264 : i32 to vector<16xi32>
          %shift_right_logical3A_266 = arith.shrui %add3A_259, %shift_right_logical3A_265 : vector<16xi32>
          %or3A_267 = arith.ori %shift_left3A_263, %shift_right_logical3A_266 : vector<16xi32>
          %xor3A_268 = arith.xori %or3A_267, %add3A_260 : vector<16xi32>
          %add3A_269 = arith.addi %add3A_260, %xor3A_268 : vector<16xi32>
          %shift_left3A_270 = arith.constant 15 : i32
          %shift_left3A_271 = vector.broadcast %shift_left3A_270 : i32 to vector<16xi32>
          %shift_left3A_272 = arith.shli %xor3A_268, %shift_left3A_271 : vector<16xi32>
          %shift_right_logical3A_273 = arith.constant 17 : i32
          %shift_right_logical3A_274 = vector.broadcast %shift_right_logical3A_273 : i32 to vector<16xi32>
          %shift_right_logical3A_275 = arith.shrui %xor3A_268, %shift_right_logical3A_274 : vector<16xi32>
          %or3A_276 = arith.ori %shift_left3A_272, %shift_right_logical3A_275 : vector<16xi32>
          %xor3A_277 = arith.xori %or3A_276, %add3A_269 : vector<16xi32>
          %add3A_278 = arith.addi %add3A_269, %xor3A_277 : vector<16xi32>
          %shift_left3A_279 = arith.constant 26 : i32
          %shift_left3A_280 = vector.broadcast %shift_left3A_279 : i32 to vector<16xi32>
          %shift_left3A_281 = arith.shli %xor3A_277, %shift_left3A_280 : vector<16xi32>
          %shift_right_logical3A_282 = arith.constant 6 : i32
          %shift_right_logical3A_283 = vector.broadcast %shift_right_logical3A_282 : i32 to vector<16xi32>
          %shift_right_logical3A_284 = arith.shrui %xor3A_277, %shift_right_logical3A_283 : vector<16xi32>
          %or3A_285 = arith.ori %shift_left3A_281, %shift_right_logical3A_284 : vector<16xi32>
          %xor3A_286 = arith.xori %or3A_285, %add3A_278 : vector<16xi32>
          %add3A_287 = arith.addi %add3A_278, %xor3A_286 : vector<16xi32>
          %shift_left3A_288 = arith.constant 6 : i32
          %shift_left3A_289 = vector.broadcast %shift_left3A_288 : i32 to vector<16xi32>
          %shift_left3A_290 = arith.shli %xor3A_286, %shift_left3A_289 : vector<16xi32>
          %shift_right_logical3A_291 = arith.constant 26 : i32
          %shift_right_logical3A_292 = vector.broadcast %shift_right_logical3A_291 : i32 to vector<16xi32>
          %shift_right_logical3A_293 = arith.shrui %xor3A_286, %shift_right_logical3A_292 : vector<16xi32>
          %or3A_294 = arith.ori %shift_left3A_290, %shift_right_logical3A_293 : vector<16xi32>
          %xor3A_295 = arith.xori %or3A_294, %add3A_287 : vector<16xi32>
          %add3A_296 = arith.constant -962582351 : i32
          %add3A_297 = vector.broadcast %add3A_296 : i32 to vector<16xi32>
          %add3A_298 = arith.addi %add3A_287, %add3A_297 : vector<16xi32>
          %add3A_299 = arith.constant 1264997417 : i32
          %add3A_300 = vector.broadcast %add3A_299 : i32 to vector<16xi32>
          %add3A_301 = arith.addi %xor3A_295, %add3A_300 : vector<16xi32>
          %xor3A_302 = arith.xori %add3A_298, %add3A_301 : vector<16xi32>
          %shift_right_logical3A_303 = arith.constant 9 : i32
          %shift_right_logical3A_304 = vector.broadcast %shift_right_logical3A_303 : i32 to vector<16xi32>
          %shift_right_logical3A_305 = arith.shrui %xor3A_302, %shift_right_logical3A_304 : vector<16xi32>
          %add3A_306 = arith.constant 1 : i32
          %add3A_307 = vector.broadcast %add3A_306 : i32 to vector<16xi32>
          %add3A_308 = arith.addi %add3A_84, %add3A_307 : vector<16xi32>
          %add3A_309 = arith.constant -1776851121 : i32
          %add3A_310 = vector.broadcast %add3A_309 : i32 to vector<16xi32>
          %add3A_311 = arith.addi %add3A_308, %add3A_310 : vector<16xi32>
          %add3A_312 = arith.constant 1264997412 : i32
          %add3A_313 = vector.broadcast %add3A_312 : i32 to vector<16xi32>
          %add3A_314 = arith.addi %add3A_313, %add3A_311 : vector<16xi32>
          %shift_left3A_315 = arith.constant 13 : i32
          %shift_left3A_316 = vector.broadcast %shift_left3A_315 : i32 to vector<16xi32>
          %shift_left3A_317 = arith.shli %add3A_311, %shift_left3A_316 : vector<16xi32>
          %shift_right_logical3A_318 = arith.constant 19 : i32
          %shift_right_logical3A_319 = vector.broadcast %shift_right_logical3A_318 : i32 to vector<16xi32>
          %shift_right_logical3A_320 = arith.shrui %add3A_311, %shift_right_logical3A_319 : vector<16xi32>
          %or3A_321 = arith.ori %shift_left3A_317, %shift_right_logical3A_320 : vector<16xi32>
          %xor3A_322 = arith.xori %or3A_321, %add3A_314 : vector<16xi32>
          %add3A_323 = arith.addi %add3A_314, %xor3A_322 : vector<16xi32>
          %shift_left3A_324 = arith.constant 15 : i32
          %shift_left3A_325 = vector.broadcast %shift_left3A_324 : i32 to vector<16xi32>
          %shift_left3A_326 = arith.shli %xor3A_322, %shift_left3A_325 : vector<16xi32>
          %shift_right_logical3A_327 = arith.constant 17 : i32
          %shift_right_logical3A_328 = vector.broadcast %shift_right_logical3A_327 : i32 to vector<16xi32>
          %shift_right_logical3A_329 = arith.shrui %xor3A_322, %shift_right_logical3A_328 : vector<16xi32>
          %or3A_330 = arith.ori %shift_left3A_326, %shift_right_logical3A_329 : vector<16xi32>
          %xor3A_331 = arith.xori %or3A_330, %add3A_323 : vector<16xi32>
          %add3A_332 = arith.addi %add3A_323, %xor3A_331 : vector<16xi32>
          %shift_left3A_333 = arith.constant 26 : i32
          %shift_left3A_334 = vector.broadcast %shift_left3A_333 : i32 to vector<16xi32>
          %shift_left3A_335 = arith.shli %xor3A_331, %shift_left3A_334 : vector<16xi32>
          %shift_right_logical3A_336 = arith.constant 6 : i32
          %shift_right_logical3A_337 = vector.broadcast %shift_right_logical3A_336 : i32 to vector<16xi32>
          %shift_right_logical3A_338 = arith.shrui %xor3A_331, %shift_right_logical3A_337 : vector<16xi32>
          %or3A_339 = arith.ori %shift_left3A_335, %shift_right_logical3A_338 : vector<16xi32>
          %xor3A_340 = arith.xori %or3A_339, %add3A_332 : vector<16xi32>
          %add3A_341 = arith.addi %add3A_332, %xor3A_340 : vector<16xi32>
          %shift_left3A_342 = arith.constant 6 : i32
          %shift_left3A_343 = vector.broadcast %shift_left3A_342 : i32 to vector<16xi32>
          %shift_left3A_344 = arith.shli %xor3A_340, %shift_left3A_343 : vector<16xi32>
          %shift_right_logical3A_345 = arith.constant 26 : i32
          %shift_right_logical3A_346 = vector.broadcast %shift_right_logical3A_345 : i32 to vector<16xi32>
          %shift_right_logical3A_347 = arith.shrui %xor3A_340, %shift_right_logical3A_346 : vector<16xi32>
          %or3A_348 = arith.ori %shift_left3A_344, %shift_right_logical3A_347 : vector<16xi32>
          %xor3A_349 = arith.xori %or3A_348, %add3A_341 : vector<16xi32>
          %add3A_350 = arith.constant -1776851121 : i32
          %add3A_351 = vector.broadcast %add3A_350 : i32 to vector<16xi32>
          %add3A_352 = arith.addi %add3A_341, %add3A_351 : vector<16xi32>
          %add3A_353 = arith.constant -962582350 : i32
          %add3A_354 = vector.broadcast %add3A_353 : i32 to vector<16xi32>
          %add3A_355 = arith.addi %xor3A_349, %add3A_354 : vector<16xi32>
          %add3A_356 = arith.addi %add3A_352, %add3A_355 : vector<16xi32>
          %shift_left3A_357 = arith.constant 17 : i32
          %shift_left3A_358 = vector.broadcast %shift_left3A_357 : i32 to vector<16xi32>
          %shift_left3A_359 = arith.shli %add3A_355, %shift_left3A_358 : vector<16xi32>
          %shift_right_logical3A_360 = arith.constant 15 : i32
          %shift_right_logical3A_361 = vector.broadcast %shift_right_logical3A_360 : i32 to vector<16xi32>
          %shift_right_logical3A_362 = arith.shrui %add3A_355, %shift_right_logical3A_361 : vector<16xi32>
          %or3A_363 = arith.ori %shift_left3A_359, %shift_right_logical3A_362 : vector<16xi32>
          %xor3A_364 = arith.xori %or3A_363, %add3A_356 : vector<16xi32>
          %add3A_365 = arith.addi %add3A_356, %xor3A_364 : vector<16xi32>
          %shift_left3A_366 = arith.constant 29 : i32
          %shift_left3A_367 = vector.broadcast %shift_left3A_366 : i32 to vector<16xi32>
          %shift_left3A_368 = arith.shli %xor3A_364, %shift_left3A_367 : vector<16xi32>
          %shift_right_logical3A_369 = arith.constant 3 : i32
          %shift_right_logical3A_370 = vector.broadcast %shift_right_logical3A_369 : i32 to vector<16xi32>
          %shift_right_logical3A_371 = arith.shrui %xor3A_364, %shift_right_logical3A_370 : vector<16xi32>
          %or3A_372 = arith.ori %shift_left3A_368, %shift_right_logical3A_371 : vector<16xi32>
          %xor3A_373 = arith.xori %or3A_372, %add3A_365 : vector<16xi32>
          %add3A_374 = arith.addi %add3A_365, %xor3A_373 : vector<16xi32>
          %shift_left3A_375 = arith.constant 16 : i32
          %shift_left3A_376 = vector.broadcast %shift_left3A_375 : i32 to vector<16xi32>
          %shift_left3A_377 = arith.shli %xor3A_373, %shift_left3A_376 : vector<16xi32>
          %shift_right_logical3A_378 = arith.constant 16 : i32
          %shift_right_logical3A_379 = vector.broadcast %shift_right_logical3A_378 : i32 to vector<16xi32>
          %shift_right_logical3A_380 = arith.shrui %xor3A_373, %shift_right_logical3A_379 : vector<16xi32>
          %or3A_381 = arith.ori %shift_left3A_377, %shift_right_logical3A_380 : vector<16xi32>
          %xor3A_382 = arith.xori %or3A_381, %add3A_374 : vector<16xi32>
          %add3A_383 = arith.addi %add3A_374, %xor3A_382 : vector<16xi32>
          %shift_left3A_384 = arith.constant 24 : i32
          %shift_left3A_385 = vector.broadcast %shift_left3A_384 : i32 to vector<16xi32>
          %shift_left3A_386 = arith.shli %xor3A_382, %shift_left3A_385 : vector<16xi32>
          %shift_right_logical3A_387 = arith.constant 8 : i32
          %shift_right_logical3A_388 = vector.broadcast %shift_right_logical3A_387 : i32 to vector<16xi32>
          %shift_right_logical3A_389 = arith.shrui %xor3A_382, %shift_right_logical3A_388 : vector<16xi32>
          %or3A_390 = arith.ori %shift_left3A_386, %shift_right_logical3A_389 : vector<16xi32>
          %xor3A_391 = arith.xori %or3A_390, %add3A_383 : vector<16xi32>
          %add3A_392 = arith.constant -962582351 : i32
          %add3A_393 = vector.broadcast %add3A_392 : i32 to vector<16xi32>
          %add3A_394 = arith.addi %add3A_383, %add3A_393 : vector<16xi32>
          %add3A_395 = arith.constant 1264997414 : i32
          %add3A_396 = vector.broadcast %add3A_395 : i32 to vector<16xi32>
          %add3A_397 = arith.addi %xor3A_391, %add3A_396 : vector<16xi32>
          %add3A_398 = arith.addi %add3A_394, %add3A_397 : vector<16xi32>
          %shift_left3A_399 = arith.constant 13 : i32
          %shift_left3A_400 = vector.broadcast %shift_left3A_399 : i32 to vector<16xi32>
          %shift_left3A_401 = arith.shli %add3A_397, %shift_left3A_400 : vector<16xi32>
          %shift_right_logical3A_402 = arith.constant 19 : i32
          %shift_right_logical3A_403 = vector.broadcast %shift_right_logical3A_402 : i32 to vector<16xi32>
          %shift_right_logical3A_404 = arith.shrui %add3A_397, %shift_right_logical3A_403 : vector<16xi32>
          %or3A_405 = arith.ori %shift_left3A_401, %shift_right_logical3A_404 : vector<16xi32>
          %xor3A_406 = arith.xori %or3A_405, %add3A_398 : vector<16xi32>
          %add3A_407 = arith.addi %add3A_398, %xor3A_406 : vector<16xi32>
          %shift_left3A_408 = arith.constant 15 : i32
          %shift_left3A_409 = vector.broadcast %shift_left3A_408 : i32 to vector<16xi32>
          %shift_left3A_410 = arith.shli %xor3A_406, %shift_left3A_409 : vector<16xi32>
          %shift_right_logical3A_411 = arith.constant 17 : i32
          %shift_right_logical3A_412 = vector.broadcast %shift_right_logical3A_411 : i32 to vector<16xi32>
          %shift_right_logical3A_413 = arith.shrui %xor3A_406, %shift_right_logical3A_412 : vector<16xi32>
          %or3A_414 = arith.ori %shift_left3A_410, %shift_right_logical3A_413 : vector<16xi32>
          %xor3A_415 = arith.xori %or3A_414, %add3A_407 : vector<16xi32>
          %add3A_416 = arith.addi %add3A_407, %xor3A_415 : vector<16xi32>
          %shift_left3A_417 = arith.constant 26 : i32
          %shift_left3A_418 = vector.broadcast %shift_left3A_417 : i32 to vector<16xi32>
          %shift_left3A_419 = arith.shli %xor3A_415, %shift_left3A_418 : vector<16xi32>
          %shift_right_logical3A_420 = arith.constant 6 : i32
          %shift_right_logical3A_421 = vector.broadcast %shift_right_logical3A_420 : i32 to vector<16xi32>
          %shift_right_logical3A_422 = arith.shrui %xor3A_415, %shift_right_logical3A_421 : vector<16xi32>
          %or3A_423 = arith.ori %shift_left3A_419, %shift_right_logical3A_422 : vector<16xi32>
          %xor3A_424 = arith.xori %or3A_423, %add3A_416 : vector<16xi32>
          %add3A_425 = arith.addi %add3A_416, %xor3A_424 : vector<16xi32>
          %shift_left3A_426 = arith.constant 6 : i32
          %shift_left3A_427 = vector.broadcast %shift_left3A_426 : i32 to vector<16xi32>
          %shift_left3A_428 = arith.shli %xor3A_424, %shift_left3A_427 : vector<16xi32>
          %shift_right_logical3A_429 = arith.constant 26 : i32
          %shift_right_logical3A_430 = vector.broadcast %shift_right_logical3A_429 : i32 to vector<16xi32>
          %shift_right_logical3A_431 = arith.shrui %xor3A_424, %shift_right_logical3A_430 : vector<16xi32>
          %or3A_432 = arith.ori %shift_left3A_428, %shift_right_logical3A_431 : vector<16xi32>
          %xor3A_433 = arith.xori %or3A_432, %add3A_425 : vector<16xi32>
          %add3A_434 = arith.constant 1264997412 : i32
          %add3A_435 = vector.broadcast %add3A_434 : i32 to vector<16xi32>
          %add3A_436 = arith.addi %add3A_425, %add3A_435 : vector<16xi32>
          %add3A_437 = arith.constant -1776851118 : i32
          %add3A_438 = vector.broadcast %add3A_437 : i32 to vector<16xi32>
          %add3A_439 = arith.addi %xor3A_433, %add3A_438 : vector<16xi32>
          %add3A_440 = arith.addi %add3A_436, %add3A_439 : vector<16xi32>
          %shift_left3A_441 = arith.constant 17 : i32
          %shift_left3A_442 = vector.broadcast %shift_left3A_441 : i32 to vector<16xi32>
          %shift_left3A_443 = arith.shli %add3A_439, %shift_left3A_442 : vector<16xi32>
          %shift_right_logical3A_444 = arith.constant 15 : i32
          %shift_right_logical3A_445 = vector.broadcast %shift_right_logical3A_444 : i32 to vector<16xi32>
          %shift_right_logical3A_446 = arith.shrui %add3A_439, %shift_right_logical3A_445 : vector<16xi32>
          %or3A_447 = arith.ori %shift_left3A_443, %shift_right_logical3A_446 : vector<16xi32>
          %xor3A_448 = arith.xori %or3A_447, %add3A_440 : vector<16xi32>
          %add3A_449 = arith.addi %add3A_440, %xor3A_448 : vector<16xi32>
          %shift_left3A_450 = arith.constant 29 : i32
          %shift_left3A_451 = vector.broadcast %shift_left3A_450 : i32 to vector<16xi32>
          %shift_left3A_452 = arith.shli %xor3A_448, %shift_left3A_451 : vector<16xi32>
          %shift_right_logical3A_453 = arith.constant 3 : i32
          %shift_right_logical3A_454 = vector.broadcast %shift_right_logical3A_453 : i32 to vector<16xi32>
          %shift_right_logical3A_455 = arith.shrui %xor3A_448, %shift_right_logical3A_454 : vector<16xi32>
          %or3A_456 = arith.ori %shift_left3A_452, %shift_right_logical3A_455 : vector<16xi32>
          %xor3A_457 = arith.xori %or3A_456, %add3A_449 : vector<16xi32>
          %add3A_458 = arith.addi %add3A_449, %xor3A_457 : vector<16xi32>
          %shift_left3A_459 = arith.constant 16 : i32
          %shift_left3A_460 = vector.broadcast %shift_left3A_459 : i32 to vector<16xi32>
          %shift_left3A_461 = arith.shli %xor3A_457, %shift_left3A_460 : vector<16xi32>
          %shift_right_logical3A_462 = arith.constant 16 : i32
          %shift_right_logical3A_463 = vector.broadcast %shift_right_logical3A_462 : i32 to vector<16xi32>
          %shift_right_logical3A_464 = arith.shrui %xor3A_457, %shift_right_logical3A_463 : vector<16xi32>
          %or3A_465 = arith.ori %shift_left3A_461, %shift_right_logical3A_464 : vector<16xi32>
          %xor3A_466 = arith.xori %or3A_465, %add3A_458 : vector<16xi32>
          %add3A_467 = arith.addi %add3A_458, %xor3A_466 : vector<16xi32>
          %shift_left3A_468 = arith.constant 24 : i32
          %shift_left3A_469 = vector.broadcast %shift_left3A_468 : i32 to vector<16xi32>
          %shift_left3A_470 = arith.shli %xor3A_466, %shift_left3A_469 : vector<16xi32>
          %shift_right_logical3A_471 = arith.constant 8 : i32
          %shift_right_logical3A_472 = vector.broadcast %shift_right_logical3A_471 : i32 to vector<16xi32>
          %shift_right_logical3A_473 = arith.shrui %xor3A_466, %shift_right_logical3A_472 : vector<16xi32>
          %or3A_474 = arith.ori %shift_left3A_470, %shift_right_logical3A_473 : vector<16xi32>
          %xor3A_475 = arith.xori %or3A_474, %add3A_467 : vector<16xi32>
          %add3A_476 = arith.constant -1776851121 : i32
          %add3A_477 = vector.broadcast %add3A_476 : i32 to vector<16xi32>
          %add3A_478 = arith.addi %add3A_467, %add3A_477 : vector<16xi32>
          %add3A_479 = arith.constant -962582347 : i32
          %add3A_480 = vector.broadcast %add3A_479 : i32 to vector<16xi32>
          %add3A_481 = arith.addi %xor3A_475, %add3A_480 : vector<16xi32>
          %add3A_482 = arith.addi %add3A_478, %add3A_481 : vector<16xi32>
          %shift_left3A_483 = arith.constant 13 : i32
          %shift_left3A_484 = vector.broadcast %shift_left3A_483 : i32 to vector<16xi32>
          %shift_left3A_485 = arith.shli %add3A_481, %shift_left3A_484 : vector<16xi32>
          %shift_right_logical3A_486 = arith.constant 19 : i32
          %shift_right_logical3A_487 = vector.broadcast %shift_right_logical3A_486 : i32 to vector<16xi32>
          %shift_right_logical3A_488 = arith.shrui %add3A_481, %shift_right_logical3A_487 : vector<16xi32>
          %or3A_489 = arith.ori %shift_left3A_485, %shift_right_logical3A_488 : vector<16xi32>
          %xor3A_490 = arith.xori %or3A_489, %add3A_482 : vector<16xi32>
          %add3A_491 = arith.addi %add3A_482, %xor3A_490 : vector<16xi32>
          %shift_left3A_492 = arith.constant 15 : i32
          %shift_left3A_493 = vector.broadcast %shift_left3A_492 : i32 to vector<16xi32>
          %shift_left3A_494 = arith.shli %xor3A_490, %shift_left3A_493 : vector<16xi32>
          %shift_right_logical3A_495 = arith.constant 17 : i32
          %shift_right_logical3A_496 = vector.broadcast %shift_right_logical3A_495 : i32 to vector<16xi32>
          %shift_right_logical3A_497 = arith.shrui %xor3A_490, %shift_right_logical3A_496 : vector<16xi32>
          %or3A_498 = arith.ori %shift_left3A_494, %shift_right_logical3A_497 : vector<16xi32>
          %xor3A_499 = arith.xori %or3A_498, %add3A_491 : vector<16xi32>
          %add3A_500 = arith.addi %add3A_491, %xor3A_499 : vector<16xi32>
          %shift_left3A_501 = arith.constant 26 : i32
          %shift_left3A_502 = vector.broadcast %shift_left3A_501 : i32 to vector<16xi32>
          %shift_left3A_503 = arith.shli %xor3A_499, %shift_left3A_502 : vector<16xi32>
          %shift_right_logical3A_504 = arith.constant 6 : i32
          %shift_right_logical3A_505 = vector.broadcast %shift_right_logical3A_504 : i32 to vector<16xi32>
          %shift_right_logical3A_506 = arith.shrui %xor3A_499, %shift_right_logical3A_505 : vector<16xi32>
          %or3A_507 = arith.ori %shift_left3A_503, %shift_right_logical3A_506 : vector<16xi32>
          %xor3A_508 = arith.xori %or3A_507, %add3A_500 : vector<16xi32>
          %add3A_509 = arith.addi %add3A_500, %xor3A_508 : vector<16xi32>
          %shift_left3A_510 = arith.constant 6 : i32
          %shift_left3A_511 = vector.broadcast %shift_left3A_510 : i32 to vector<16xi32>
          %shift_left3A_512 = arith.shli %xor3A_508, %shift_left3A_511 : vector<16xi32>
          %shift_right_logical3A_513 = arith.constant 26 : i32
          %shift_right_logical3A_514 = vector.broadcast %shift_right_logical3A_513 : i32 to vector<16xi32>
          %shift_right_logical3A_515 = arith.shrui %xor3A_508, %shift_right_logical3A_514 : vector<16xi32>
          %or3A_516 = arith.ori %shift_left3A_512, %shift_right_logical3A_515 : vector<16xi32>
          %xor3A_517 = arith.xori %or3A_516, %add3A_509 : vector<16xi32>
          %add3A_518 = arith.constant -962582351 : i32
          %add3A_519 = vector.broadcast %add3A_518 : i32 to vector<16xi32>
          %add3A_520 = arith.addi %add3A_509, %add3A_519 : vector<16xi32>
          %add3A_521 = arith.constant 1264997417 : i32
          %add3A_522 = vector.broadcast %add3A_521 : i32 to vector<16xi32>
          %add3A_523 = arith.addi %xor3A_517, %add3A_522 : vector<16xi32>
          %xor3A_524 = arith.xori %add3A_520, %add3A_523 : vector<16xi32>
          %shift_right_logical3A_525 = arith.constant 9 : i32
          %shift_right_logical3A_526 = vector.broadcast %shift_right_logical3A_525 : i32 to vector<16xi32>
          %shift_right_logical3A_527 = arith.shrui %xor3A_524, %shift_right_logical3A_526 : vector<16xi32>
          %add3A_528 = arith.constant 2 : i32
          %add3A_529 = vector.broadcast %add3A_528 : i32 to vector<16xi32>
          %add3A_530 = arith.addi %add3A_84, %add3A_529 : vector<16xi32>
          %add3A_531 = arith.constant -1776851121 : i32
          %add3A_532 = vector.broadcast %add3A_531 : i32 to vector<16xi32>
          %add3A_533 = arith.addi %add3A_530, %add3A_532 : vector<16xi32>
          %add3A_534 = arith.constant 1264997412 : i32
          %add3A_535 = vector.broadcast %add3A_534 : i32 to vector<16xi32>
          %add3A_536 = arith.addi %add3A_535, %add3A_533 : vector<16xi32>
          %shift_left3A_537 = arith.constant 13 : i32
          %shift_left3A_538 = vector.broadcast %shift_left3A_537 : i32 to vector<16xi32>
          %shift_left3A_539 = arith.shli %add3A_533, %shift_left3A_538 : vector<16xi32>
          %shift_right_logical3A_540 = arith.constant 19 : i32
          %shift_right_logical3A_541 = vector.broadcast %shift_right_logical3A_540 : i32 to vector<16xi32>
          %shift_right_logical3A_542 = arith.shrui %add3A_533, %shift_right_logical3A_541 : vector<16xi32>
          %or3A_543 = arith.ori %shift_left3A_539, %shift_right_logical3A_542 : vector<16xi32>
          %xor3A_544 = arith.xori %or3A_543, %add3A_536 : vector<16xi32>
          %add3A_545 = arith.addi %add3A_536, %xor3A_544 : vector<16xi32>
          %shift_left3A_546 = arith.constant 15 : i32
          %shift_left3A_547 = vector.broadcast %shift_left3A_546 : i32 to vector<16xi32>
          %shift_left3A_548 = arith.shli %xor3A_544, %shift_left3A_547 : vector<16xi32>
          %shift_right_logical3A_549 = arith.constant 17 : i32
          %shift_right_logical3A_550 = vector.broadcast %shift_right_logical3A_549 : i32 to vector<16xi32>
          %shift_right_logical3A_551 = arith.shrui %xor3A_544, %shift_right_logical3A_550 : vector<16xi32>
          %or3A_552 = arith.ori %shift_left3A_548, %shift_right_logical3A_551 : vector<16xi32>
          %xor3A_553 = arith.xori %or3A_552, %add3A_545 : vector<16xi32>
          %add3A_554 = arith.addi %add3A_545, %xor3A_553 : vector<16xi32>
          %shift_left3A_555 = arith.constant 26 : i32
          %shift_left3A_556 = vector.broadcast %shift_left3A_555 : i32 to vector<16xi32>
          %shift_left3A_557 = arith.shli %xor3A_553, %shift_left3A_556 : vector<16xi32>
          %shift_right_logical3A_558 = arith.constant 6 : i32
          %shift_right_logical3A_559 = vector.broadcast %shift_right_logical3A_558 : i32 to vector<16xi32>
          %shift_right_logical3A_560 = arith.shrui %xor3A_553, %shift_right_logical3A_559 : vector<16xi32>
          %or3A_561 = arith.ori %shift_left3A_557, %shift_right_logical3A_560 : vector<16xi32>
          %xor3A_562 = arith.xori %or3A_561, %add3A_554 : vector<16xi32>
          %add3A_563 = arith.addi %add3A_554, %xor3A_562 : vector<16xi32>
          %shift_left3A_564 = arith.constant 6 : i32
          %shift_left3A_565 = vector.broadcast %shift_left3A_564 : i32 to vector<16xi32>
          %shift_left3A_566 = arith.shli %xor3A_562, %shift_left3A_565 : vector<16xi32>
          %shift_right_logical3A_567 = arith.constant 26 : i32
          %shift_right_logical3A_568 = vector.broadcast %shift_right_logical3A_567 : i32 to vector<16xi32>
          %shift_right_logical3A_569 = arith.shrui %xor3A_562, %shift_right_logical3A_568 : vector<16xi32>
          %or3A_570 = arith.ori %shift_left3A_566, %shift_right_logical3A_569 : vector<16xi32>
          %xor3A_571 = arith.xori %or3A_570, %add3A_563 : vector<16xi32>
          %add3A_572 = arith.constant -1776851121 : i32
          %add3A_573 = vector.broadcast %add3A_572 : i32 to vector<16xi32>
          %add3A_574 = arith.addi %add3A_563, %add3A_573 : vector<16xi32>
          %add3A_575 = arith.constant -962582350 : i32
          %add3A_576 = vector.broadcast %add3A_575 : i32 to vector<16xi32>
          %add3A_577 = arith.addi %xor3A_571, %add3A_576 : vector<16xi32>
          %add3A_578 = arith.addi %add3A_574, %add3A_577 : vector<16xi32>
          %shift_left3A_579 = arith.constant 17 : i32
          %shift_left3A_580 = vector.broadcast %shift_left3A_579 : i32 to vector<16xi32>
          %shift_left3A_581 = arith.shli %add3A_577, %shift_left3A_580 : vector<16xi32>
          %shift_right_logical3A_582 = arith.constant 15 : i32
          %shift_right_logical3A_583 = vector.broadcast %shift_right_logical3A_582 : i32 to vector<16xi32>
          %shift_right_logical3A_584 = arith.shrui %add3A_577, %shift_right_logical3A_583 : vector<16xi32>
          %or3A_585 = arith.ori %shift_left3A_581, %shift_right_logical3A_584 : vector<16xi32>
          %xor3A_586 = arith.xori %or3A_585, %add3A_578 : vector<16xi32>
          %add3A_587 = arith.addi %add3A_578, %xor3A_586 : vector<16xi32>
          %shift_left3A_588 = arith.constant 29 : i32
          %shift_left3A_589 = vector.broadcast %shift_left3A_588 : i32 to vector<16xi32>
          %shift_left3A_590 = arith.shli %xor3A_586, %shift_left3A_589 : vector<16xi32>
          %shift_right_logical3A_591 = arith.constant 3 : i32
          %shift_right_logical3A_592 = vector.broadcast %shift_right_logical3A_591 : i32 to vector<16xi32>
          %shift_right_logical3A_593 = arith.shrui %xor3A_586, %shift_right_logical3A_592 : vector<16xi32>
          %or3A_594 = arith.ori %shift_left3A_590, %shift_right_logical3A_593 : vector<16xi32>
          %xor3A_595 = arith.xori %or3A_594, %add3A_587 : vector<16xi32>
          %add3A_596 = arith.addi %add3A_587, %xor3A_595 : vector<16xi32>
          %shift_left3A_597 = arith.constant 16 : i32
          %shift_left3A_598 = vector.broadcast %shift_left3A_597 : i32 to vector<16xi32>
          %shift_left3A_599 = arith.shli %xor3A_595, %shift_left3A_598 : vector<16xi32>
          %shift_right_logical3A_600 = arith.constant 16 : i32
          %shift_right_logical3A_601 = vector.broadcast %shift_right_logical3A_600 : i32 to vector<16xi32>
          %shift_right_logical3A_602 = arith.shrui %xor3A_595, %shift_right_logical3A_601 : vector<16xi32>
          %or3A_603 = arith.ori %shift_left3A_599, %shift_right_logical3A_602 : vector<16xi32>
          %xor3A_604 = arith.xori %or3A_603, %add3A_596 : vector<16xi32>
          %add3A_605 = arith.addi %add3A_596, %xor3A_604 : vector<16xi32>
          %shift_left3A_606 = arith.constant 24 : i32
          %shift_left3A_607 = vector.broadcast %shift_left3A_606 : i32 to vector<16xi32>
          %shift_left3A_608 = arith.shli %xor3A_604, %shift_left3A_607 : vector<16xi32>
          %shift_right_logical3A_609 = arith.constant 8 : i32
          %shift_right_logical3A_610 = vector.broadcast %shift_right_logical3A_609 : i32 to vector<16xi32>
          %shift_right_logical3A_611 = arith.shrui %xor3A_604, %shift_right_logical3A_610 : vector<16xi32>
          %or3A_612 = arith.ori %shift_left3A_608, %shift_right_logical3A_611 : vector<16xi32>
          %xor3A_613 = arith.xori %or3A_612, %add3A_605 : vector<16xi32>
          %add3A_614 = arith.constant -962582351 : i32
          %add3A_615 = vector.broadcast %add3A_614 : i32 to vector<16xi32>
          %add3A_616 = arith.addi %add3A_605, %add3A_615 : vector<16xi32>
          %add3A_617 = arith.constant 1264997414 : i32
          %add3A_618 = vector.broadcast %add3A_617 : i32 to vector<16xi32>
          %add3A_619 = arith.addi %xor3A_613, %add3A_618 : vector<16xi32>
          %add3A_620 = arith.addi %add3A_616, %add3A_619 : vector<16xi32>
          %shift_left3A_621 = arith.constant 13 : i32
          %shift_left3A_622 = vector.broadcast %shift_left3A_621 : i32 to vector<16xi32>
          %shift_left3A_623 = arith.shli %add3A_619, %shift_left3A_622 : vector<16xi32>
          %shift_right_logical3A_624 = arith.constant 19 : i32
          %shift_right_logical3A_625 = vector.broadcast %shift_right_logical3A_624 : i32 to vector<16xi32>
          %shift_right_logical3A_626 = arith.shrui %add3A_619, %shift_right_logical3A_625 : vector<16xi32>
          %or3A_627 = arith.ori %shift_left3A_623, %shift_right_logical3A_626 : vector<16xi32>
          %xor3A_628 = arith.xori %or3A_627, %add3A_620 : vector<16xi32>
          %add3A_629 = arith.addi %add3A_620, %xor3A_628 : vector<16xi32>
          %shift_left3A_630 = arith.constant 15 : i32
          %shift_left3A_631 = vector.broadcast %shift_left3A_630 : i32 to vector<16xi32>
          %shift_left3A_632 = arith.shli %xor3A_628, %shift_left3A_631 : vector<16xi32>
          %shift_right_logical3A_633 = arith.constant 17 : i32
          %shift_right_logical3A_634 = vector.broadcast %shift_right_logical3A_633 : i32 to vector<16xi32>
          %shift_right_logical3A_635 = arith.shrui %xor3A_628, %shift_right_logical3A_634 : vector<16xi32>
          %or3A_636 = arith.ori %shift_left3A_632, %shift_right_logical3A_635 : vector<16xi32>
          %xor3A_637 = arith.xori %or3A_636, %add3A_629 : vector<16xi32>
          %add3A_638 = arith.addi %add3A_629, %xor3A_637 : vector<16xi32>
          %shift_left3A_639 = arith.constant 26 : i32
          %shift_left3A_640 = vector.broadcast %shift_left3A_639 : i32 to vector<16xi32>
          %shift_left3A_641 = arith.shli %xor3A_637, %shift_left3A_640 : vector<16xi32>
          %shift_right_logical3A_642 = arith.constant 6 : i32
          %shift_right_logical3A_643 = vector.broadcast %shift_right_logical3A_642 : i32 to vector<16xi32>
          %shift_right_logical3A_644 = arith.shrui %xor3A_637, %shift_right_logical3A_643 : vector<16xi32>
          %or3A_645 = arith.ori %shift_left3A_641, %shift_right_logical3A_644 : vector<16xi32>
          %xor3A_646 = arith.xori %or3A_645, %add3A_638 : vector<16xi32>
          %add3A_647 = arith.addi %add3A_638, %xor3A_646 : vector<16xi32>
          %shift_left3A_648 = arith.constant 6 : i32
          %shift_left3A_649 = vector.broadcast %shift_left3A_648 : i32 to vector<16xi32>
          %shift_left3A_650 = arith.shli %xor3A_646, %shift_left3A_649 : vector<16xi32>
          %shift_right_logical3A_651 = arith.constant 26 : i32
          %shift_right_logical3A_652 = vector.broadcast %shift_right_logical3A_651 : i32 to vector<16xi32>
          %shift_right_logical3A_653 = arith.shrui %xor3A_646, %shift_right_logical3A_652 : vector<16xi32>
          %or3A_654 = arith.ori %shift_left3A_650, %shift_right_logical3A_653 : vector<16xi32>
          %xor3A_655 = arith.xori %or3A_654, %add3A_647 : vector<16xi32>
          %add3A_656 = arith.constant 1264997412 : i32
          %add3A_657 = vector.broadcast %add3A_656 : i32 to vector<16xi32>
          %add3A_658 = arith.addi %add3A_647, %add3A_657 : vector<16xi32>
          %add3A_659 = arith.constant -1776851118 : i32
          %add3A_660 = vector.broadcast %add3A_659 : i32 to vector<16xi32>
          %add3A_661 = arith.addi %xor3A_655, %add3A_660 : vector<16xi32>
          %add3A_662 = arith.addi %add3A_658, %add3A_661 : vector<16xi32>
          %shift_left3A_663 = arith.constant 17 : i32
          %shift_left3A_664 = vector.broadcast %shift_left3A_663 : i32 to vector<16xi32>
          %shift_left3A_665 = arith.shli %add3A_661, %shift_left3A_664 : vector<16xi32>
          %shift_right_logical3A_666 = arith.constant 15 : i32
          %shift_right_logical3A_667 = vector.broadcast %shift_right_logical3A_666 : i32 to vector<16xi32>
          %shift_right_logical3A_668 = arith.shrui %add3A_661, %shift_right_logical3A_667 : vector<16xi32>
          %or3A_669 = arith.ori %shift_left3A_665, %shift_right_logical3A_668 : vector<16xi32>
          %xor3A_670 = arith.xori %or3A_669, %add3A_662 : vector<16xi32>
          %add3A_671 = arith.addi %add3A_662, %xor3A_670 : vector<16xi32>
          %shift_left3A_672 = arith.constant 29 : i32
          %shift_left3A_673 = vector.broadcast %shift_left3A_672 : i32 to vector<16xi32>
          %shift_left3A_674 = arith.shli %xor3A_670, %shift_left3A_673 : vector<16xi32>
          %shift_right_logical3A_675 = arith.constant 3 : i32
          %shift_right_logical3A_676 = vector.broadcast %shift_right_logical3A_675 : i32 to vector<16xi32>
          %shift_right_logical3A_677 = arith.shrui %xor3A_670, %shift_right_logical3A_676 : vector<16xi32>
          %or3A_678 = arith.ori %shift_left3A_674, %shift_right_logical3A_677 : vector<16xi32>
          %xor3A_679 = arith.xori %or3A_678, %add3A_671 : vector<16xi32>
          %add3A_680 = arith.addi %add3A_671, %xor3A_679 : vector<16xi32>
          %shift_left3A_681 = arith.constant 16 : i32
          %shift_left3A_682 = vector.broadcast %shift_left3A_681 : i32 to vector<16xi32>
          %shift_left3A_683 = arith.shli %xor3A_679, %shift_left3A_682 : vector<16xi32>
          %shift_right_logical3A_684 = arith.constant 16 : i32
          %shift_right_logical3A_685 = vector.broadcast %shift_right_logical3A_684 : i32 to vector<16xi32>
          %shift_right_logical3A_686 = arith.shrui %xor3A_679, %shift_right_logical3A_685 : vector<16xi32>
          %or3A_687 = arith.ori %shift_left3A_683, %shift_right_logical3A_686 : vector<16xi32>
          %xor3A_688 = arith.xori %or3A_687, %add3A_680 : vector<16xi32>
          %add3A_689 = arith.addi %add3A_680, %xor3A_688 : vector<16xi32>
          %shift_left3A_690 = arith.constant 24 : i32
          %shift_left3A_691 = vector.broadcast %shift_left3A_690 : i32 to vector<16xi32>
          %shift_left3A_692 = arith.shli %xor3A_688, %shift_left3A_691 : vector<16xi32>
          %shift_right_logical3A_693 = arith.constant 8 : i32
          %shift_right_logical3A_694 = vector.broadcast %shift_right_logical3A_693 : i32 to vector<16xi32>
          %shift_right_logical3A_695 = arith.shrui %xor3A_688, %shift_right_logical3A_694 : vector<16xi32>
          %or3A_696 = arith.ori %shift_left3A_692, %shift_right_logical3A_695 : vector<16xi32>
          %xor3A_697 = arith.xori %or3A_696, %add3A_689 : vector<16xi32>
          %add3A_698 = arith.constant -1776851121 : i32
          %add3A_699 = vector.broadcast %add3A_698 : i32 to vector<16xi32>
          %add3A_700 = arith.addi %add3A_689, %add3A_699 : vector<16xi32>
          %add3A_701 = arith.constant -962582347 : i32
          %add3A_702 = vector.broadcast %add3A_701 : i32 to vector<16xi32>
          %add3A_703 = arith.addi %xor3A_697, %add3A_702 : vector<16xi32>
          %add3A_704 = arith.addi %add3A_700, %add3A_703 : vector<16xi32>
          %shift_left3A_705 = arith.constant 13 : i32
          %shift_left3A_706 = vector.broadcast %shift_left3A_705 : i32 to vector<16xi32>
          %shift_left3A_707 = arith.shli %add3A_703, %shift_left3A_706 : vector<16xi32>
          %shift_right_logical3A_708 = arith.constant 19 : i32
          %shift_right_logical3A_709 = vector.broadcast %shift_right_logical3A_708 : i32 to vector<16xi32>
          %shift_right_logical3A_710 = arith.shrui %add3A_703, %shift_right_logical3A_709 : vector<16xi32>
          %or3A_711 = arith.ori %shift_left3A_707, %shift_right_logical3A_710 : vector<16xi32>
          %xor3A_712 = arith.xori %or3A_711, %add3A_704 : vector<16xi32>
          %add3A_713 = arith.addi %add3A_704, %xor3A_712 : vector<16xi32>
          %shift_left3A_714 = arith.constant 15 : i32
          %shift_left3A_715 = vector.broadcast %shift_left3A_714 : i32 to vector<16xi32>
          %shift_left3A_716 = arith.shli %xor3A_712, %shift_left3A_715 : vector<16xi32>
          %shift_right_logical3A_717 = arith.constant 17 : i32
          %shift_right_logical3A_718 = vector.broadcast %shift_right_logical3A_717 : i32 to vector<16xi32>
          %shift_right_logical3A_719 = arith.shrui %xor3A_712, %shift_right_logical3A_718 : vector<16xi32>
          %or3A_720 = arith.ori %shift_left3A_716, %shift_right_logical3A_719 : vector<16xi32>
          %xor3A_721 = arith.xori %or3A_720, %add3A_713 : vector<16xi32>
          %add3A_722 = arith.addi %add3A_713, %xor3A_721 : vector<16xi32>
          %shift_left3A_723 = arith.constant 26 : i32
          %shift_left3A_724 = vector.broadcast %shift_left3A_723 : i32 to vector<16xi32>
          %shift_left3A_725 = arith.shli %xor3A_721, %shift_left3A_724 : vector<16xi32>
          %shift_right_logical3A_726 = arith.constant 6 : i32
          %shift_right_logical3A_727 = vector.broadcast %shift_right_logical3A_726 : i32 to vector<16xi32>
          %shift_right_logical3A_728 = arith.shrui %xor3A_721, %shift_right_logical3A_727 : vector<16xi32>
          %or3A_729 = arith.ori %shift_left3A_725, %shift_right_logical3A_728 : vector<16xi32>
          %xor3A_730 = arith.xori %or3A_729, %add3A_722 : vector<16xi32>
          %add3A_731 = arith.addi %add3A_722, %xor3A_730 : vector<16xi32>
          %shift_left3A_732 = arith.constant 6 : i32
          %shift_left3A_733 = vector.broadcast %shift_left3A_732 : i32 to vector<16xi32>
          %shift_left3A_734 = arith.shli %xor3A_730, %shift_left3A_733 : vector<16xi32>
          %shift_right_logical3A_735 = arith.constant 26 : i32
          %shift_right_logical3A_736 = vector.broadcast %shift_right_logical3A_735 : i32 to vector<16xi32>
          %shift_right_logical3A_737 = arith.shrui %xor3A_730, %shift_right_logical3A_736 : vector<16xi32>
          %or3A_738 = arith.ori %shift_left3A_734, %shift_right_logical3A_737 : vector<16xi32>
          %xor3A_739 = arith.xori %or3A_738, %add3A_731 : vector<16xi32>
          %add3A_740 = arith.constant -962582351 : i32
          %add3A_741 = vector.broadcast %add3A_740 : i32 to vector<16xi32>
          %add3A_742 = arith.addi %add3A_731, %add3A_741 : vector<16xi32>
          %add3A_743 = arith.constant 1264997417 : i32
          %add3A_744 = vector.broadcast %add3A_743 : i32 to vector<16xi32>
          %add3A_745 = arith.addi %xor3A_739, %add3A_744 : vector<16xi32>
          %xor3A_746 = arith.xori %add3A_742, %add3A_745 : vector<16xi32>
          %shift_right_logical3A_747 = arith.constant 9 : i32
          %shift_right_logical3A_748 = vector.broadcast %shift_right_logical3A_747 : i32 to vector<16xi32>
          %shift_right_logical3A_749 = arith.shrui %xor3A_746, %shift_right_logical3A_748 : vector<16xi32>
          %gt3A = arith.cmpi sgt, %shift_right_logical3A_527, %shift_right_logical3A_305 : vector<16xi32>
          %max3A = arith.maxsi %shift_right_logical3A_305, %shift_right_logical3A_527 : vector<16xi32>
          %gt3A_750 = arith.cmpi sgt, %shift_right_logical3A_749, %max3A : vector<16xi32>
          %or3A_751 = arith.ori %gt3A, %gt3A_750 : vector<16xi1>
          %sub3A = arith.constant 1.000000e+00 : f32
          %sub3A_752 = vector.broadcast %sub3A : f32 to vector<16xf32>
          %sub3A_753 = arith.subf %sub3A_752, %get3A_90 : vector<16xf32>
          %select_n3A_754 = arith.select %gt3A_750, %sub3A_753, %get3A_90 : vector<16xi1>, vector<16xf32>
          %jit3A = arith.constant 1.000000e+01 : f32
          %broadcast_in_dim3A_755 = vector.broadcast %jit3A : f32 to vector<16xf32>
          %select_n3A_756 = arith.select %or3A_751, %select_n3A_754, %broadcast_in_dim3A_755 : vector<16xi1>, vector<16xf32>
          %min3A = arith.minimumf %get3A_75, %select_n3A_756 : vector<16xf32>
          %jit3A_757 = arith.constant -1.000000e+01 : f32
          %broadcast_in_dim3A_758 = vector.broadcast %jit3A_757 : f32 to vector<16xf32>
          %select_n3A_759 = arith.select %or3A_751, %select_n3A_754, %broadcast_in_dim3A_758 : vector<16xi1>, vector<16xf32>
          %max3A_760 = arith.maximumf %get3A_78, %select_n3A_759 : vector<16xf32>
          %add3A_761 = arith.constant 1 : i32
          %add3A_762 = arith.addi %add3A_72, %add3A_761 : i32
          %mul3A_763 = arith.constant 3 : i32
          %mul3A_764 = arith.muli %add3A_762, %mul3A_763 : i32
          %add3A_765 = vector.broadcast %mul3A_764 : i32 to vector<16xi32>
          %add3A_766 = arith.addi %add3A_35, %add3A_765 : vector<16xi32>
          %add3A_767 = arith.constant 1 : i32
          %add3A_768 = arith.addi %add3A_72, %add3A_767 : i32
          %get3A_769 = arith.index_cast %add3A_768 : i32 to index
          %get3A_770 = arith.constant 0 : index
          %get3A_771 = tpu.vector_load %arg5[%get3A_769, %get3A_770] {strides = array<i32>} : memref<128x16xf32, #tpu.memory_space<vmem>>, vector<1x16xf32>,
          %get3A_772 = vector.shape_cast %get3A_771 : vector<1x16xf32> to vector<16xf32>
          %add3A_773 = arith.constant -1776851121 : i32
          %add3A_774 = vector.broadcast %add3A_773 : i32 to vector<16xi32>
          %add3A_775 = arith.addi %add3A_766, %add3A_774 : vector<16xi32>
          %add3A_776 = arith.constant 1264997412 : i32
          %add3A_777 = vector.broadcast %add3A_776 : i32 to vector<16xi32>
          %add3A_778 = arith.addi %add3A_777, %add3A_775 : vector<16xi32>
          %shift_left3A_779 = arith.constant 13 : i32
          %shift_left3A_780 = vector.broadcast %shift_left3A_779 : i32 to vector<16xi32>
          %shift_left3A_781 = arith.shli %add3A_775, %shift_left3A_780 : vector<16xi32>
          %shift_right_logical3A_782 = arith.constant 19 : i32
          %shift_right_logical3A_783 = vector.broadcast %shift_right_logical3A_782 : i32 to vector<16xi32>
          %shift_right_logical3A_784 = arith.shrui %add3A_775, %shift_right_logical3A_783 : vector<16xi32>
          %or3A_785 = arith.ori %shift_left3A_781, %shift_right_logical3A_784 : vector<16xi32>
          %xor3A_786 = arith.xori %or3A_785, %add3A_778 : vector<16xi32>
          %add3A_787 = arith.addi %add3A_778, %xor3A_786 : vector<16xi32>
          %shift_left3A_788 = arith.constant 15 : i32
          %shift_left3A_789 = vector.broadcast %shift_left3A_788 : i32 to vector<16xi32>
          %shift_left3A_790 = arith.shli %xor3A_786, %shift_left3A_789 : vector<16xi32>
          %shift_right_logical3A_791 = arith.constant 17 : i32
          %shift_right_logical3A_792 = vector.broadcast %shift_right_logical3A_791 : i32 to vector<16xi32>
          %shift_right_logical3A_793 = arith.shrui %xor3A_786, %shift_right_logical3A_792 : vector<16xi32>
          %or3A_794 = arith.ori %shift_left3A_790, %shift_right_logical3A_793 : vector<16xi32>
          %xor3A_795 = arith.xori %or3A_794, %add3A_787 : vector<16xi32>
          %add3A_796 = arith.addi %add3A_787, %xor3A_795 : vector<16xi32>
          %shift_left3A_797 = arith.constant 26 : i32
          %shift_left3A_798 = vector.broadcast %shift_left3A_797 : i32 to vector<16xi32>
          %shift_left3A_799 = arith.shli %xor3A_795, %shift_left3A_798 : vector<16xi32>
          %shift_right_logical3A_800 = arith.constant 6 : i32
          %shift_right_logical3A_801 = vector.broadcast %shift_right_logical3A_800 : i32 to vector<16xi32>
          %shift_right_logical3A_802 = arith.shrui %xor3A_795, %shift_right_logical3A_801 : vector<16xi32>
          %or3A_803 = arith.ori %shift_left3A_799, %shift_right_logical3A_802 : vector<16xi32>
          %xor3A_804 = arith.xori %or3A_803, %add3A_796 : vector<16xi32>
          %add3A_805 = arith.addi %add3A_796, %xor3A_804 : vector<16xi32>
          %shift_left3A_806 = arith.constant 6 : i32
          %shift_left3A_807 = vector.broadcast %shift_left3A_806 : i32 to vector<16xi32>
          %shift_left3A_808 = arith.shli %xor3A_804, %shift_left3A_807 : vector<16xi32>
          %shift_right_logical3A_809 = arith.constant 26 : i32
          %shift_right_logical3A_810 = vector.broadcast %shift_right_logical3A_809 : i32 to vector<16xi32>
          %shift_right_logical3A_811 = arith.shrui %xor3A_804, %shift_right_logical3A_810 : vector<16xi32>
          %or3A_812 = arith.ori %shift_left3A_808, %shift_right_logical3A_811 : vector<16xi32>
          %xor3A_813 = arith.xori %or3A_812, %add3A_805 : vector<16xi32>
          %add3A_814 = arith.constant -1776851121 : i32
          %add3A_815 = vector.broadcast %add3A_814 : i32 to vector<16xi32>
          %add3A_816 = arith.addi %add3A_805, %add3A_815 : vector<16xi32>
          %add3A_817 = arith.constant -962582350 : i32
          %add3A_818 = vector.broadcast %add3A_817 : i32 to vector<16xi32>
          %add3A_819 = arith.addi %xor3A_813, %add3A_818 : vector<16xi32>
          %add3A_820 = arith.addi %add3A_816, %add3A_819 : vector<16xi32>
          %shift_left3A_821 = arith.constant 17 : i32
          %shift_left3A_822 = vector.broadcast %shift_left3A_821 : i32 to vector<16xi32>
          %shift_left3A_823 = arith.shli %add3A_819, %shift_left3A_822 : vector<16xi32>
          %shift_right_logical3A_824 = arith.constant 15 : i32
          %shift_right_logical3A_825 = vector.broadcast %shift_right_logical3A_824 : i32 to vector<16xi32>
          %shift_right_logical3A_826 = arith.shrui %add3A_819, %shift_right_logical3A_825 : vector<16xi32>
          %or3A_827 = arith.ori %shift_left3A_823, %shift_right_logical3A_826 : vector<16xi32>
          %xor3A_828 = arith.xori %or3A_827, %add3A_820 : vector<16xi32>
          %add3A_829 = arith.addi %add3A_820, %xor3A_828 : vector<16xi32>
          %shift_left3A_830 = arith.constant 29 : i32
          %shift_left3A_831 = vector.broadcast %shift_left3A_830 : i32 to vector<16xi32>
          %shift_left3A_832 = arith.shli %xor3A_828, %shift_left3A_831 : vector<16xi32>
          %shift_right_logical3A_833 = arith.constant 3 : i32
          %shift_right_logical3A_834 = vector.broadcast %shift_right_logical3A_833 : i32 to vector<16xi32>
          %shift_right_logical3A_835 = arith.shrui %xor3A_828, %shift_right_logical3A_834 : vector<16xi32>
          %or3A_836 = arith.ori %shift_left3A_832, %shift_right_logical3A_835 : vector<16xi32>
          %xor3A_837 = arith.xori %or3A_836, %add3A_829 : vector<16xi32>
          %add3A_838 = arith.addi %add3A_829, %xor3A_837 : vector<16xi32>
          %shift_left3A_839 = arith.constant 16 : i32
          %shift_left3A_840 = vector.broadcast %shift_left3A_839 : i32 to vector<16xi32>
          %shift_left3A_841 = arith.shli %xor3A_837, %shift_left3A_840 : vector<16xi32>
          %shift_right_logical3A_842 = arith.constant 16 : i32
          %shift_right_logical3A_843 = vector.broadcast %shift_right_logical3A_842 : i32 to vector<16xi32>
          %shift_right_logical3A_844 = arith.shrui %xor3A_837, %shift_right_logical3A_843 : vector<16xi32>
          %or3A_845 = arith.ori %shift_left3A_841, %shift_right_logical3A_844 : vector<16xi32>
          %xor3A_846 = arith.xori %or3A_845, %add3A_838 : vector<16xi32>
          %add3A_847 = arith.addi %add3A_838, %xor3A_846 : vector<16xi32>
          %shift_left3A_848 = arith.constant 24 : i32
          %shift_left3A_849 = vector.broadcast %shift_left3A_848 : i32 to vector<16xi32>
          %shift_left3A_850 = arith.shli %xor3A_846, %shift_left3A_849 : vector<16xi32>
          %shift_right_logical3A_851 = arith.constant 8 : i32
          %shift_right_logical3A_852 = vector.broadcast %shift_right_logical3A_851 : i32 to vector<16xi32>
          %shift_right_logical3A_853 = arith.shrui %xor3A_846, %shift_right_logical3A_852 : vector<16xi32>
          %or3A_854 = arith.ori %shift_left3A_850, %shift_right_logical3A_853 : vector<16xi32>
          %xor3A_855 = arith.xori %or3A_854, %add3A_847 : vector<16xi32>
          %add3A_856 = arith.constant -962582351 : i32
          %add3A_857 = vector.broadcast %add3A_856 : i32 to vector<16xi32>
          %add3A_858 = arith.addi %add3A_847, %add3A_857 : vector<16xi32>
          %add3A_859 = arith.constant 1264997414 : i32
          %add3A_860 = vector.broadcast %add3A_859 : i32 to vector<16xi32>
          %add3A_861 = arith.addi %xor3A_855, %add3A_860 : vector<16xi32>
          %add3A_862 = arith.addi %add3A_858, %add3A_861 : vector<16xi32>
          %shift_left3A_863 = arith.constant 13 : i32
          %shift_left3A_864 = vector.broadcast %shift_left3A_863 : i32 to vector<16xi32>
          %shift_left3A_865 = arith.shli %add3A_861, %shift_left3A_864 : vector<16xi32>
          %shift_right_logical3A_866 = arith.constant 19 : i32
          %shift_right_logical3A_867 = vector.broadcast %shift_right_logical3A_866 : i32 to vector<16xi32>
          %shift_right_logical3A_868 = arith.shrui %add3A_861, %shift_right_logical3A_867 : vector<16xi32>
          %or3A_869 = arith.ori %shift_left3A_865, %shift_right_logical3A_868 : vector<16xi32>
          %xor3A_870 = arith.xori %or3A_869, %add3A_862 : vector<16xi32>
          %add3A_871 = arith.addi %add3A_862, %xor3A_870 : vector<16xi32>
          %shift_left3A_872 = arith.constant 15 : i32
          %shift_left3A_873 = vector.broadcast %shift_left3A_872 : i32 to vector<16xi32>
          %shift_left3A_874 = arith.shli %xor3A_870, %shift_left3A_873 : vector<16xi32>
          %shift_right_logical3A_875 = arith.constant 17 : i32
          %shift_right_logical3A_876 = vector.broadcast %shift_right_logical3A_875 : i32 to vector<16xi32>
          %shift_right_logical3A_877 = arith.shrui %xor3A_870, %shift_right_logical3A_876 : vector<16xi32>
          %or3A_878 = arith.ori %shift_left3A_874, %shift_right_logical3A_877 : vector<16xi32>
          %xor3A_879 = arith.xori %or3A_878, %add3A_871 : vector<16xi32>
          %add3A_880 = arith.addi %add3A_871, %xor3A_879 : vector<16xi32>
          %shift_left3A_881 = arith.constant 26 : i32
          %shift_left3A_882 = vector.broadcast %shift_left3A_881 : i32 to vector<16xi32>
          %shift_left3A_883 = arith.shli %xor3A_879, %shift_left3A_882 : vector<16xi32>
          %shift_right_logical3A_884 = arith.constant 6 : i32
          %shift_right_logical3A_885 = vector.broadcast %shift_right_logical3A_884 : i32 to vector<16xi32>
          %shift_right_logical3A_886 = arith.shrui %xor3A_879, %shift_right_logical3A_885 : vector<16xi32>
          %or3A_887 = arith.ori %shift_left3A_883, %shift_right_logical3A_886 : vector<16xi32>
          %xor3A_888 = arith.xori %or3A_887, %add3A_880 : vector<16xi32>
          %add3A_889 = arith.addi %add3A_880, %xor3A_888 : vector<16xi32>
          %shift_left3A_890 = arith.constant 6 : i32
          %shift_left3A_891 = vector.broadcast %shift_left3A_890 : i32 to vector<16xi32>
          %shift_left3A_892 = arith.shli %xor3A_888, %shift_left3A_891 : vector<16xi32>
          %shift_right_logical3A_893 = arith.constant 26 : i32
          %shift_right_logical3A_894 = vector.broadcast %shift_right_logical3A_893 : i32 to vector<16xi32>
          %shift_right_logical3A_895 = arith.shrui %xor3A_888, %shift_right_logical3A_894 : vector<16xi32>
          %or3A_896 = arith.ori %shift_left3A_892, %shift_right_logical3A_895 : vector<16xi32>
          %xor3A_897 = arith.xori %or3A_896, %add3A_889 : vector<16xi32>
          %add3A_898 = arith.constant 1264997412 : i32
          %add3A_899 = vector.broadcast %add3A_898 : i32 to vector<16xi32>
          %add3A_900 = arith.addi %add3A_889, %add3A_899 : vector<16xi32>
          %add3A_901 = arith.constant -1776851118 : i32
          %add3A_902 = vector.broadcast %add3A_901 : i32 to vector<16xi32>
          %add3A_903 = arith.addi %xor3A_897, %add3A_902 : vector<16xi32>
          %add3A_904 = arith.addi %add3A_900, %add3A_903 : vector<16xi32>
          %shift_left3A_905 = arith.constant 17 : i32
          %shift_left3A_906 = vector.broadcast %shift_left3A_905 : i32 to vector<16xi32>
          %shift_left3A_907 = arith.shli %add3A_903, %shift_left3A_906 : vector<16xi32>
          %shift_right_logical3A_908 = arith.constant 15 : i32
          %shift_right_logical3A_909 = vector.broadcast %shift_right_logical3A_908 : i32 to vector<16xi32>
          %shift_right_logical3A_910 = arith.shrui %add3A_903, %shift_right_logical3A_909 : vector<16xi32>
          %or3A_911 = arith.ori %shift_left3A_907, %shift_right_logical3A_910 : vector<16xi32>
          %xor3A_912 = arith.xori %or3A_911, %add3A_904 : vector<16xi32>
          %add3A_913 = arith.addi %add3A_904, %xor3A_912 : vector<16xi32>
          %shift_left3A_914 = arith.constant 29 : i32
          %shift_left3A_915 = vector.broadcast %shift_left3A_914 : i32 to vector<16xi32>
          %shift_left3A_916 = arith.shli %xor3A_912, %shift_left3A_915 : vector<16xi32>
          %shift_right_logical3A_917 = arith.constant 3 : i32
          %shift_right_logical3A_918 = vector.broadcast %shift_right_logical3A_917 : i32 to vector<16xi32>
          %shift_right_logical3A_919 = arith.shrui %xor3A_912, %shift_right_logical3A_918 : vector<16xi32>
          %or3A_920 = arith.ori %shift_left3A_916, %shift_right_logical3A_919 : vector<16xi32>
          %xor3A_921 = arith.xori %or3A_920, %add3A_913 : vector<16xi32>
          %add3A_922 = arith.addi %add3A_913, %xor3A_921 : vector<16xi32>
          %shift_left3A_923 = arith.constant 16 : i32
          %shift_left3A_924 = vector.broadcast %shift_left3A_923 : i32 to vector<16xi32>
          %shift_left3A_925 = arith.shli %xor3A_921, %shift_left3A_924 : vector<16xi32>
          %shift_right_logical3A_926 = arith.constant 16 : i32
          %shift_right_logical3A_927 = vector.broadcast %shift_right_logical3A_926 : i32 to vector<16xi32>
          %shift_right_logical3A_928 = arith.shrui %xor3A_921, %shift_right_logical3A_927 : vector<16xi32>
          %or3A_929 = arith.ori %shift_left3A_925, %shift_right_logical3A_928 : vector<16xi32>
          %xor3A_930 = arith.xori %or3A_929, %add3A_922 : vector<16xi32>
          %add3A_931 = arith.addi %add3A_922, %xor3A_930 : vector<16xi32>
          %shift_left3A_932 = arith.constant 24 : i32
          %shift_left3A_933 = vector.broadcast %shift_left3A_932 : i32 to vector<16xi32>
          %shift_left3A_934 = arith.shli %xor3A_930, %shift_left3A_933 : vector<16xi32>
          %shift_right_logical3A_935 = arith.constant 8 : i32
          %shift_right_logical3A_936 = vector.broadcast %shift_right_logical3A_935 : i32 to vector<16xi32>
          %shift_right_logical3A_937 = arith.shrui %xor3A_930, %shift_right_logical3A_936 : vector<16xi32>
          %or3A_938 = arith.ori %shift_left3A_934, %shift_right_logical3A_937 : vector<16xi32>
          %xor3A_939 = arith.xori %or3A_938, %add3A_931 : vector<16xi32>
          %add3A_940 = arith.constant -1776851121 : i32
          %add3A_941 = vector.broadcast %add3A_940 : i32 to vector<16xi32>
          %add3A_942 = arith.addi %add3A_931, %add3A_941 : vector<16xi32>
          %add3A_943 = arith.constant -962582347 : i32
          %add3A_944 = vector.broadcast %add3A_943 : i32 to vector<16xi32>
          %add3A_945 = arith.addi %xor3A_939, %add3A_944 : vector<16xi32>
          %add3A_946 = arith.addi %add3A_942, %add3A_945 : vector<16xi32>
          %shift_left3A_947 = arith.constant 13 : i32
          %shift_left3A_948 = vector.broadcast %shift_left3A_947 : i32 to vector<16xi32>
          %shift_left3A_949 = arith.shli %add3A_945, %shift_left3A_948 : vector<16xi32>
          %shift_right_logical3A_950 = arith.constant 19 : i32
          %shift_right_logical3A_951 = vector.broadcast %shift_right_logical3A_950 : i32 to vector<16xi32>
          %shift_right_logical3A_952 = arith.shrui %add3A_945, %shift_right_logical3A_951 : vector<16xi32>
          %or3A_953 = arith.ori %shift_left3A_949, %shift_right_logical3A_952 : vector<16xi32>
          %xor3A_954 = arith.xori %or3A_953, %add3A_946 : vector<16xi32>
          %add3A_955 = arith.addi %add3A_946, %xor3A_954 : vector<16xi32>
          %shift_left3A_956 = arith.constant 15 : i32
          %shift_left3A_957 = vector.broadcast %shift_left3A_956 : i32 to vector<16xi32>
          %shift_left3A_958 = arith.shli %xor3A_954, %shift_left3A_957 : vector<16xi32>
          %shift_right_logical3A_959 = arith.constant 17 : i32
          %shift_right_logical3A_960 = vector.broadcast %shift_right_logical3A_959 : i32 to vector<16xi32>
          %shift_right_logical3A_961 = arith.shrui %xor3A_954, %shift_right_logical3A_960 : vector<16xi32>
          %or3A_962 = arith.ori %shift_left3A_958, %shift_right_logical3A_961 : vector<16xi32>
          %xor3A_963 = arith.xori %or3A_962, %add3A_955 : vector<16xi32>
          %add3A_964 = arith.addi %add3A_955, %xor3A_963 : vector<16xi32>
          %shift_left3A_965 = arith.constant 26 : i32
          %shift_left3A_966 = vector.broadcast %shift_left3A_965 : i32 to vector<16xi32>
          %shift_left3A_967 = arith.shli %xor3A_963, %shift_left3A_966 : vector<16xi32>
          %shift_right_logical3A_968 = arith.constant 6 : i32
          %shift_right_logical3A_969 = vector.broadcast %shift_right_logical3A_968 : i32 to vector<16xi32>
          %shift_right_logical3A_970 = arith.shrui %xor3A_963, %shift_right_logical3A_969 : vector<16xi32>
          %or3A_971 = arith.ori %shift_left3A_967, %shift_right_logical3A_970 : vector<16xi32>
          %xor3A_972 = arith.xori %or3A_971, %add3A_964 : vector<16xi32>
          %add3A_973 = arith.addi %add3A_964, %xor3A_972 : vector<16xi32>
          %shift_left3A_974 = arith.constant 6 : i32
          %shift_left3A_975 = vector.broadcast %shift_left3A_974 : i32 to vector<16xi32>
          %shift_left3A_976 = arith.shli %xor3A_972, %shift_left3A_975 : vector<16xi32>
          %shift_right_logical3A_977 = arith.constant 26 : i32
          %shift_right_logical3A_978 = vector.broadcast %shift_right_logical3A_977 : i32 to vector<16xi32>
          %shift_right_logical3A_979 = arith.shrui %xor3A_972, %shift_right_logical3A_978 : vector<16xi32>
          %or3A_980 = arith.ori %shift_left3A_976, %shift_right_logical3A_979 : vector<16xi32>
          %xor3A_981 = arith.xori %or3A_980, %add3A_973 : vector<16xi32>
          %add3A_982 = arith.constant -962582351 : i32
          %add3A_983 = vector.broadcast %add3A_982 : i32 to vector<16xi32>
          %add3A_984 = arith.addi %add3A_973, %add3A_983 : vector<16xi32>
          %add3A_985 = arith.constant 1264997417 : i32
          %add3A_986 = vector.broadcast %add3A_985 : i32 to vector<16xi32>
          %add3A_987 = arith.addi %xor3A_981, %add3A_986 : vector<16xi32>
          %xor3A_988 = arith.xori %add3A_984, %add3A_987 : vector<16xi32>
          %shift_right_logical3A_989 = arith.constant 9 : i32
          %shift_right_logical3A_990 = vector.broadcast %shift_right_logical3A_989 : i32 to vector<16xi32>
          %shift_right_logical3A_991 = arith.shrui %xor3A_988, %shift_right_logical3A_990 : vector<16xi32>
          %add3A_992 = arith.constant 1 : i32
          %add3A_993 = vector.broadcast %add3A_992 : i32 to vector<16xi32>
          %add3A_994 = arith.addi %add3A_766, %add3A_993 : vector<16xi32>
          %add3A_995 = arith.constant -1776851121 : i32
          %add3A_996 = vector.broadcast %add3A_995 : i32 to vector<16xi32>
          %add3A_997 = arith.addi %add3A_994, %add3A_996 : vector<16xi32>
          %add3A_998 = arith.constant 1264997412 : i32
          %add3A_999 = vector.broadcast %add3A_998 : i32 to vector<16xi32>
          %add3A_1000 = arith.addi %add3A_999, %add3A_997 : vector<16xi32>
          %shift_left3A_1001 = arith.constant 13 : i32
          %shift_left3A_1002 = vector.broadcast %shift_left3A_1001 : i32 to vector<16xi32>
          %shift_left3A_1003 = arith.shli %add3A_997, %shift_left3A_1002 : vector<16xi32>
          %shift_right_logical3A_1004 = arith.constant 19 : i32
          %shift_right_logical3A_1005 = vector.broadcast %shift_right_logical3A_1004 : i32 to vector<16xi32>
          %shift_right_logical3A_1006 = arith.shrui %add3A_997, %shift_right_logical3A_1005 : vector<16xi32>
          %or3A_1007 = arith.ori %shift_left3A_1003, %shift_right_logical3A_1006 : vector<16xi32>
          %xor3A_1008 = arith.xori %or3A_1007, %add3A_1000 : vector<16xi32>
          %add3A_1009 = arith.addi %add3A_1000, %xor3A_1008 : vector<16xi32>
          %shift_left3A_1010 = arith.constant 15 : i32
          %shift_left3A_1011 = vector.broadcast %shift_left3A_1010 : i32 to vector<16xi32>
          %shift_left3A_1012 = arith.shli %xor3A_1008, %shift_left3A_1011 : vector<16xi32>
          %shift_right_logical3A_1013 = arith.constant 17 : i32
          %shift_right_logical3A_1014 = vector.broadcast %shift_right_logical3A_1013 : i32 to vector<16xi32>
          %shift_right_logical3A_1015 = arith.shrui %xor3A_1008, %shift_right_logical3A_1014 : vector<16xi32>
          %or3A_1016 = arith.ori %shift_left3A_1012, %shift_right_logical3A_1015 : vector<16xi32>
          %xor3A_1017 = arith.xori %or3A_1016, %add3A_1009 : vector<16xi32>
          %add3A_1018 = arith.addi %add3A_1009, %xor3A_1017 : vector<16xi32>
          %shift_left3A_1019 = arith.constant 26 : i32
          %shift_left3A_1020 = vector.broadcast %shift_left3A_1019 : i32 to vector<16xi32>
          %shift_left3A_1021 = arith.shli %xor3A_1017, %shift_left3A_1020 : vector<16xi32>
          %shift_right_logical3A_1022 = arith.constant 6 : i32
          %shift_right_logical3A_1023 = vector.broadcast %shift_right_logical3A_1022 : i32 to vector<16xi32>
          %shift_right_logical3A_1024 = arith.shrui %xor3A_1017, %shift_right_logical3A_1023 : vector<16xi32>
          %or3A_1025 = arith.ori %shift_left3A_1021, %shift_right_logical3A_1024 : vector<16xi32>
          %xor3A_1026 = arith.xori %or3A_1025, %add3A_1018 : vector<16xi32>
          %add3A_1027 = arith.addi %add3A_1018, %xor3A_1026 : vector<16xi32>
          %shift_left3A_1028 = arith.constant 6 : i32
          %shift_left3A_1029 = vector.broadcast %shift_left3A_1028 : i32 to vector<16xi32>
          %shift_left3A_1030 = arith.shli %xor3A_1026, %shift_left3A_1029 : vector<16xi32>
          %shift_right_logical3A_1031 = arith.constant 26 : i32
          %shift_right_logical3A_1032 = vector.broadcast %shift_right_logical3A_1031 : i32 to vector<16xi32>
          %shift_right_logical3A_1033 = arith.shrui %xor3A_1026, %shift_right_logical3A_1032 : vector<16xi32>
          %or3A_1034 = arith.ori %shift_left3A_1030, %shift_right_logical3A_1033 : vector<16xi32>
          %xor3A_1035 = arith.xori %or3A_1034, %add3A_1027 : vector<16xi32>
          %add3A_1036 = arith.constant -1776851121 : i32
          %add3A_1037 = vector.broadcast %add3A_1036 : i32 to vector<16xi32>
          %add3A_1038 = arith.addi %add3A_1027, %add3A_1037 : vector<16xi32>
          %add3A_1039 = arith.constant -962582350 : i32
          %add3A_1040 = vector.broadcast %add3A_1039 : i32 to vector<16xi32>
          %add3A_1041 = arith.addi %xor3A_1035, %add3A_1040 : vector<16xi32>
          %add3A_1042 = arith.addi %add3A_1038, %add3A_1041 : vector<16xi32>
          %shift_left3A_1043 = arith.constant 17 : i32
          %shift_left3A_1044 = vector.broadcast %shift_left3A_1043 : i32 to vector<16xi32>
          %shift_left3A_1045 = arith.shli %add3A_1041, %shift_left3A_1044 : vector<16xi32>
          %shift_right_logical3A_1046 = arith.constant 15 : i32
          %shift_right_logical3A_1047 = vector.broadcast %shift_right_logical3A_1046 : i32 to vector<16xi32>
          %shift_right_logical3A_1048 = arith.shrui %add3A_1041, %shift_right_logical3A_1047 : vector<16xi32>
          %or3A_1049 = arith.ori %shift_left3A_1045, %shift_right_logical3A_1048 : vector<16xi32>
          %xor3A_1050 = arith.xori %or3A_1049, %add3A_1042 : vector<16xi32>
          %add3A_1051 = arith.addi %add3A_1042, %xor3A_1050 : vector<16xi32>
          %shift_left3A_1052 = arith.constant 29 : i32
          %shift_left3A_1053 = vector.broadcast %shift_left3A_1052 : i32 to vector<16xi32>
          %shift_left3A_1054 = arith.shli %xor3A_1050, %shift_left3A_1053 : vector<16xi32>
          %shift_right_logical3A_1055 = arith.constant 3 : i32
          %shift_right_logical3A_1056 = vector.broadcast %shift_right_logical3A_1055 : i32 to vector<16xi32>
          %shift_right_logical3A_1057 = arith.shrui %xor3A_1050, %shift_right_logical3A_1056 : vector<16xi32>
          %or3A_1058 = arith.ori %shift_left3A_1054, %shift_right_logical3A_1057 : vector<16xi32>
          %xor3A_1059 = arith.xori %or3A_1058, %add3A_1051 : vector<16xi32>
          %add3A_1060 = arith.addi %add3A_1051, %xor3A_1059 : vector<16xi32>
          %shift_left3A_1061 = arith.constant 16 : i32
          %shift_left3A_1062 = vector.broadcast %shift_left3A_1061 : i32 to vector<16xi32>
          %shift_left3A_1063 = arith.shli %xor3A_1059, %shift_left3A_1062 : vector<16xi32>
          %shift_right_logical3A_1064 = arith.constant 16 : i32
          %shift_right_logical3A_1065 = vector.broadcast %shift_right_logical3A_1064 : i32 to vector<16xi32>
          %shift_right_logical3A_1066 = arith.shrui %xor3A_1059, %shift_right_logical3A_1065 : vector<16xi32>
          %or3A_1067 = arith.ori %shift_left3A_1063, %shift_right_logical3A_1066 : vector<16xi32>
          %xor3A_1068 = arith.xori %or3A_1067, %add3A_1060 : vector<16xi32>
          %add3A_1069 = arith.addi %add3A_1060, %xor3A_1068 : vector<16xi32>
          %shift_left3A_1070 = arith.constant 24 : i32
          %shift_left3A_1071 = vector.broadcast %shift_left3A_1070 : i32 to vector<16xi32>
          %shift_left3A_1072 = arith.shli %xor3A_1068, %shift_left3A_1071 : vector<16xi32>
          %shift_right_logical3A_1073 = arith.constant 8 : i32
          %shift_right_logical3A_1074 = vector.broadcast %shift_right_logical3A_1073 : i32 to vector<16xi32>
          %shift_right_logical3A_1075 = arith.shrui %xor3A_1068, %shift_right_logical3A_1074 : vector<16xi32>
          %or3A_1076 = arith.ori %shift_left3A_1072, %shift_right_logical3A_1075 : vector<16xi32>
          %xor3A_1077 = arith.xori %or3A_1076, %add3A_1069 : vector<16xi32>
          %add3A_1078 = arith.constant -962582351 : i32
          %add3A_1079 = vector.broadcast %add3A_1078 : i32 to vector<16xi32>
          %add3A_1080 = arith.addi %add3A_1069, %add3A_1079 : vector<16xi32>
          %add3A_1081 = arith.constant 1264997414 : i32
          %add3A_1082 = vector.broadcast %add3A_1081 : i32 to vector<16xi32>
          %add3A_1083 = arith.addi %xor3A_1077, %add3A_1082 : vector<16xi32>
          %add3A_1084 = arith.addi %add3A_1080, %add3A_1083 : vector<16xi32>
          %shift_left3A_1085 = arith.constant 13 : i32
          %shift_left3A_1086 = vector.broadcast %shift_left3A_1085 : i32 to vector<16xi32>
          %shift_left3A_1087 = arith.shli %add3A_1083, %shift_left3A_1086 : vector<16xi32>
          %shift_right_logical3A_1088 = arith.constant 19 : i32
          %shift_right_logical3A_1089 = vector.broadcast %shift_right_logical3A_1088 : i32 to vector<16xi32>
          %shift_right_logical3A_1090 = arith.shrui %add3A_1083, %shift_right_logical3A_1089 : vector<16xi32>
          %or3A_1091 = arith.ori %shift_left3A_1087, %shift_right_logical3A_1090 : vector<16xi32>
          %xor3A_1092 = arith.xori %or3A_1091, %add3A_1084 : vector<16xi32>
          %add3A_1093 = arith.addi %add3A_1084, %xor3A_1092 : vector<16xi32>
          %shift_left3A_1094 = arith.constant 15 : i32
          %shift_left3A_1095 = vector.broadcast %shift_left3A_1094 : i32 to vector<16xi32>
          %shift_left3A_1096 = arith.shli %xor3A_1092, %shift_left3A_1095 : vector<16xi32>
          %shift_right_logical3A_1097 = arith.constant 17 : i32
          %shift_right_logical3A_1098 = vector.broadcast %shift_right_logical3A_1097 : i32 to vector<16xi32>
          %shift_right_logical3A_1099 = arith.shrui %xor3A_1092, %shift_right_logical3A_1098 : vector<16xi32>
          %or3A_1100 = arith.ori %shift_left3A_1096, %shift_right_logical3A_1099 : vector<16xi32>
          %xor3A_1101 = arith.xori %or3A_1100, %add3A_1093 : vector<16xi32>
          %add3A_1102 = arith.addi %add3A_1093, %xor3A_1101 : vector<16xi32>
          %shift_left3A_1103 = arith.constant 26 : i32
          %shift_left3A_1104 = vector.broadcast %shift_left3A_1103 : i32 to vector<16xi32>
          %shift_left3A_1105 = arith.shli %xor3A_1101, %shift_left3A_1104 : vector<16xi32>
          %shift_right_logical3A_1106 = arith.constant 6 : i32
          %shift_right_logical3A_1107 = vector.broadcast %shift_right_logical3A_1106 : i32 to vector<16xi32>
          %shift_right_logical3A_1108 = arith.shrui %xor3A_1101, %shift_right_logical3A_1107 : vector<16xi32>
          %or3A_1109 = arith.ori %shift_left3A_1105, %shift_right_logical3A_1108 : vector<16xi32>
          %xor3A_1110 = arith.xori %or3A_1109, %add3A_1102 : vector<16xi32>
          %add3A_1111 = arith.addi %add3A_1102, %xor3A_1110 : vector<16xi32>
          %shift_left3A_1112 = arith.constant 6 : i32
          %shift_left3A_1113 = vector.broadcast %shift_left3A_1112 : i32 to vector<16xi32>
          %shift_left3A_1114 = arith.shli %xor3A_1110, %shift_left3A_1113 : vector<16xi32>
          %shift_right_logical3A_1115 = arith.constant 26 : i32
          %shift_right_logical3A_1116 = vector.broadcast %shift_right_logical3A_1115 : i32 to vector<16xi32>
          %shift_right_logical3A_1117 = arith.shrui %xor3A_1110, %shift_right_logical3A_1116 : vector<16xi32>
          %or3A_1118 = arith.ori %shift_left3A_1114, %shift_right_logical3A_1117 : vector<16xi32>
          %xor3A_1119 = arith.xori %or3A_1118, %add3A_1111 : vector<16xi32>
          %add3A_1120 = arith.constant 1264997412 : i32
          %add3A_1121 = vector.broadcast %add3A_1120 : i32 to vector<16xi32>
          %add3A_1122 = arith.addi %add3A_1111, %add3A_1121 : vector<16xi32>
          %add3A_1123 = arith.constant -1776851118 : i32
          %add3A_1124 = vector.broadcast %add3A_1123 : i32 to vector<16xi32>
          %add3A_1125 = arith.addi %xor3A_1119, %add3A_1124 : vector<16xi32>
          %add3A_1126 = arith.addi %add3A_1122, %add3A_1125 : vector<16xi32>
          %shift_left3A_1127 = arith.constant 17 : i32
          %shift_left3A_1128 = vector.broadcast %shift_left3A_1127 : i32 to vector<16xi32>
          %shift_left3A_1129 = arith.shli %add3A_1125, %shift_left3A_1128 : vector<16xi32>
          %shift_right_logical3A_1130 = arith.constant 15 : i32
          %shift_right_logical3A_1131 = vector.broadcast %shift_right_logical3A_1130 : i32 to vector<16xi32>
          %shift_right_logical3A_1132 = arith.shrui %add3A_1125, %shift_right_logical3A_1131 : vector<16xi32>
          %or3A_1133 = arith.ori %shift_left3A_1129, %shift_right_logical3A_1132 : vector<16xi32>
          %xor3A_1134 = arith.xori %or3A_1133, %add3A_1126 : vector<16xi32>
          %add3A_1135 = arith.addi %add3A_1126, %xor3A_1134 : vector<16xi32>
          %shift_left3A_1136 = arith.constant 29 : i32
          %shift_left3A_1137 = vector.broadcast %shift_left3A_1136 : i32 to vector<16xi32>
          %shift_left3A_1138 = arith.shli %xor3A_1134, %shift_left3A_1137 : vector<16xi32>
          %shift_right_logical3A_1139 = arith.constant 3 : i32
          %shift_right_logical3A_1140 = vector.broadcast %shift_right_logical3A_1139 : i32 to vector<16xi32>
          %shift_right_logical3A_1141 = arith.shrui %xor3A_1134, %shift_right_logical3A_1140 : vector<16xi32>
          %or3A_1142 = arith.ori %shift_left3A_1138, %shift_right_logical3A_1141 : vector<16xi32>
          %xor3A_1143 = arith.xori %or3A_1142, %add3A_1135 : vector<16xi32>
          %add3A_1144 = arith.addi %add3A_1135, %xor3A_1143 : vector<16xi32>
          %shift_left3A_1145 = arith.constant 16 : i32
          %shift_left3A_1146 = vector.broadcast %shift_left3A_1145 : i32 to vector<16xi32>
          %shift_left3A_1147 = arith.shli %xor3A_1143, %shift_left3A_1146 : vector<16xi32>
          %shift_right_logical3A_1148 = arith.constant 16 : i32
          %shift_right_logical3A_1149 = vector.broadcast %shift_right_logical3A_1148 : i32 to vector<16xi32>
          %shift_right_logical3A_1150 = arith.shrui %xor3A_1143, %shift_right_logical3A_1149 : vector<16xi32>
          %or3A_1151 = arith.ori %shift_left3A_1147, %shift_right_logical3A_1150 : vector<16xi32>
          %xor3A_1152 = arith.xori %or3A_1151, %add3A_1144 : vector<16xi32>
          %add3A_1153 = arith.addi %add3A_1144, %xor3A_1152 : vector<16xi32>
          %shift_left3A_1154 = arith.constant 24 : i32
          %shift_left3A_1155 = vector.broadcast %shift_left3A_1154 : i32 to vector<16xi32>
          %shift_left3A_1156 = arith.shli %xor3A_1152, %shift_left3A_1155 : vector<16xi32>
          %shift_right_logical3A_1157 = arith.constant 8 : i32
          %shift_right_logical3A_1158 = vector.broadcast %shift_right_logical3A_1157 : i32 to vector<16xi32>
          %shift_right_logical3A_1159 = arith.shrui %xor3A_1152, %shift_right_logical3A_1158 : vector<16xi32>
          %or3A_1160 = arith.ori %shift_left3A_1156, %shift_right_logical3A_1159 : vector<16xi32>
          %xor3A_1161 = arith.xori %or3A_1160, %add3A_1153 : vector<16xi32>
          %add3A_1162 = arith.constant -1776851121 : i32
          %add3A_1163 = vector.broadcast %add3A_1162 : i32 to vector<16xi32>
          %add3A_1164 = arith.addi %add3A_1153, %add3A_1163 : vector<16xi32>
          %add3A_1165 = arith.constant -962582347 : i32
          %add3A_1166 = vector.broadcast %add3A_1165 : i32 to vector<16xi32>
          %add3A_1167 = arith.addi %xor3A_1161, %add3A_1166 : vector<16xi32>
          %add3A_1168 = arith.addi %add3A_1164, %add3A_1167 : vector<16xi32>
          %shift_left3A_1169 = arith.constant 13 : i32
          %shift_left3A_1170 = vector.broadcast %shift_left3A_1169 : i32 to vector<16xi32>
          %shift_left3A_1171 = arith.shli %add3A_1167, %shift_left3A_1170 : vector<16xi32>
          %shift_right_logical3A_1172 = arith.constant 19 : i32
          %shift_right_logical3A_1173 = vector.broadcast %shift_right_logical3A_1172 : i32 to vector<16xi32>
          %shift_right_logical3A_1174 = arith.shrui %add3A_1167, %shift_right_logical3A_1173 : vector<16xi32>
          %or3A_1175 = arith.ori %shift_left3A_1171, %shift_right_logical3A_1174 : vector<16xi32>
          %xor3A_1176 = arith.xori %or3A_1175, %add3A_1168 : vector<16xi32>
          %add3A_1177 = arith.addi %add3A_1168, %xor3A_1176 : vector<16xi32>
          %shift_left3A_1178 = arith.constant 15 : i32
          %shift_left3A_1179 = vector.broadcast %shift_left3A_1178 : i32 to vector<16xi32>
          %shift_left3A_1180 = arith.shli %xor3A_1176, %shift_left3A_1179 : vector<16xi32>
          %shift_right_logical3A_1181 = arith.constant 17 : i32
          %shift_right_logical3A_1182 = vector.broadcast %shift_right_logical3A_1181 : i32 to vector<16xi32>
          %shift_right_logical3A_1183 = arith.shrui %xor3A_1176, %shift_right_logical3A_1182 : vector<16xi32>
          %or3A_1184 = arith.ori %shift_left3A_1180, %shift_right_logical3A_1183 : vector<16xi32>
          %xor3A_1185 = arith.xori %or3A_1184, %add3A_1177 : vector<16xi32>
          %add3A_1186 = arith.addi %add3A_1177, %xor3A_1185 : vector<16xi32>
          %shift_left3A_1187 = arith.constant 26 : i32
          %shift_left3A_1188 = vector.broadcast %shift_left3A_1187 : i32 to vector<16xi32>
          %shift_left3A_1189 = arith.shli %xor3A_1185, %shift_left3A_1188 : vector<16xi32>
          %shift_right_logical3A_1190 = arith.constant 6 : i32
          %shift_right_logical3A_1191 = vector.broadcast %shift_right_logical3A_1190 : i32 to vector<16xi32>
          %shift_right_logical3A_1192 = arith.shrui %xor3A_1185, %shift_right_logical3A_1191 : vector<16xi32>
          %or3A_1193 = arith.ori %shift_left3A_1189, %shift_right_logical3A_1192 : vector<16xi32>
          %xor3A_1194 = arith.xori %or3A_1193, %add3A_1186 : vector<16xi32>
          %add3A_1195 = arith.addi %add3A_1186, %xor3A_1194 : vector<16xi32>
          %shift_left3A_1196 = arith.constant 6 : i32
          %shift_left3A_1197 = vector.broadcast %shift_left3A_1196 : i32 to vector<16xi32>
          %shift_left3A_1198 = arith.shli %xor3A_1194, %shift_left3A_1197 : vector<16xi32>
          %shift_right_logical3A_1199 = arith.constant 26 : i32
          %shift_right_logical3A_1200 = vector.broadcast %shift_right_logical3A_1199 : i32 to vector<16xi32>
          %shift_right_logical3A_1201 = arith.shrui %xor3A_1194, %shift_right_logical3A_1200 : vector<16xi32>
          %or3A_1202 = arith.ori %shift_left3A_1198, %shift_right_logical3A_1201 : vector<16xi32>
          %xor3A_1203 = arith.xori %or3A_1202, %add3A_1195 : vector<16xi32>
          %add3A_1204 = arith.constant -962582351 : i32
          %add3A_1205 = vector.broadcast %add3A_1204 : i32 to vector<16xi32>
          %add3A_1206 = arith.addi %add3A_1195, %add3A_1205 : vector<16xi32>
          %add3A_1207 = arith.constant 1264997417 : i32
          %add3A_1208 = vector.broadcast %add3A_1207 : i32 to vector<16xi32>
          %add3A_1209 = arith.addi %xor3A_1203, %add3A_1208 : vector<16xi32>
          %xor3A_1210 = arith.xori %add3A_1206, %add3A_1209 : vector<16xi32>
          %shift_right_logical3A_1211 = arith.constant 9 : i32
          %shift_right_logical3A_1212 = vector.broadcast %shift_right_logical3A_1211 : i32 to vector<16xi32>
          %shift_right_logical3A_1213 = arith.shrui %xor3A_1210, %shift_right_logical3A_1212 : vector<16xi32>
          %add3A_1214 = arith.constant 2 : i32
          %add3A_1215 = vector.broadcast %add3A_1214 : i32 to vector<16xi32>
          %add3A_1216 = arith.addi %add3A_766, %add3A_1215 : vector<16xi32>
          %add3A_1217 = arith.constant -1776851121 : i32
          %add3A_1218 = vector.broadcast %add3A_1217 : i32 to vector<16xi32>
          %add3A_1219 = arith.addi %add3A_1216, %add3A_1218 : vector<16xi32>
          %add3A_1220 = arith.constant 1264997412 : i32
          %add3A_1221 = vector.broadcast %add3A_1220 : i32 to vector<16xi32>
          %add3A_1222 = arith.addi %add3A_1221, %add3A_1219 : vector<16xi32>
          %shift_left3A_1223 = arith.constant 13 : i32
          %shift_left3A_1224 = vector.broadcast %shift_left3A_1223 : i32 to vector<16xi32>
          %shift_left3A_1225 = arith.shli %add3A_1219, %shift_left3A_1224 : vector<16xi32>
          %shift_right_logical3A_1226 = arith.constant 19 : i32
          %shift_right_logical3A_1227 = vector.broadcast %shift_right_logical3A_1226 : i32 to vector<16xi32>
          %shift_right_logical3A_1228 = arith.shrui %add3A_1219, %shift_right_logical3A_1227 : vector<16xi32>
          %or3A_1229 = arith.ori %shift_left3A_1225, %shift_right_logical3A_1228 : vector<16xi32>
          %xor3A_1230 = arith.xori %or3A_1229, %add3A_1222 : vector<16xi32>
          %add3A_1231 = arith.addi %add3A_1222, %xor3A_1230 : vector<16xi32>
          %shift_left3A_1232 = arith.constant 15 : i32
          %shift_left3A_1233 = vector.broadcast %shift_left3A_1232 : i32 to vector<16xi32>
          %shift_left3A_1234 = arith.shli %xor3A_1230, %shift_left3A_1233 : vector<16xi32>
          %shift_right_logical3A_1235 = arith.constant 17 : i32
          %shift_right_logical3A_1236 = vector.broadcast %shift_right_logical3A_1235 : i32 to vector<16xi32>
          %shift_right_logical3A_1237 = arith.shrui %xor3A_1230, %shift_right_logical3A_1236 : vector<16xi32>
          %or3A_1238 = arith.ori %shift_left3A_1234, %shift_right_logical3A_1237 : vector<16xi32>
          %xor3A_1239 = arith.xori %or3A_1238, %add3A_1231 : vector<16xi32>
          %add3A_1240 = arith.addi %add3A_1231, %xor3A_1239 : vector<16xi32>
          %shift_left3A_1241 = arith.constant 26 : i32
          %shift_left3A_1242 = vector.broadcast %shift_left3A_1241 : i32 to vector<16xi32>
          %shift_left3A_1243 = arith.shli %xor3A_1239, %shift_left3A_1242 : vector<16xi32>
          %shift_right_logical3A_1244 = arith.constant 6 : i32
          %shift_right_logical3A_1245 = vector.broadcast %shift_right_logical3A_1244 : i32 to vector<16xi32>
          %shift_right_logical3A_1246 = arith.shrui %xor3A_1239, %shift_right_logical3A_1245 : vector<16xi32>
          %or3A_1247 = arith.ori %shift_left3A_1243, %shift_right_logical3A_1246 : vector<16xi32>
          %xor3A_1248 = arith.xori %or3A_1247, %add3A_1240 : vector<16xi32>
          %add3A_1249 = arith.addi %add3A_1240, %xor3A_1248 : vector<16xi32>
          %shift_left3A_1250 = arith.constant 6 : i32
          %shift_left3A_1251 = vector.broadcast %shift_left3A_1250 : i32 to vector<16xi32>
          %shift_left3A_1252 = arith.shli %xor3A_1248, %shift_left3A_1251 : vector<16xi32>
          %shift_right_logical3A_1253 = arith.constant 26 : i32
          %shift_right_logical3A_1254 = vector.broadcast %shift_right_logical3A_1253 : i32 to vector<16xi32>
          %shift_right_logical3A_1255 = arith.shrui %xor3A_1248, %shift_right_logical3A_1254 : vector<16xi32>
          %or3A_1256 = arith.ori %shift_left3A_1252, %shift_right_logical3A_1255 : vector<16xi32>
          %xor3A_1257 = arith.xori %or3A_1256, %add3A_1249 : vector<16xi32>
          %add3A_1258 = arith.constant -1776851121 : i32
          %add3A_1259 = vector.broadcast %add3A_1258 : i32 to vector<16xi32>
          %add3A_1260 = arith.addi %add3A_1249, %add3A_1259 : vector<16xi32>
          %add3A_1261 = arith.constant -962582350 : i32
          %add3A_1262 = vector.broadcast %add3A_1261 : i32 to vector<16xi32>
          %add3A_1263 = arith.addi %xor3A_1257, %add3A_1262 : vector<16xi32>
          %add3A_1264 = arith.addi %add3A_1260, %add3A_1263 : vector<16xi32>
          %shift_left3A_1265 = arith.constant 17 : i32
          %shift_left3A_1266 = vector.broadcast %shift_left3A_1265 : i32 to vector<16xi32>
          %shift_left3A_1267 = arith.shli %add3A_1263, %shift_left3A_1266 : vector<16xi32>
          %shift_right_logical3A_1268 = arith.constant 15 : i32
          %shift_right_logical3A_1269 = vector.broadcast %shift_right_logical3A_1268 : i32 to vector<16xi32>
          %shift_right_logical3A_1270 = arith.shrui %add3A_1263, %shift_right_logical3A_1269 : vector<16xi32>
          %or3A_1271 = arith.ori %shift_left3A_1267, %shift_right_logical3A_1270 : vector<16xi32>
          %xor3A_1272 = arith.xori %or3A_1271, %add3A_1264 : vector<16xi32>
          %add3A_1273 = arith.addi %add3A_1264, %xor3A_1272 : vector<16xi32>
          %shift_left3A_1274 = arith.constant 29 : i32
          %shift_left3A_1275 = vector.broadcast %shift_left3A_1274 : i32 to vector<16xi32>
          %shift_left3A_1276 = arith.shli %xor3A_1272, %shift_left3A_1275 : vector<16xi32>
          %shift_right_logical3A_1277 = arith.constant 3 : i32
          %shift_right_logical3A_1278 = vector.broadcast %shift_right_logical3A_1277 : i32 to vector<16xi32>
          %shift_right_logical3A_1279 = arith.shrui %xor3A_1272, %shift_right_logical3A_1278 : vector<16xi32>
          %or3A_1280 = arith.ori %shift_left3A_1276, %shift_right_logical3A_1279 : vector<16xi32>
          %xor3A_1281 = arith.xori %or3A_1280, %add3A_1273 : vector<16xi32>
          %add3A_1282 = arith.addi %add3A_1273, %xor3A_1281 : vector<16xi32>
          %shift_left3A_1283 = arith.constant 16 : i32
          %shift_left3A_1284 = vector.broadcast %shift_left3A_1283 : i32 to vector<16xi32>
          %shift_left3A_1285 = arith.shli %xor3A_1281, %shift_left3A_1284 : vector<16xi32>
          %shift_right_logical3A_1286 = arith.constant 16 : i32
          %shift_right_logical3A_1287 = vector.broadcast %shift_right_logical3A_1286 : i32 to vector<16xi32>
          %shift_right_logical3A_1288 = arith.shrui %xor3A_1281, %shift_right_logical3A_1287 : vector<16xi32>
          %or3A_1289 = arith.ori %shift_left3A_1285, %shift_right_logical3A_1288 : vector<16xi32>
          %xor3A_1290 = arith.xori %or3A_1289, %add3A_1282 : vector<16xi32>
          %add3A_1291 = arith.addi %add3A_1282, %xor3A_1290 : vector<16xi32>
          %shift_left3A_1292 = arith.constant 24 : i32
          %shift_left3A_1293 = vector.broadcast %shift_left3A_1292 : i32 to vector<16xi32>
          %shift_left3A_1294 = arith.shli %xor3A_1290, %shift_left3A_1293 : vector<16xi32>
          %shift_right_logical3A_1295 = arith.constant 8 : i32
          %shift_right_logical3A_1296 = vector.broadcast %shift_right_logical3A_1295 : i32 to vector<16xi32>
          %shift_right_logical3A_1297 = arith.shrui %xor3A_1290, %shift_right_logical3A_1296 : vector<16xi32>
          %or3A_1298 = arith.ori %shift_left3A_1294, %shift_right_logical3A_1297 : vector<16xi32>
          %xor3A_1299 = arith.xori %or3A_1298, %add3A_1291 : vector<16xi32>
          %add3A_1300 = arith.constant -962582351 : i32
          %add3A_1301 = vector.broadcast %add3A_1300 : i32 to vector<16xi32>
          %add3A_1302 = arith.addi %add3A_1291, %add3A_1301 : vector<16xi32>
          %add3A_1303 = arith.constant 1264997414 : i32
          %add3A_1304 = vector.broadcast %add3A_1303 : i32 to vector<16xi32>
          %add3A_1305 = arith.addi %xor3A_1299, %add3A_1304 : vector<16xi32>
          %add3A_1306 = arith.addi %add3A_1302, %add3A_1305 : vector<16xi32>
          %shift_left3A_1307 = arith.constant 13 : i32
          %shift_left3A_1308 = vector.broadcast %shift_left3A_1307 : i32 to vector<16xi32>
          %shift_left3A_1309 = arith.shli %add3A_1305, %shift_left3A_1308 : vector<16xi32>
          %shift_right_logical3A_1310 = arith.constant 19 : i32
          %shift_right_logical3A_1311 = vector.broadcast %shift_right_logical3A_1310 : i32 to vector<16xi32>
          %shift_right_logical3A_1312 = arith.shrui %add3A_1305, %shift_right_logical3A_1311 : vector<16xi32>
          %or3A_1313 = arith.ori %shift_left3A_1309, %shift_right_logical3A_1312 : vector<16xi32>
          %xor3A_1314 = arith.xori %or3A_1313, %add3A_1306 : vector<16xi32>
          %add3A_1315 = arith.addi %add3A_1306, %xor3A_1314 : vector<16xi32>
          %shift_left3A_1316 = arith.constant 15 : i32
          %shift_left3A_1317 = vector.broadcast %shift_left3A_1316 : i32 to vector<16xi32>
          %shift_left3A_1318 = arith.shli %xor3A_1314, %shift_left3A_1317 : vector<16xi32>
          %shift_right_logical3A_1319 = arith.constant 17 : i32
          %shift_right_logical3A_1320 = vector.broadcast %shift_right_logical3A_1319 : i32 to vector<16xi32>
          %shift_right_logical3A_1321 = arith.shrui %xor3A_1314, %shift_right_logical3A_1320 : vector<16xi32>
          %or3A_1322 = arith.ori %shift_left3A_1318, %shift_right_logical3A_1321 : vector<16xi32>
          %xor3A_1323 = arith.xori %or3A_1322, %add3A_1315 : vector<16xi32>
          %add3A_1324 = arith.addi %add3A_1315, %xor3A_1323 : vector<16xi32>
          %shift_left3A_1325 = arith.constant 26 : i32
          %shift_left3A_1326 = vector.broadcast %shift_left3A_1325 : i32 to vector<16xi32>
          %shift_left3A_1327 = arith.shli %xor3A_1323, %shift_left3A_1326 : vector<16xi32>
          %shift_right_logical3A_1328 = arith.constant 6 : i32
          %shift_right_logical3A_1329 = vector.broadcast %shift_right_logical3A_1328 : i32 to vector<16xi32>
          %shift_right_logical3A_1330 = arith.shrui %xor3A_1323, %shift_right_logical3A_1329 : vector<16xi32>
          %or3A_1331 = arith.ori %shift_left3A_1327, %shift_right_logical3A_1330 : vector<16xi32>
          %xor3A_1332 = arith.xori %or3A_1331, %add3A_1324 : vector<16xi32>
          %add3A_1333 = arith.addi %add3A_1324, %xor3A_1332 : vector<16xi32>
          %shift_left3A_1334 = arith.constant 6 : i32
          %shift_left3A_1335 = vector.broadcast %shift_left3A_1334 : i32 to vector<16xi32>
          %shift_left3A_1336 = arith.shli %xor3A_1332, %shift_left3A_1335 : vector<16xi32>
          %shift_right_logical3A_1337 = arith.constant 26 : i32
          %shift_right_logical3A_1338 = vector.broadcast %shift_right_logical3A_1337 : i32 to vector<16xi32>
          %shift_right_logical3A_1339 = arith.shrui %xor3A_1332, %shift_right_logical3A_1338 : vector<16xi32>
          %or3A_1340 = arith.ori %shift_left3A_1336, %shift_right_logical3A_1339 : vector<16xi32>
          %xor3A_1341 = arith.xori %or3A_1340, %add3A_1333 : vector<16xi32>
          %add3A_1342 = arith.constant 1264997412 : i32
          %add3A_1343 = vector.broadcast %add3A_1342 : i32 to vector<16xi32>
          %add3A_1344 = arith.addi %add3A_1333, %add3A_1343 : vector<16xi32>
          %add3A_1345 = arith.constant -1776851118 : i32
          %add3A_1346 = vector.broadcast %add3A_1345 : i32 to vector<16xi32>
          %add3A_1347 = arith.addi %xor3A_1341, %add3A_1346 : vector<16xi32>
          %add3A_1348 = arith.addi %add3A_1344, %add3A_1347 : vector<16xi32>
          %shift_left3A_1349 = arith.constant 17 : i32
          %shift_left3A_1350 = vector.broadcast %shift_left3A_1349 : i32 to vector<16xi32>
          %shift_left3A_1351 = arith.shli %add3A_1347, %shift_left3A_1350 : vector<16xi32>
          %shift_right_logical3A_1352 = arith.constant 15 : i32
          %shift_right_logical3A_1353 = vector.broadcast %shift_right_logical3A_1352 : i32 to vector<16xi32>
          %shift_right_logical3A_1354 = arith.shrui %add3A_1347, %shift_right_logical3A_1353 : vector<16xi32>
          %or3A_1355 = arith.ori %shift_left3A_1351, %shift_right_logical3A_1354 : vector<16xi32>
          %xor3A_1356 = arith.xori %or3A_1355, %add3A_1348 : vector<16xi32>
          %add3A_1357 = arith.addi %add3A_1348, %xor3A_1356 : vector<16xi32>
          %shift_left3A_1358 = arith.constant 29 : i32
          %shift_left3A_1359 = vector.broadcast %shift_left3A_1358 : i32 to vector<16xi32>
          %shift_left3A_1360 = arith.shli %xor3A_1356, %shift_left3A_1359 : vector<16xi32>
          %shift_right_logical3A_1361 = arith.constant 3 : i32
          %shift_right_logical3A_1362 = vector.broadcast %shift_right_logical3A_1361 : i32 to vector<16xi32>
          %shift_right_logical3A_1363 = arith.shrui %xor3A_1356, %shift_right_logical3A_1362 : vector<16xi32>
          %or3A_1364 = arith.ori %shift_left3A_1360, %shift_right_logical3A_1363 : vector<16xi32>
          %xor3A_1365 = arith.xori %or3A_1364, %add3A_1357 : vector<16xi32>
          %add3A_1366 = arith.addi %add3A_1357, %xor3A_1365 : vector<16xi32>
          %shift_left3A_1367 = arith.constant 16 : i32
          %shift_left3A_1368 = vector.broadcast %shift_left3A_1367 : i32 to vector<16xi32>
          %shift_left3A_1369 = arith.shli %xor3A_1365, %shift_left3A_1368 : vector<16xi32>
          %shift_right_logical3A_1370 = arith.constant 16 : i32
          %shift_right_logical3A_1371 = vector.broadcast %shift_right_logical3A_1370 : i32 to vector<16xi32>
          %shift_right_logical3A_1372 = arith.shrui %xor3A_1365, %shift_right_logical3A_1371 : vector<16xi32>
          %or3A_1373 = arith.ori %shift_left3A_1369, %shift_right_logical3A_1372 : vector<16xi32>
          %xor3A_1374 = arith.xori %or3A_1373, %add3A_1366 : vector<16xi32>
          %add3A_1375 = arith.addi %add3A_1366, %xor3A_1374 : vector<16xi32>
          %shift_left3A_1376 = arith.constant 24 : i32
          %shift_left3A_1377 = vector.broadcast %shift_left3A_1376 : i32 to vector<16xi32>
          %shift_left3A_1378 = arith.shli %xor3A_1374, %shift_left3A_1377 : vector<16xi32>
          %shift_right_logical3A_1379 = arith.constant 8 : i32
          %shift_right_logical3A_1380 = vector.broadcast %shift_right_logical3A_1379 : i32 to vector<16xi32>
          %shift_right_logical3A_1381 = arith.shrui %xor3A_1374, %shift_right_logical3A_1380 : vector<16xi32>
          %or3A_1382 = arith.ori %shift_left3A_1378, %shift_right_logical3A_1381 : vector<16xi32>
          %xor3A_1383 = arith.xori %or3A_1382, %add3A_1375 : vector<16xi32>
          %add3A_1384 = arith.constant -1776851121 : i32
          %add3A_1385 = vector.broadcast %add3A_1384 : i32 to vector<16xi32>
          %add3A_1386 = arith.addi %add3A_1375, %add3A_1385 : vector<16xi32>
          %add3A_1387 = arith.constant -962582347 : i32
          %add3A_1388 = vector.broadcast %add3A_1387 : i32 to vector<16xi32>
          %add3A_1389 = arith.addi %xor3A_1383, %add3A_1388 : vector<16xi32>
          %add3A_1390 = arith.addi %add3A_1386, %add3A_1389 : vector<16xi32>
          %shift_left3A_1391 = arith.constant 13 : i32
          %shift_left3A_1392 = vector.broadcast %shift_left3A_1391 : i32 to vector<16xi32>
          %shift_left3A_1393 = arith.shli %add3A_1389, %shift_left3A_1392 : vector<16xi32>
          %shift_right_logical3A_1394 = arith.constant 19 : i32
          %shift_right_logical3A_1395 = vector.broadcast %shift_right_logical3A_1394 : i32 to vector<16xi32>
          %shift_right_logical3A_1396 = arith.shrui %add3A_1389, %shift_right_logical3A_1395 : vector<16xi32>
          %or3A_1397 = arith.ori %shift_left3A_1393, %shift_right_logical3A_1396 : vector<16xi32>
          %xor3A_1398 = arith.xori %or3A_1397, %add3A_1390 : vector<16xi32>
          %add3A_1399 = arith.addi %add3A_1390, %xor3A_1398 : vector<16xi32>
          %shift_left3A_1400 = arith.constant 15 : i32
          %shift_left3A_1401 = vector.broadcast %shift_left3A_1400 : i32 to vector<16xi32>
          %shift_left3A_1402 = arith.shli %xor3A_1398, %shift_left3A_1401 : vector<16xi32>
          %shift_right_logical3A_1403 = arith.constant 17 : i32
          %shift_right_logical3A_1404 = vector.broadcast %shift_right_logical3A_1403 : i32 to vector<16xi32>
          %shift_right_logical3A_1405 = arith.shrui %xor3A_1398, %shift_right_logical3A_1404 : vector<16xi32>
          %or3A_1406 = arith.ori %shift_left3A_1402, %shift_right_logical3A_1405 : vector<16xi32>
          %xor3A_1407 = arith.xori %or3A_1406, %add3A_1399 : vector<16xi32>
          %add3A_1408 = arith.addi %add3A_1399, %xor3A_1407 : vector<16xi32>
          %shift_left3A_1409 = arith.constant 26 : i32
          %shift_left3A_1410 = vector.broadcast %shift_left3A_1409 : i32 to vector<16xi32>
          %shift_left3A_1411 = arith.shli %xor3A_1407, %shift_left3A_1410 : vector<16xi32>
          %shift_right_logical3A_1412 = arith.constant 6 : i32
          %shift_right_logical3A_1413 = vector.broadcast %shift_right_logical3A_1412 : i32 to vector<16xi32>
          %shift_right_logical3A_1414 = arith.shrui %xor3A_1407, %shift_right_logical3A_1413 : vector<16xi32>
          %or3A_1415 = arith.ori %shift_left3A_1411, %shift_right_logical3A_1414 : vector<16xi32>
          %xor3A_1416 = arith.xori %or3A_1415, %add3A_1408 : vector<16xi32>
          %add3A_1417 = arith.addi %add3A_1408, %xor3A_1416 : vector<16xi32>
          %shift_left3A_1418 = arith.constant 6 : i32
          %shift_left3A_1419 = vector.broadcast %shift_left3A_1418 : i32 to vector<16xi32>
          %shift_left3A_1420 = arith.shli %xor3A_1416, %shift_left3A_1419 : vector<16xi32>
          %shift_right_logical3A_1421 = arith.constant 26 : i32
          %shift_right_logical3A_1422 = vector.broadcast %shift_right_logical3A_1421 : i32 to vector<16xi32>
          %shift_right_logical3A_1423 = arith.shrui %xor3A_1416, %shift_right_logical3A_1422 : vector<16xi32>
          %or3A_1424 = arith.ori %shift_left3A_1420, %shift_right_logical3A_1423 : vector<16xi32>
          %xor3A_1425 = arith.xori %or3A_1424, %add3A_1417 : vector<16xi32>
          %add3A_1426 = arith.constant -962582351 : i32
          %add3A_1427 = vector.broadcast %add3A_1426 : i32 to vector<16xi32>
          %add3A_1428 = arith.addi %add3A_1417, %add3A_1427 : vector<16xi32>
          %add3A_1429 = arith.constant 1264997417 : i32
          %add3A_1430 = vector.broadcast %add3A_1429 : i32 to vector<16xi32>
          %add3A_1431 = arith.addi %xor3A_1425, %add3A_1430 : vector<16xi32>
          %xor3A_1432 = arith.xori %add3A_1428, %add3A_1431 : vector<16xi32>
          %shift_right_logical3A_1433 = arith.constant 9 : i32
          %shift_right_logical3A_1434 = vector.broadcast %shift_right_logical3A_1433 : i32 to vector<16xi32>
          %shift_right_logical3A_1435 = arith.shrui %xor3A_1432, %shift_right_logical3A_1434 : vector<16xi32>
          %gt3A_1436 = arith.cmpi sgt, %shift_right_logical3A_1213, %shift_right_logical3A_991 : vector<16xi32>
          %max3A_1437 = arith.maxsi %shift_right_logical3A_991, %shift_right_logical3A_1213 : vector<16xi32>
          %gt3A_1438 = arith.cmpi sgt, %shift_right_logical3A_1435, %max3A_1437 : vector<16xi32>
          %or3A_1439 = arith.ori %gt3A_1436, %gt3A_1438 : vector<16xi1>
          %sub3A_1440 = arith.constant 1.000000e+00 : f32
          %sub3A_1441 = vector.broadcast %sub3A_1440 : f32 to vector<16xf32>
          %sub3A_1442 = arith.subf %sub3A_1441, %get3A_772 : vector<16xf32>
          %select_n3A_1443 = arith.select %gt3A_1438, %sub3A_1442, %get3A_772 : vector<16xi1>, vector<16xf32>
          %jit3A_1444 = arith.constant 1.000000e+01 : f32
          %broadcast_in_dim3A_1445 = vector.broadcast %jit3A_1444 : f32 to vector<16xf32>
          %select_n3A_1446 = arith.select %or3A_1439, %select_n3A_1443, %broadcast_in_dim3A_1445 : vector<16xi1>, vector<16xf32>
          %min3A_1447 = arith.minimumf %min3A, %select_n3A_1446 : vector<16xf32>
          %jit3A_1448 = arith.constant -1.000000e+01 : f32
          %broadcast_in_dim3A_1449 = vector.broadcast %jit3A_1448 : f32 to vector<16xf32>
          %select_n3A_1450 = arith.select %or3A_1439, %select_n3A_1443, %broadcast_in_dim3A_1449 : vector<16xi1>, vector<16xf32>
          %max3A_1451 = arith.maximumf %max3A_760, %select_n3A_1450 : vector<16xf32>
          %swap3A_1452 = arith.constant 0 : index
          %swap3A_1453 = tpu.vector_load %arg8[%swap3A_1452] {strides = array<i32>} : memref<16xf32, #tpu.memory_space<vmem>>, vector<16xf32>,
          %swap3A_1454 = vector.shape_cast %swap3A_1453 : vector<16xf32> to vector<16xf32>
          %swap3A_1455 = vector.shape_cast %min3A_1447 : vector<16xf32> to vector<16xf32>
          tpu.vector_store %arg8[%swap3A_1452], %swap3A_1455 {strides = array<i32>} : memref<16xf32, #tpu.memory_space<vmem>>, vector<16xf32>,
          %swap3A_1456 = arith.constant 0 : index
          %swap3A_1457 = tpu.vector_load %arg9[%swap3A_1456] {strides = array<i32>} : memref<16xf32, #tpu.memory_space<vmem>>, vector<16xf32>,
          %swap3A_1458 = vector.shape_cast %swap3A_1457 : vector<16xf32> to vector<16xf32>
          %swap3A_1459 = vector.shape_cast %max3A_1451 : vector<16xf32> to vector<16xf32>
          tpu.vector_store %arg9[%swap3A_1456], %swap3A_1459 {strides = array<i32>} : memref<16xf32, #tpu.memory_space<vmem>>, vector<16xf32>,
        }
        %scan3A_50 = arith.constant 64 : i32
        %get3A = arith.index_cast %add3A_24 : i32 to index
        %get3A_51 = arith.constant 0 : index
        %get3A_52 = tpu.vector_load %arg6[%get3A, %get3A_51] {strides = array<i32>} : memref<16x16xi32, #tpu.memory_space<vmem>>, vector<1x16xi32>,
        %get3A_53 = vector.shape_cast %get3A_52 : vector<1x16xi32> to vector<16xi32>
        %eq3A = arith.constant 0 : i32
        %eq3A_54 = vector.broadcast %eq3A : i32 to vector<16xi32>
        %eq3A_55 = arith.cmpi eq, %get3A_53, %eq3A_54 : vector<16xi32>
        %get3A_56 = arith.constant 0 : index
        %get3A_57 = tpu.vector_load %arg8[%get3A_56] {strides = array<i32>} : memref<16xf32, #tpu.memory_space<vmem>>, vector<16xf32>,
        %get3A_58 = vector.shape_cast %get3A_57 : vector<16xf32> to vector<16xf32>
        %get3A_59 = arith.constant 0 : index
        %get3A_60 = tpu.vector_load %arg9[%get3A_59] {strides = array<i32>} : memref<16xf32, #tpu.memory_space<vmem>>, vector<16xf32>,
        %get3A_61 = vector.shape_cast %get3A_60 : vector<16xf32> to vector<16xf32>
        %select_n3A = arith.select %eq3A_55, %get3A_58, %get3A_61 : vector<16xi1>, vector<16xf32>
        %mul3A_62 = arith.constant 16 : i32
        %mul3A_63 = arith.muli %add3A_24, %mul3A_62 : i32
        %swap3A_64 = arith.index_cast %mul3A_63 : i32 to index
        %swap3A_65 = tpu.vector_load %arg7[%swap3A_64] {strides = array<i32>} : memref<256xf32, #tpu.memory_space<vmem>>, vector<16xf32>,
        %swap3A_66 = vector.shape_cast %swap3A_65 : vector<16xf32> to vector<16xf32>
        %swap3A_67 = vector.shape_cast %select_n3A : vector<16xf32> to vector<16xf32>
        tpu.vector_store %arg7[%swap3A_64], %swap3A_67 {strides = array<i32>} : memref<256xf32, #tpu.memory_space<vmem>>, vector<16xf32>,
      }
      %scan3A_19 = arith.constant 16 : i32
      "tpu.region"() ({
        %run_scoped3A = tpu.sem_alloc : memref<!tpu.dma_semaphore, #tpu.memory_space<semaphore_mem>>
        %dma_start3A = arith.constant 0 : i32
        %dma_start3A_20 = tpu.memref_slice %arg4[%add3A_12, %dma_start3A] : memref<256x256xf32, #tpu.memory_space<hbm>> -> memref<1x256xf32, #tpu.memory_space<hbm>>
        %dma_start3A_21 = tpu.memref_squeeze %dma_start3A_20 : memref<1x256xf32, #tpu.memory_space<hbm>> -> memref<256xf32, #tpu.memory_space<hbm>>
        %dma_start3A_22 = arith.constant 0 : i32
        %dma_start3A_23 = tpu.memref_slice %arg4[%add3A_12, %dma_start3A_22] : memref<256x256xf32, #tpu.memory_space<hbm>> -> memref<1x256xf32, #tpu.memory_space<hbm>>
        %dma_start3A_24 = tpu.memref_squeeze %dma_start3A_23 : memref<1x256xf32, #tpu.memory_space<hbm>> -> memref<256xf32, #tpu.memory_space<hbm>>
        tpu.enqueue_dma source(%arg7 : memref<256xf32, #tpu.memory_space<vmem>>) target(%dma_start3A_24 : memref<256xf32, #tpu.memory_space<hbm>>) target_semaphore(%run_scoped3A : memref<!tpu.dma_semaphore, #tpu.memory_space<semaphore_mem>>)
        %dma_wait3A = arith.constant 0 : i32
        %dma_wait3A_25 = tpu.memref_slice %arg4[%add3A_12, %dma_wait3A] : memref<256x256xf32, #tpu.memory_space<hbm>> -> memref<1x256xf32, #tpu.memory_space<hbm>>
        %dma_wait3A_26 = tpu.memref_squeeze %dma_wait3A_25 : memref<1x256xf32, #tpu.memory_space<hbm>> -> memref<256xf32, #tpu.memory_space<hbm>>
        %dma_wait3A_27 = arith.constant 0 : i32
        %dma_wait3A_28 = tpu.memref_slice %arg4[%add3A_12, %dma_wait3A_27] : memref<256x256xf32, #tpu.memory_space<hbm>> -> memref<1x256xf32, #tpu.memory_space<hbm>>
        %dma_wait3A_29 = tpu.memref_squeeze %dma_wait3A_28 : memref<1x256xf32, #tpu.memory_space<hbm>> -> memref<256xf32, #tpu.memory_space<hbm>>
        tpu.wait_dma2 semaphore(%run_scoped3A : memref<!tpu.dma_semaphore, #tpu.memory_space<semaphore_mem>>) src(%arg7 : memref<256xf32, #tpu.memory_space<vmem>>) dst(%dma_wait3A_29 : memref<256xf32, #tpu.memory_space<hbm>>)
        tpu.yield
      }) : () -> ()
    }
    %scan3A_6 = arith.constant 8 : i32
    return
  }
}

module attributes {stable_mosaic.version = 14 : i64} {
  func.func @_fwd_kernel_tc(%arg0: i32, %arg1: i32, %arg2: memref<16x128xf32, #tpu.memory_space<vmem>>, %arg3: memref<1x256xi32, #tpu.memory_space<vmem>>, %arg4: memref<16x256xf32, #tpu.memory_space<vmem>>) attributes {dimension_semantics = [#tpu.dimension_semantics<arbitrary>, #tpu.dimension_semantics<arbitrary>], iteration_bounds = array<i64: 48, 1>, scalar_prefetch = 0 : i64, scratch_operands = 0 : i64, tpu.core_type = #tpu.core_type<tc>, window_params = [{transform_indices = @transform_0, window_bounds = array<i64: 16, 128>}, {transform_indices = @transform_1, window_bounds = array<i64: 1, 256>}, {transform_indices = @transform_2, window_bounds = array<i64: 16, 256>}]} {
    %iota3A = tpu.iota {dimensions = array<i32: 0>} : vector<16x256x1xi32>
    %iota3A_0 = tpu.iota {dimensions = array<i32: 1>} : vector<16x256x1xi32>
    %iota3A_1 = tpu.iota {dimensions = array<i32: 2>} : vector<1x1x128xi32>
    %mul3A = arith.constant 16 : i32
    %mul3A_2 = arith.muli %arg0, %mul3A : i32
    %mul3A_3 = arith.constant 98304 : i32
    %mul3A_4 = arith.muli %mul3A_2, %mul3A_3 : i32
    %mul3A_5 = arith.constant 256 : i32
    %mul3A_6 = arith.muli %arg1, %mul3A_5 : i32
    %mul3A_7 = arith.constant 384 : i32
    %mul3A_8 = arith.muli %mul3A_6, %mul3A_7 : i32
    %add3A = arith.addi %mul3A_4, %mul3A_8 : i32
    %mul3A_9 = arith.constant 98304 : i32
    %mul3A_10 = vector.broadcast %mul3A_9 : i32 to vector<16x256x1xi32>
    %mul3A_11 = arith.muli %iota3A, %mul3A_10 : vector<16x256x1xi32>
    %add3A_12 = vector.broadcast %add3A : i32 to vector<16x256x1xi32>
    %add3A_13 = arith.addi %add3A_12, %mul3A_11 : vector<16x256x1xi32>
    %mul3A_14 = arith.constant 384 : i32
    %mul3A_15 = vector.broadcast %mul3A_14 : i32 to vector<16x256x1xi32>
    %mul3A_16 = arith.muli %iota3A_0, %mul3A_15 : vector<16x256x1xi32>
    %add3A_17 = arith.addi %add3A_13, %mul3A_16 : vector<16x256x1xi32>
    %mul3A_18 = arith.constant 3 : i32
    %mul3A_19 = vector.broadcast %mul3A_18 : i32 to vector<1x1x128xi32>
    %mul3A_20 = arith.muli %iota3A_1, %mul3A_19 : vector<1x1x128xi32>
    %add3A_21 = vector.broadcast %add3A_17 : vector<16x256x1xi32> to vector<16x256x128xi32>
    %add3A_22 = vector.broadcast %mul3A_20 : vector<1x1x128xi32> to vector<16x256x128xi32>
    %add3A_23 = arith.addi %add3A_21, %add3A_22 : vector<16x256x128xi32>
    %add3A_24 = arith.constant -1776851121 : i32
    %add3A_25 = vector.broadcast %add3A_24 : i32 to vector<16x256x128xi32>
    %add3A_26 = arith.addi %add3A_23, %add3A_25 : vector<16x256x128xi32>
    %add3A_27 = arith.constant 1264997412 : i32
    %add3A_28 = vector.broadcast %add3A_27 : i32 to vector<16x256x128xi32>
    %add3A_29 = arith.addi %add3A_28, %add3A_26 : vector<16x256x128xi32>
    %shift_left3A = arith.constant 13 : i32
    %shift_left3A_30 = vector.broadcast %shift_left3A : i32 to vector<16x256x128xi32>
    %shift_left3A_31 = arith.shli %add3A_26, %shift_left3A_30 : vector<16x256x128xi32>
    %shift_right_logical3A = arith.constant 19 : i32
    %shift_right_logical3A_32 = vector.broadcast %shift_right_logical3A : i32 to vector<16x256x128xi32>
    %shift_right_logical3A_33 = arith.shrui %add3A_26, %shift_right_logical3A_32 : vector<16x256x128xi32>
    %or3A = arith.ori %shift_left3A_31, %shift_right_logical3A_33 : vector<16x256x128xi32>
    %xor3A = arith.xori %or3A, %add3A_29 : vector<16x256x128xi32>
    %add3A_34 = arith.addi %add3A_29, %xor3A : vector<16x256x128xi32>
    %shift_left3A_35 = arith.constant 15 : i32
    %shift_left3A_36 = vector.broadcast %shift_left3A_35 : i32 to vector<16x256x128xi32>
    %shift_left3A_37 = arith.shli %xor3A, %shift_left3A_36 : vector<16x256x128xi32>
    %shift_right_logical3A_38 = arith.constant 17 : i32
    %shift_right_logical3A_39 = vector.broadcast %shift_right_logical3A_38 : i32 to vector<16x256x128xi32>
    %shift_right_logical3A_40 = arith.shrui %xor3A, %shift_right_logical3A_39 : vector<16x256x128xi32>
    %or3A_41 = arith.ori %shift_left3A_37, %shift_right_logical3A_40 : vector<16x256x128xi32>
    %xor3A_42 = arith.xori %or3A_41, %add3A_34 : vector<16x256x128xi32>
    %add3A_43 = arith.addi %add3A_34, %xor3A_42 : vector<16x256x128xi32>
    %shift_left3A_44 = arith.constant 26 : i32
    %shift_left3A_45 = vector.broadcast %shift_left3A_44 : i32 to vector<16x256x128xi32>
    %shift_left3A_46 = arith.shli %xor3A_42, %shift_left3A_45 : vector<16x256x128xi32>
    %shift_right_logical3A_47 = arith.constant 6 : i32
    %shift_right_logical3A_48 = vector.broadcast %shift_right_logical3A_47 : i32 to vector<16x256x128xi32>
    %shift_right_logical3A_49 = arith.shrui %xor3A_42, %shift_right_logical3A_48 : vector<16x256x128xi32>
    %or3A_50 = arith.ori %shift_left3A_46, %shift_right_logical3A_49 : vector<16x256x128xi32>
    %xor3A_51 = arith.xori %or3A_50, %add3A_43 : vector<16x256x128xi32>
    %add3A_52 = arith.addi %add3A_43, %xor3A_51 : vector<16x256x128xi32>
    %shift_left3A_53 = arith.constant 6 : i32
    %shift_left3A_54 = vector.broadcast %shift_left3A_53 : i32 to vector<16x256x128xi32>
    %shift_left3A_55 = arith.shli %xor3A_51, %shift_left3A_54 : vector<16x256x128xi32>
    %shift_right_logical3A_56 = arith.constant 26 : i32
    %shift_right_logical3A_57 = vector.broadcast %shift_right_logical3A_56 : i32 to vector<16x256x128xi32>
    %shift_right_logical3A_58 = arith.shrui %xor3A_51, %shift_right_logical3A_57 : vector<16x256x128xi32>
    %or3A_59 = arith.ori %shift_left3A_55, %shift_right_logical3A_58 : vector<16x256x128xi32>
    %xor3A_60 = arith.xori %or3A_59, %add3A_52 : vector<16x256x128xi32>
    %add3A_61 = arith.constant -1776851121 : i32
    %add3A_62 = vector.broadcast %add3A_61 : i32 to vector<16x256x128xi32>
    %add3A_63 = arith.addi %add3A_52, %add3A_62 : vector<16x256x128xi32>
    %add3A_64 = arith.constant -962582350 : i32
    %add3A_65 = vector.broadcast %add3A_64 : i32 to vector<16x256x128xi32>
    %add3A_66 = arith.addi %xor3A_60, %add3A_65 : vector<16x256x128xi32>
    %add3A_67 = arith.addi %add3A_63, %add3A_66 : vector<16x256x128xi32>
    %shift_left3A_68 = arith.constant 17 : i32
    %shift_left3A_69 = vector.broadcast %shift_left3A_68 : i32 to vector<16x256x128xi32>
    %shift_left3A_70 = arith.shli %add3A_66, %shift_left3A_69 : vector<16x256x128xi32>
    %shift_right_logical3A_71 = arith.constant 15 : i32
    %shift_right_logical3A_72 = vector.broadcast %shift_right_logical3A_71 : i32 to vector<16x256x128xi32>
    %shift_right_logical3A_73 = arith.shrui %add3A_66, %shift_right_logical3A_72 : vector<16x256x128xi32>
    %or3A_74 = arith.ori %shift_left3A_70, %shift_right_logical3A_73 : vector<16x256x128xi32>
    %xor3A_75 = arith.xori %or3A_74, %add3A_67 : vector<16x256x128xi32>
    %add3A_76 = arith.addi %add3A_67, %xor3A_75 : vector<16x256x128xi32>
    %shift_left3A_77 = arith.constant 29 : i32
    %shift_left3A_78 = vector.broadcast %shift_left3A_77 : i32 to vector<16x256x128xi32>
    %shift_left3A_79 = arith.shli %xor3A_75, %shift_left3A_78 : vector<16x256x128xi32>
    %shift_right_logical3A_80 = arith.constant 3 : i32
    %shift_right_logical3A_81 = vector.broadcast %shift_right_logical3A_80 : i32 to vector<16x256x128xi32>
    %shift_right_logical3A_82 = arith.shrui %xor3A_75, %shift_right_logical3A_81 : vector<16x256x128xi32>
    %or3A_83 = arith.ori %shift_left3A_79, %shift_right_logical3A_82 : vector<16x256x128xi32>
    %xor3A_84 = arith.xori %or3A_83, %add3A_76 : vector<16x256x128xi32>
    %add3A_85 = arith.addi %add3A_76, %xor3A_84 : vector<16x256x128xi32>
    %shift_left3A_86 = arith.constant 16 : i32
    %shift_left3A_87 = vector.broadcast %shift_left3A_86 : i32 to vector<16x256x128xi32>
    %shift_left3A_88 = arith.shli %xor3A_84, %shift_left3A_87 : vector<16x256x128xi32>
    %shift_right_logical3A_89 = arith.constant 16 : i32
    %shift_right_logical3A_90 = vector.broadcast %shift_right_logical3A_89 : i32 to vector<16x256x128xi32>
    %shift_right_logical3A_91 = arith.shrui %xor3A_84, %shift_right_logical3A_90 : vector<16x256x128xi32>
    %or3A_92 = arith.ori %shift_left3A_88, %shift_right_logical3A_91 : vector<16x256x128xi32>
    %xor3A_93 = arith.xori %or3A_92, %add3A_85 : vector<16x256x128xi32>
    %add3A_94 = arith.addi %add3A_85, %xor3A_93 : vector<16x256x128xi32>
    %shift_left3A_95 = arith.constant 24 : i32
    %shift_left3A_96 = vector.broadcast %shift_left3A_95 : i32 to vector<16x256x128xi32>
    %shift_left3A_97 = arith.shli %xor3A_93, %shift_left3A_96 : vector<16x256x128xi32>
    %shift_right_logical3A_98 = arith.constant 8 : i32
    %shift_right_logical3A_99 = vector.broadcast %shift_right_logical3A_98 : i32 to vector<16x256x128xi32>
    %shift_right_logical3A_100 = arith.shrui %xor3A_93, %shift_right_logical3A_99 : vector<16x256x128xi32>
    %or3A_101 = arith.ori %shift_left3A_97, %shift_right_logical3A_100 : vector<16x256x128xi32>
    %xor3A_102 = arith.xori %or3A_101, %add3A_94 : vector<16x256x128xi32>
    %add3A_103 = arith.constant -962582351 : i32
    %add3A_104 = vector.broadcast %add3A_103 : i32 to vector<16x256x128xi32>
    %add3A_105 = arith.addi %add3A_94, %add3A_104 : vector<16x256x128xi32>
    %add3A_106 = arith.constant 1264997414 : i32
    %add3A_107 = vector.broadcast %add3A_106 : i32 to vector<16x256x128xi32>
    %add3A_108 = arith.addi %xor3A_102, %add3A_107 : vector<16x256x128xi32>
    %add3A_109 = arith.addi %add3A_105, %add3A_108 : vector<16x256x128xi32>
    %shift_left3A_110 = arith.constant 13 : i32
    %shift_left3A_111 = vector.broadcast %shift_left3A_110 : i32 to vector<16x256x128xi32>
    %shift_left3A_112 = arith.shli %add3A_108, %shift_left3A_111 : vector<16x256x128xi32>
    %shift_right_logical3A_113 = arith.constant 19 : i32
    %shift_right_logical3A_114 = vector.broadcast %shift_right_logical3A_113 : i32 to vector<16x256x128xi32>
    %shift_right_logical3A_115 = arith.shrui %add3A_108, %shift_right_logical3A_114 : vector<16x256x128xi32>
    %or3A_116 = arith.ori %shift_left3A_112, %shift_right_logical3A_115 : vector<16x256x128xi32>
    %xor3A_117 = arith.xori %or3A_116, %add3A_109 : vector<16x256x128xi32>
    %add3A_118 = arith.addi %add3A_109, %xor3A_117 : vector<16x256x128xi32>
    %shift_left3A_119 = arith.constant 15 : i32
    %shift_left3A_120 = vector.broadcast %shift_left3A_119 : i32 to vector<16x256x128xi32>
    %shift_left3A_121 = arith.shli %xor3A_117, %shift_left3A_120 : vector<16x256x128xi32>
    %shift_right_logical3A_122 = arith.constant 17 : i32
    %shift_right_logical3A_123 = vector.broadcast %shift_right_logical3A_122 : i32 to vector<16x256x128xi32>
    %shift_right_logical3A_124 = arith.shrui %xor3A_117, %shift_right_logical3A_123 : vector<16x256x128xi32>
    %or3A_125 = arith.ori %shift_left3A_121, %shift_right_logical3A_124 : vector<16x256x128xi32>
    %xor3A_126 = arith.xori %or3A_125, %add3A_118 : vector<16x256x128xi32>
    %add3A_127 = arith.addi %add3A_118, %xor3A_126 : vector<16x256x128xi32>
    %shift_left3A_128 = arith.constant 26 : i32
    %shift_left3A_129 = vector.broadcast %shift_left3A_128 : i32 to vector<16x256x128xi32>
    %shift_left3A_130 = arith.shli %xor3A_126, %shift_left3A_129 : vector<16x256x128xi32>
    %shift_right_logical3A_131 = arith.constant 6 : i32
    %shift_right_logical3A_132 = vector.broadcast %shift_right_logical3A_131 : i32 to vector<16x256x128xi32>
    %shift_right_logical3A_133 = arith.shrui %xor3A_126, %shift_right_logical3A_132 : vector<16x256x128xi32>
    %or3A_134 = arith.ori %shift_left3A_130, %shift_right_logical3A_133 : vector<16x256x128xi32>
    %xor3A_135 = arith.xori %or3A_134, %add3A_127 : vector<16x256x128xi32>
    %add3A_136 = arith.addi %add3A_127, %xor3A_135 : vector<16x256x128xi32>
    %shift_left3A_137 = arith.constant 6 : i32
    %shift_left3A_138 = vector.broadcast %shift_left3A_137 : i32 to vector<16x256x128xi32>
    %shift_left3A_139 = arith.shli %xor3A_135, %shift_left3A_138 : vector<16x256x128xi32>
    %shift_right_logical3A_140 = arith.constant 26 : i32
    %shift_right_logical3A_141 = vector.broadcast %shift_right_logical3A_140 : i32 to vector<16x256x128xi32>
    %shift_right_logical3A_142 = arith.shrui %xor3A_135, %shift_right_logical3A_141 : vector<16x256x128xi32>
    %or3A_143 = arith.ori %shift_left3A_139, %shift_right_logical3A_142 : vector<16x256x128xi32>
    %xor3A_144 = arith.xori %or3A_143, %add3A_136 : vector<16x256x128xi32>
    %add3A_145 = arith.constant 1264997412 : i32
    %add3A_146 = vector.broadcast %add3A_145 : i32 to vector<16x256x128xi32>
    %add3A_147 = arith.addi %add3A_136, %add3A_146 : vector<16x256x128xi32>
    %add3A_148 = arith.constant -1776851118 : i32
    %add3A_149 = vector.broadcast %add3A_148 : i32 to vector<16x256x128xi32>
    %add3A_150 = arith.addi %xor3A_144, %add3A_149 : vector<16x256x128xi32>
    %add3A_151 = arith.addi %add3A_147, %add3A_150 : vector<16x256x128xi32>
    %shift_left3A_152 = arith.constant 17 : i32
    %shift_left3A_153 = vector.broadcast %shift_left3A_152 : i32 to vector<16x256x128xi32>
    %shift_left3A_154 = arith.shli %add3A_150, %shift_left3A_153 : vector<16x256x128xi32>
    %shift_right_logical3A_155 = arith.constant 15 : i32
    %shift_right_logical3A_156 = vector.broadcast %shift_right_logical3A_155 : i32 to vector<16x256x128xi32>
    %shift_right_logical3A_157 = arith.shrui %add3A_150, %shift_right_logical3A_156 : vector<16x256x128xi32>
    %or3A_158 = arith.ori %shift_left3A_154, %shift_right_logical3A_157 : vector<16x256x128xi32>
    %xor3A_159 = arith.xori %or3A_158, %add3A_151 : vector<16x256x128xi32>
    %add3A_160 = arith.addi %add3A_151, %xor3A_159 : vector<16x256x128xi32>
    %shift_left3A_161 = arith.constant 29 : i32
    %shift_left3A_162 = vector.broadcast %shift_left3A_161 : i32 to vector<16x256x128xi32>
    %shift_left3A_163 = arith.shli %xor3A_159, %shift_left3A_162 : vector<16x256x128xi32>
    %shift_right_logical3A_164 = arith.constant 3 : i32
    %shift_right_logical3A_165 = vector.broadcast %shift_right_logical3A_164 : i32 to vector<16x256x128xi32>
    %shift_right_logical3A_166 = arith.shrui %xor3A_159, %shift_right_logical3A_165 : vector<16x256x128xi32>
    %or3A_167 = arith.ori %shift_left3A_163, %shift_right_logical3A_166 : vector<16x256x128xi32>
    %xor3A_168 = arith.xori %or3A_167, %add3A_160 : vector<16x256x128xi32>
    %add3A_169 = arith.addi %add3A_160, %xor3A_168 : vector<16x256x128xi32>
    %shift_left3A_170 = arith.constant 16 : i32
    %shift_left3A_171 = vector.broadcast %shift_left3A_170 : i32 to vector<16x256x128xi32>
    %shift_left3A_172 = arith.shli %xor3A_168, %shift_left3A_171 : vector<16x256x128xi32>
    %shift_right_logical3A_173 = arith.constant 16 : i32
    %shift_right_logical3A_174 = vector.broadcast %shift_right_logical3A_173 : i32 to vector<16x256x128xi32>
    %shift_right_logical3A_175 = arith.shrui %xor3A_168, %shift_right_logical3A_174 : vector<16x256x128xi32>
    %or3A_176 = arith.ori %shift_left3A_172, %shift_right_logical3A_175 : vector<16x256x128xi32>
    %xor3A_177 = arith.xori %or3A_176, %add3A_169 : vector<16x256x128xi32>
    %add3A_178 = arith.addi %add3A_169, %xor3A_177 : vector<16x256x128xi32>
    %shift_left3A_179 = arith.constant 24 : i32
    %shift_left3A_180 = vector.broadcast %shift_left3A_179 : i32 to vector<16x256x128xi32>
    %shift_left3A_181 = arith.shli %xor3A_177, %shift_left3A_180 : vector<16x256x128xi32>
    %shift_right_logical3A_182 = arith.constant 8 : i32
    %shift_right_logical3A_183 = vector.broadcast %shift_right_logical3A_182 : i32 to vector<16x256x128xi32>
    %shift_right_logical3A_184 = arith.shrui %xor3A_177, %shift_right_logical3A_183 : vector<16x256x128xi32>
    %or3A_185 = arith.ori %shift_left3A_181, %shift_right_logical3A_184 : vector<16x256x128xi32>
    %xor3A_186 = arith.xori %or3A_185, %add3A_178 : vector<16x256x128xi32>
    %add3A_187 = arith.constant -1776851121 : i32
    %add3A_188 = vector.broadcast %add3A_187 : i32 to vector<16x256x128xi32>
    %add3A_189 = arith.addi %add3A_178, %add3A_188 : vector<16x256x128xi32>
    %add3A_190 = arith.constant -962582347 : i32
    %add3A_191 = vector.broadcast %add3A_190 : i32 to vector<16x256x128xi32>
    %add3A_192 = arith.addi %xor3A_186, %add3A_191 : vector<16x256x128xi32>
    %add3A_193 = arith.addi %add3A_189, %add3A_192 : vector<16x256x128xi32>
    %shift_left3A_194 = arith.constant 13 : i32
    %shift_left3A_195 = vector.broadcast %shift_left3A_194 : i32 to vector<16x256x128xi32>
    %shift_left3A_196 = arith.shli %add3A_192, %shift_left3A_195 : vector<16x256x128xi32>
    %shift_right_logical3A_197 = arith.constant 19 : i32
    %shift_right_logical3A_198 = vector.broadcast %shift_right_logical3A_197 : i32 to vector<16x256x128xi32>
    %shift_right_logical3A_199 = arith.shrui %add3A_192, %shift_right_logical3A_198 : vector<16x256x128xi32>
    %or3A_200 = arith.ori %shift_left3A_196, %shift_right_logical3A_199 : vector<16x256x128xi32>
    %xor3A_201 = arith.xori %or3A_200, %add3A_193 : vector<16x256x128xi32>
    %add3A_202 = arith.addi %add3A_193, %xor3A_201 : vector<16x256x128xi32>
    %shift_left3A_203 = arith.constant 15 : i32
    %shift_left3A_204 = vector.broadcast %shift_left3A_203 : i32 to vector<16x256x128xi32>
    %shift_left3A_205 = arith.shli %xor3A_201, %shift_left3A_204 : vector<16x256x128xi32>
    %shift_right_logical3A_206 = arith.constant 17 : i32
    %shift_right_logical3A_207 = vector.broadcast %shift_right_logical3A_206 : i32 to vector<16x256x128xi32>
    %shift_right_logical3A_208 = arith.shrui %xor3A_201, %shift_right_logical3A_207 : vector<16x256x128xi32>
    %or3A_209 = arith.ori %shift_left3A_205, %shift_right_logical3A_208 : vector<16x256x128xi32>
    %xor3A_210 = arith.xori %or3A_209, %add3A_202 : vector<16x256x128xi32>
    %add3A_211 = arith.addi %add3A_202, %xor3A_210 : vector<16x256x128xi32>
    %shift_left3A_212 = arith.constant 26 : i32
    %shift_left3A_213 = vector.broadcast %shift_left3A_212 : i32 to vector<16x256x128xi32>
    %shift_left3A_214 = arith.shli %xor3A_210, %shift_left3A_213 : vector<16x256x128xi32>
    %shift_right_logical3A_215 = arith.constant 6 : i32
    %shift_right_logical3A_216 = vector.broadcast %shift_right_logical3A_215 : i32 to vector<16x256x128xi32>
    %shift_right_logical3A_217 = arith.shrui %xor3A_210, %shift_right_logical3A_216 : vector<16x256x128xi32>
    %or3A_218 = arith.ori %shift_left3A_214, %shift_right_logical3A_217 : vector<16x256x128xi32>
    %xor3A_219 = arith.xori %or3A_218, %add3A_211 : vector<16x256x128xi32>
    %add3A_220 = arith.addi %add3A_211, %xor3A_219 : vector<16x256x128xi32>
    %shift_left3A_221 = arith.constant 6 : i32
    %shift_left3A_222 = vector.broadcast %shift_left3A_221 : i32 to vector<16x256x128xi32>
    %shift_left3A_223 = arith.shli %xor3A_219, %shift_left3A_222 : vector<16x256x128xi32>
    %shift_right_logical3A_224 = arith.constant 26 : i32
    %shift_right_logical3A_225 = vector.broadcast %shift_right_logical3A_224 : i32 to vector<16x256x128xi32>
    %shift_right_logical3A_226 = arith.shrui %xor3A_219, %shift_right_logical3A_225 : vector<16x256x128xi32>
    %or3A_227 = arith.ori %shift_left3A_223, %shift_right_logical3A_226 : vector<16x256x128xi32>
    %xor3A_228 = arith.xori %or3A_227, %add3A_220 : vector<16x256x128xi32>
    %add3A_229 = arith.constant -962582351 : i32
    %add3A_230 = vector.broadcast %add3A_229 : i32 to vector<16x256x128xi32>
    %add3A_231 = arith.addi %add3A_220, %add3A_230 : vector<16x256x128xi32>
    %add3A_232 = arith.constant 1264997417 : i32
    %add3A_233 = vector.broadcast %add3A_232 : i32 to vector<16x256x128xi32>
    %add3A_234 = arith.addi %xor3A_228, %add3A_233 : vector<16x256x128xi32>
    %xor3A_235 = arith.xori %add3A_231, %add3A_234 : vector<16x256x128xi32>
    %shift_right_logical3A_236 = arith.constant 9 : i32
    %shift_right_logical3A_237 = vector.broadcast %shift_right_logical3A_236 : i32 to vector<16x256x128xi32>
    %shift_right_logical3A_238 = arith.shrui %xor3A_235, %shift_right_logical3A_237 : vector<16x256x128xi32>
    %add3A_239 = arith.constant 1 : i32
    %add3A_240 = vector.broadcast %add3A_239 : i32 to vector<16x256x128xi32>
    %add3A_241 = arith.addi %add3A_23, %add3A_240 : vector<16x256x128xi32>
    %add3A_242 = arith.constant -1776851121 : i32
    %add3A_243 = vector.broadcast %add3A_242 : i32 to vector<16x256x128xi32>
    %add3A_244 = arith.addi %add3A_241, %add3A_243 : vector<16x256x128xi32>
    %add3A_245 = arith.constant 1264997412 : i32
    %add3A_246 = vector.broadcast %add3A_245 : i32 to vector<16x256x128xi32>
    %add3A_247 = arith.addi %add3A_246, %add3A_244 : vector<16x256x128xi32>
    %shift_left3A_248 = arith.constant 13 : i32
    %shift_left3A_249 = vector.broadcast %shift_left3A_248 : i32 to vector<16x256x128xi32>
    %shift_left3A_250 = arith.shli %add3A_244, %shift_left3A_249 : vector<16x256x128xi32>
    %shift_right_logical3A_251 = arith.constant 19 : i32
    %shift_right_logical3A_252 = vector.broadcast %shift_right_logical3A_251 : i32 to vector<16x256x128xi32>
    %shift_right_logical3A_253 = arith.shrui %add3A_244, %shift_right_logical3A_252 : vector<16x256x128xi32>
    %or3A_254 = arith.ori %shift_left3A_250, %shift_right_logical3A_253 : vector<16x256x128xi32>
    %xor3A_255 = arith.xori %or3A_254, %add3A_247 : vector<16x256x128xi32>
    %add3A_256 = arith.addi %add3A_247, %xor3A_255 : vector<16x256x128xi32>
    %shift_left3A_257 = arith.constant 15 : i32
    %shift_left3A_258 = vector.broadcast %shift_left3A_257 : i32 to vector<16x256x128xi32>
    %shift_left3A_259 = arith.shli %xor3A_255, %shift_left3A_258 : vector<16x256x128xi32>
    %shift_right_logical3A_260 = arith.constant 17 : i32
    %shift_right_logical3A_261 = vector.broadcast %shift_right_logical3A_260 : i32 to vector<16x256x128xi32>
    %shift_right_logical3A_262 = arith.shrui %xor3A_255, %shift_right_logical3A_261 : vector<16x256x128xi32>
    %or3A_263 = arith.ori %shift_left3A_259, %shift_right_logical3A_262 : vector<16x256x128xi32>
    %xor3A_264 = arith.xori %or3A_263, %add3A_256 : vector<16x256x128xi32>
    %add3A_265 = arith.addi %add3A_256, %xor3A_264 : vector<16x256x128xi32>
    %shift_left3A_266 = arith.constant 26 : i32
    %shift_left3A_267 = vector.broadcast %shift_left3A_266 : i32 to vector<16x256x128xi32>
    %shift_left3A_268 = arith.shli %xor3A_264, %shift_left3A_267 : vector<16x256x128xi32>
    %shift_right_logical3A_269 = arith.constant 6 : i32
    %shift_right_logical3A_270 = vector.broadcast %shift_right_logical3A_269 : i32 to vector<16x256x128xi32>
    %shift_right_logical3A_271 = arith.shrui %xor3A_264, %shift_right_logical3A_270 : vector<16x256x128xi32>
    %or3A_272 = arith.ori %shift_left3A_268, %shift_right_logical3A_271 : vector<16x256x128xi32>
    %xor3A_273 = arith.xori %or3A_272, %add3A_265 : vector<16x256x128xi32>
    %add3A_274 = arith.addi %add3A_265, %xor3A_273 : vector<16x256x128xi32>
    %shift_left3A_275 = arith.constant 6 : i32
    %shift_left3A_276 = vector.broadcast %shift_left3A_275 : i32 to vector<16x256x128xi32>
    %shift_left3A_277 = arith.shli %xor3A_273, %shift_left3A_276 : vector<16x256x128xi32>
    %shift_right_logical3A_278 = arith.constant 26 : i32
    %shift_right_logical3A_279 = vector.broadcast %shift_right_logical3A_278 : i32 to vector<16x256x128xi32>
    %shift_right_logical3A_280 = arith.shrui %xor3A_273, %shift_right_logical3A_279 : vector<16x256x128xi32>
    %or3A_281 = arith.ori %shift_left3A_277, %shift_right_logical3A_280 : vector<16x256x128xi32>
    %xor3A_282 = arith.xori %or3A_281, %add3A_274 : vector<16x256x128xi32>
    %add3A_283 = arith.constant -1776851121 : i32
    %add3A_284 = vector.broadcast %add3A_283 : i32 to vector<16x256x128xi32>
    %add3A_285 = arith.addi %add3A_274, %add3A_284 : vector<16x256x128xi32>
    %add3A_286 = arith.constant -962582350 : i32
    %add3A_287 = vector.broadcast %add3A_286 : i32 to vector<16x256x128xi32>
    %add3A_288 = arith.addi %xor3A_282, %add3A_287 : vector<16x256x128xi32>
    %add3A_289 = arith.addi %add3A_285, %add3A_288 : vector<16x256x128xi32>
    %shift_left3A_290 = arith.constant 17 : i32
    %shift_left3A_291 = vector.broadcast %shift_left3A_290 : i32 to vector<16x256x128xi32>
    %shift_left3A_292 = arith.shli %add3A_288, %shift_left3A_291 : vector<16x256x128xi32>
    %shift_right_logical3A_293 = arith.constant 15 : i32
    %shift_right_logical3A_294 = vector.broadcast %shift_right_logical3A_293 : i32 to vector<16x256x128xi32>
    %shift_right_logical3A_295 = arith.shrui %add3A_288, %shift_right_logical3A_294 : vector<16x256x128xi32>
    %or3A_296 = arith.ori %shift_left3A_292, %shift_right_logical3A_295 : vector<16x256x128xi32>
    %xor3A_297 = arith.xori %or3A_296, %add3A_289 : vector<16x256x128xi32>
    %add3A_298 = arith.addi %add3A_289, %xor3A_297 : vector<16x256x128xi32>
    %shift_left3A_299 = arith.constant 29 : i32
    %shift_left3A_300 = vector.broadcast %shift_left3A_299 : i32 to vector<16x256x128xi32>
    %shift_left3A_301 = arith.shli %xor3A_297, %shift_left3A_300 : vector<16x256x128xi32>
    %shift_right_logical3A_302 = arith.constant 3 : i32
    %shift_right_logical3A_303 = vector.broadcast %shift_right_logical3A_302 : i32 to vector<16x256x128xi32>
    %shift_right_logical3A_304 = arith.shrui %xor3A_297, %shift_right_logical3A_303 : vector<16x256x128xi32>
    %or3A_305 = arith.ori %shift_left3A_301, %shift_right_logical3A_304 : vector<16x256x128xi32>
    %xor3A_306 = arith.xori %or3A_305, %add3A_298 : vector<16x256x128xi32>
    %add3A_307 = arith.addi %add3A_298, %xor3A_306 : vector<16x256x128xi32>
    %shift_left3A_308 = arith.constant 16 : i32
    %shift_left3A_309 = vector.broadcast %shift_left3A_308 : i32 to vector<16x256x128xi32>
    %shift_left3A_310 = arith.shli %xor3A_306, %shift_left3A_309 : vector<16x256x128xi32>
    %shift_right_logical3A_311 = arith.constant 16 : i32
    %shift_right_logical3A_312 = vector.broadcast %shift_right_logical3A_311 : i32 to vector<16x256x128xi32>
    %shift_right_logical3A_313 = arith.shrui %xor3A_306, %shift_right_logical3A_312 : vector<16x256x128xi32>
    %or3A_314 = arith.ori %shift_left3A_310, %shift_right_logical3A_313 : vector<16x256x128xi32>
    %xor3A_315 = arith.xori %or3A_314, %add3A_307 : vector<16x256x128xi32>
    %add3A_316 = arith.addi %add3A_307, %xor3A_315 : vector<16x256x128xi32>
    %shift_left3A_317 = arith.constant 24 : i32
    %shift_left3A_318 = vector.broadcast %shift_left3A_317 : i32 to vector<16x256x128xi32>
    %shift_left3A_319 = arith.shli %xor3A_315, %shift_left3A_318 : vector<16x256x128xi32>
    %shift_right_logical3A_320 = arith.constant 8 : i32
    %shift_right_logical3A_321 = vector.broadcast %shift_right_logical3A_320 : i32 to vector<16x256x128xi32>
    %shift_right_logical3A_322 = arith.shrui %xor3A_315, %shift_right_logical3A_321 : vector<16x256x128xi32>
    %or3A_323 = arith.ori %shift_left3A_319, %shift_right_logical3A_322 : vector<16x256x128xi32>
    %xor3A_324 = arith.xori %or3A_323, %add3A_316 : vector<16x256x128xi32>
    %add3A_325 = arith.constant -962582351 : i32
    %add3A_326 = vector.broadcast %add3A_325 : i32 to vector<16x256x128xi32>
    %add3A_327 = arith.addi %add3A_316, %add3A_326 : vector<16x256x128xi32>
    %add3A_328 = arith.constant 1264997414 : i32
    %add3A_329 = vector.broadcast %add3A_328 : i32 to vector<16x256x128xi32>
    %add3A_330 = arith.addi %xor3A_324, %add3A_329 : vector<16x256x128xi32>
    %add3A_331 = arith.addi %add3A_327, %add3A_330 : vector<16x256x128xi32>
    %shift_left3A_332 = arith.constant 13 : i32
    %shift_left3A_333 = vector.broadcast %shift_left3A_332 : i32 to vector<16x256x128xi32>
    %shift_left3A_334 = arith.shli %add3A_330, %shift_left3A_333 : vector<16x256x128xi32>
    %shift_right_logical3A_335 = arith.constant 19 : i32
    %shift_right_logical3A_336 = vector.broadcast %shift_right_logical3A_335 : i32 to vector<16x256x128xi32>
    %shift_right_logical3A_337 = arith.shrui %add3A_330, %shift_right_logical3A_336 : vector<16x256x128xi32>
    %or3A_338 = arith.ori %shift_left3A_334, %shift_right_logical3A_337 : vector<16x256x128xi32>
    %xor3A_339 = arith.xori %or3A_338, %add3A_331 : vector<16x256x128xi32>
    %add3A_340 = arith.addi %add3A_331, %xor3A_339 : vector<16x256x128xi32>
    %shift_left3A_341 = arith.constant 15 : i32
    %shift_left3A_342 = vector.broadcast %shift_left3A_341 : i32 to vector<16x256x128xi32>
    %shift_left3A_343 = arith.shli %xor3A_339, %shift_left3A_342 : vector<16x256x128xi32>
    %shift_right_logical3A_344 = arith.constant 17 : i32
    %shift_right_logical3A_345 = vector.broadcast %shift_right_logical3A_344 : i32 to vector<16x256x128xi32>
    %shift_right_logical3A_346 = arith.shrui %xor3A_339, %shift_right_logical3A_345 : vector<16x256x128xi32>
    %or3A_347 = arith.ori %shift_left3A_343, %shift_right_logical3A_346 : vector<16x256x128xi32>
    %xor3A_348 = arith.xori %or3A_347, %add3A_340 : vector<16x256x128xi32>
    %add3A_349 = arith.addi %add3A_340, %xor3A_348 : vector<16x256x128xi32>
    %shift_left3A_350 = arith.constant 26 : i32
    %shift_left3A_351 = vector.broadcast %shift_left3A_350 : i32 to vector<16x256x128xi32>
    %shift_left3A_352 = arith.shli %xor3A_348, %shift_left3A_351 : vector<16x256x128xi32>
    %shift_right_logical3A_353 = arith.constant 6 : i32
    %shift_right_logical3A_354 = vector.broadcast %shift_right_logical3A_353 : i32 to vector<16x256x128xi32>
    %shift_right_logical3A_355 = arith.shrui %xor3A_348, %shift_right_logical3A_354 : vector<16x256x128xi32>
    %or3A_356 = arith.ori %shift_left3A_352, %shift_right_logical3A_355 : vector<16x256x128xi32>
    %xor3A_357 = arith.xori %or3A_356, %add3A_349 : vector<16x256x128xi32>
    %add3A_358 = arith.addi %add3A_349, %xor3A_357 : vector<16x256x128xi32>
    %shift_left3A_359 = arith.constant 6 : i32
    %shift_left3A_360 = vector.broadcast %shift_left3A_359 : i32 to vector<16x256x128xi32>
    %shift_left3A_361 = arith.shli %xor3A_357, %shift_left3A_360 : vector<16x256x128xi32>
    %shift_right_logical3A_362 = arith.constant 26 : i32
    %shift_right_logical3A_363 = vector.broadcast %shift_right_logical3A_362 : i32 to vector<16x256x128xi32>
    %shift_right_logical3A_364 = arith.shrui %xor3A_357, %shift_right_logical3A_363 : vector<16x256x128xi32>
    %or3A_365 = arith.ori %shift_left3A_361, %shift_right_logical3A_364 : vector<16x256x128xi32>
    %xor3A_366 = arith.xori %or3A_365, %add3A_358 : vector<16x256x128xi32>
    %add3A_367 = arith.constant 1264997412 : i32
    %add3A_368 = vector.broadcast %add3A_367 : i32 to vector<16x256x128xi32>
    %add3A_369 = arith.addi %add3A_358, %add3A_368 : vector<16x256x128xi32>
    %add3A_370 = arith.constant -1776851118 : i32
    %add3A_371 = vector.broadcast %add3A_370 : i32 to vector<16x256x128xi32>
    %add3A_372 = arith.addi %xor3A_366, %add3A_371 : vector<16x256x128xi32>
    %add3A_373 = arith.addi %add3A_369, %add3A_372 : vector<16x256x128xi32>
    %shift_left3A_374 = arith.constant 17 : i32
    %shift_left3A_375 = vector.broadcast %shift_left3A_374 : i32 to vector<16x256x128xi32>
    %shift_left3A_376 = arith.shli %add3A_372, %shift_left3A_375 : vector<16x256x128xi32>
    %shift_right_logical3A_377 = arith.constant 15 : i32
    %shift_right_logical3A_378 = vector.broadcast %shift_right_logical3A_377 : i32 to vector<16x256x128xi32>
    %shift_right_logical3A_379 = arith.shrui %add3A_372, %shift_right_logical3A_378 : vector<16x256x128xi32>
    %or3A_380 = arith.ori %shift_left3A_376, %shift_right_logical3A_379 : vector<16x256x128xi32>
    %xor3A_381 = arith.xori %or3A_380, %add3A_373 : vector<16x256x128xi32>
    %add3A_382 = arith.addi %add3A_373, %xor3A_381 : vector<16x256x128xi32>
    %shift_left3A_383 = arith.constant 29 : i32
    %shift_left3A_384 = vector.broadcast %shift_left3A_383 : i32 to vector<16x256x128xi32>
    %shift_left3A_385 = arith.shli %xor3A_381, %shift_left3A_384 : vector<16x256x128xi32>
    %shift_right_logical3A_386 = arith.constant 3 : i32
    %shift_right_logical3A_387 = vector.broadcast %shift_right_logical3A_386 : i32 to vector<16x256x128xi32>
    %shift_right_logical3A_388 = arith.shrui %xor3A_381, %shift_right_logical3A_387 : vector<16x256x128xi32>
    %or3A_389 = arith.ori %shift_left3A_385, %shift_right_logical3A_388 : vector<16x256x128xi32>
    %xor3A_390 = arith.xori %or3A_389, %add3A_382 : vector<16x256x128xi32>
    %add3A_391 = arith.addi %add3A_382, %xor3A_390 : vector<16x256x128xi32>
    %shift_left3A_392 = arith.constant 16 : i32
    %shift_left3A_393 = vector.broadcast %shift_left3A_392 : i32 to vector<16x256x128xi32>
    %shift_left3A_394 = arith.shli %xor3A_390, %shift_left3A_393 : vector<16x256x128xi32>
    %shift_right_logical3A_395 = arith.constant 16 : i32
    %shift_right_logical3A_396 = vector.broadcast %shift_right_logical3A_395 : i32 to vector<16x256x128xi32>
    %shift_right_logical3A_397 = arith.shrui %xor3A_390, %shift_right_logical3A_396 : vector<16x256x128xi32>
    %or3A_398 = arith.ori %shift_left3A_394, %shift_right_logical3A_397 : vector<16x256x128xi32>
    %xor3A_399 = arith.xori %or3A_398, %add3A_391 : vector<16x256x128xi32>
    %add3A_400 = arith.addi %add3A_391, %xor3A_399 : vector<16x256x128xi32>
    %shift_left3A_401 = arith.constant 24 : i32
    %shift_left3A_402 = vector.broadcast %shift_left3A_401 : i32 to vector<16x256x128xi32>
    %shift_left3A_403 = arith.shli %xor3A_399, %shift_left3A_402 : vector<16x256x128xi32>
    %shift_right_logical3A_404 = arith.constant 8 : i32
    %shift_right_logical3A_405 = vector.broadcast %shift_right_logical3A_404 : i32 to vector<16x256x128xi32>
    %shift_right_logical3A_406 = arith.shrui %xor3A_399, %shift_right_logical3A_405 : vector<16x256x128xi32>
    %or3A_407 = arith.ori %shift_left3A_403, %shift_right_logical3A_406 : vector<16x256x128xi32>
    %xor3A_408 = arith.xori %or3A_407, %add3A_400 : vector<16x256x128xi32>
    %add3A_409 = arith.constant -1776851121 : i32
    %add3A_410 = vector.broadcast %add3A_409 : i32 to vector<16x256x128xi32>
    %add3A_411 = arith.addi %add3A_400, %add3A_410 : vector<16x256x128xi32>
    %add3A_412 = arith.constant -962582347 : i32
    %add3A_413 = vector.broadcast %add3A_412 : i32 to vector<16x256x128xi32>
    %add3A_414 = arith.addi %xor3A_408, %add3A_413 : vector<16x256x128xi32>
    %add3A_415 = arith.addi %add3A_411, %add3A_414 : vector<16x256x128xi32>
    %shift_left3A_416 = arith.constant 13 : i32
    %shift_left3A_417 = vector.broadcast %shift_left3A_416 : i32 to vector<16x256x128xi32>
    %shift_left3A_418 = arith.shli %add3A_414, %shift_left3A_417 : vector<16x256x128xi32>
    %shift_right_logical3A_419 = arith.constant 19 : i32
    %shift_right_logical3A_420 = vector.broadcast %shift_right_logical3A_419 : i32 to vector<16x256x128xi32>
    %shift_right_logical3A_421 = arith.shrui %add3A_414, %shift_right_logical3A_420 : vector<16x256x128xi32>
    %or3A_422 = arith.ori %shift_left3A_418, %shift_right_logical3A_421 : vector<16x256x128xi32>
    %xor3A_423 = arith.xori %or3A_422, %add3A_415 : vector<16x256x128xi32>
    %add3A_424 = arith.addi %add3A_415, %xor3A_423 : vector<16x256x128xi32>
    %shift_left3A_425 = arith.constant 15 : i32
    %shift_left3A_426 = vector.broadcast %shift_left3A_425 : i32 to vector<16x256x128xi32>
    %shift_left3A_427 = arith.shli %xor3A_423, %shift_left3A_426 : vector<16x256x128xi32>
    %shift_right_logical3A_428 = arith.constant 17 : i32
    %shift_right_logical3A_429 = vector.broadcast %shift_right_logical3A_428 : i32 to vector<16x256x128xi32>
    %shift_right_logical3A_430 = arith.shrui %xor3A_423, %shift_right_logical3A_429 : vector<16x256x128xi32>
    %or3A_431 = arith.ori %shift_left3A_427, %shift_right_logical3A_430 : vector<16x256x128xi32>
    %xor3A_432 = arith.xori %or3A_431, %add3A_424 : vector<16x256x128xi32>
    %add3A_433 = arith.addi %add3A_424, %xor3A_432 : vector<16x256x128xi32>
    %shift_left3A_434 = arith.constant 26 : i32
    %shift_left3A_435 = vector.broadcast %shift_left3A_434 : i32 to vector<16x256x128xi32>
    %shift_left3A_436 = arith.shli %xor3A_432, %shift_left3A_435 : vector<16x256x128xi32>
    %shift_right_logical3A_437 = arith.constant 6 : i32
    %shift_right_logical3A_438 = vector.broadcast %shift_right_logical3A_437 : i32 to vector<16x256x128xi32>
    %shift_right_logical3A_439 = arith.shrui %xor3A_432, %shift_right_logical3A_438 : vector<16x256x128xi32>
    %or3A_440 = arith.ori %shift_left3A_436, %shift_right_logical3A_439 : vector<16x256x128xi32>
    %xor3A_441 = arith.xori %or3A_440, %add3A_433 : vector<16x256x128xi32>
    %add3A_442 = arith.addi %add3A_433, %xor3A_441 : vector<16x256x128xi32>
    %shift_left3A_443 = arith.constant 6 : i32
    %shift_left3A_444 = vector.broadcast %shift_left3A_443 : i32 to vector<16x256x128xi32>
    %shift_left3A_445 = arith.shli %xor3A_441, %shift_left3A_444 : vector<16x256x128xi32>
    %shift_right_logical3A_446 = arith.constant 26 : i32
    %shift_right_logical3A_447 = vector.broadcast %shift_right_logical3A_446 : i32 to vector<16x256x128xi32>
    %shift_right_logical3A_448 = arith.shrui %xor3A_441, %shift_right_logical3A_447 : vector<16x256x128xi32>
    %or3A_449 = arith.ori %shift_left3A_445, %shift_right_logical3A_448 : vector<16x256x128xi32>
    %xor3A_450 = arith.xori %or3A_449, %add3A_442 : vector<16x256x128xi32>
    %add3A_451 = arith.constant -962582351 : i32
    %add3A_452 = vector.broadcast %add3A_451 : i32 to vector<16x256x128xi32>
    %add3A_453 = arith.addi %add3A_442, %add3A_452 : vector<16x256x128xi32>
    %add3A_454 = arith.constant 1264997417 : i32
    %add3A_455 = vector.broadcast %add3A_454 : i32 to vector<16x256x128xi32>
    %add3A_456 = arith.addi %xor3A_450, %add3A_455 : vector<16x256x128xi32>
    %xor3A_457 = arith.xori %add3A_453, %add3A_456 : vector<16x256x128xi32>
    %shift_right_logical3A_458 = arith.constant 9 : i32
    %shift_right_logical3A_459 = vector.broadcast %shift_right_logical3A_458 : i32 to vector<16x256x128xi32>
    %shift_right_logical3A_460 = arith.shrui %xor3A_457, %shift_right_logical3A_459 : vector<16x256x128xi32>
    %add3A_461 = arith.constant 2 : i32
    %add3A_462 = vector.broadcast %add3A_461 : i32 to vector<16x256x128xi32>
    %add3A_463 = arith.addi %add3A_23, %add3A_462 : vector<16x256x128xi32>
    %add3A_464 = arith.constant -1776851121 : i32
    %add3A_465 = vector.broadcast %add3A_464 : i32 to vector<16x256x128xi32>
    %add3A_466 = arith.addi %add3A_463, %add3A_465 : vector<16x256x128xi32>
    %add3A_467 = arith.constant 1264997412 : i32
    %add3A_468 = vector.broadcast %add3A_467 : i32 to vector<16x256x128xi32>
    %add3A_469 = arith.addi %add3A_468, %add3A_466 : vector<16x256x128xi32>
    %shift_left3A_470 = arith.constant 13 : i32
    %shift_left3A_471 = vector.broadcast %shift_left3A_470 : i32 to vector<16x256x128xi32>
    %shift_left3A_472 = arith.shli %add3A_466, %shift_left3A_471 : vector<16x256x128xi32>
    %shift_right_logical3A_473 = arith.constant 19 : i32
    %shift_right_logical3A_474 = vector.broadcast %shift_right_logical3A_473 : i32 to vector<16x256x128xi32>
    %shift_right_logical3A_475 = arith.shrui %add3A_466, %shift_right_logical3A_474 : vector<16x256x128xi32>
    %or3A_476 = arith.ori %shift_left3A_472, %shift_right_logical3A_475 : vector<16x256x128xi32>
    %xor3A_477 = arith.xori %or3A_476, %add3A_469 : vector<16x256x128xi32>
    %add3A_478 = arith.addi %add3A_469, %xor3A_477 : vector<16x256x128xi32>
    %shift_left3A_479 = arith.constant 15 : i32
    %shift_left3A_480 = vector.broadcast %shift_left3A_479 : i32 to vector<16x256x128xi32>
    %shift_left3A_481 = arith.shli %xor3A_477, %shift_left3A_480 : vector<16x256x128xi32>
    %shift_right_logical3A_482 = arith.constant 17 : i32
    %shift_right_logical3A_483 = vector.broadcast %shift_right_logical3A_482 : i32 to vector<16x256x128xi32>
    %shift_right_logical3A_484 = arith.shrui %xor3A_477, %shift_right_logical3A_483 : vector<16x256x128xi32>
    %or3A_485 = arith.ori %shift_left3A_481, %shift_right_logical3A_484 : vector<16x256x128xi32>
    %xor3A_486 = arith.xori %or3A_485, %add3A_478 : vector<16x256x128xi32>
    %add3A_487 = arith.addi %add3A_478, %xor3A_486 : vector<16x256x128xi32>
    %shift_left3A_488 = arith.constant 26 : i32
    %shift_left3A_489 = vector.broadcast %shift_left3A_488 : i32 to vector<16x256x128xi32>
    %shift_left3A_490 = arith.shli %xor3A_486, %shift_left3A_489 : vector<16x256x128xi32>
    %shift_right_logical3A_491 = arith.constant 6 : i32
    %shift_right_logical3A_492 = vector.broadcast %shift_right_logical3A_491 : i32 to vector<16x256x128xi32>
    %shift_right_logical3A_493 = arith.shrui %xor3A_486, %shift_right_logical3A_492 : vector<16x256x128xi32>
    %or3A_494 = arith.ori %shift_left3A_490, %shift_right_logical3A_493 : vector<16x256x128xi32>
    %xor3A_495 = arith.xori %or3A_494, %add3A_487 : vector<16x256x128xi32>
    %add3A_496 = arith.addi %add3A_487, %xor3A_495 : vector<16x256x128xi32>
    %shift_left3A_497 = arith.constant 6 : i32
    %shift_left3A_498 = vector.broadcast %shift_left3A_497 : i32 to vector<16x256x128xi32>
    %shift_left3A_499 = arith.shli %xor3A_495, %shift_left3A_498 : vector<16x256x128xi32>
    %shift_right_logical3A_500 = arith.constant 26 : i32
    %shift_right_logical3A_501 = vector.broadcast %shift_right_logical3A_500 : i32 to vector<16x256x128xi32>
    %shift_right_logical3A_502 = arith.shrui %xor3A_495, %shift_right_logical3A_501 : vector<16x256x128xi32>
    %or3A_503 = arith.ori %shift_left3A_499, %shift_right_logical3A_502 : vector<16x256x128xi32>
    %xor3A_504 = arith.xori %or3A_503, %add3A_496 : vector<16x256x128xi32>
    %add3A_505 = arith.constant -1776851121 : i32
    %add3A_506 = vector.broadcast %add3A_505 : i32 to vector<16x256x128xi32>
    %add3A_507 = arith.addi %add3A_496, %add3A_506 : vector<16x256x128xi32>
    %add3A_508 = arith.constant -962582350 : i32
    %add3A_509 = vector.broadcast %add3A_508 : i32 to vector<16x256x128xi32>
    %add3A_510 = arith.addi %xor3A_504, %add3A_509 : vector<16x256x128xi32>
    %add3A_511 = arith.addi %add3A_507, %add3A_510 : vector<16x256x128xi32>
    %shift_left3A_512 = arith.constant 17 : i32
    %shift_left3A_513 = vector.broadcast %shift_left3A_512 : i32 to vector<16x256x128xi32>
    %shift_left3A_514 = arith.shli %add3A_510, %shift_left3A_513 : vector<16x256x128xi32>
    %shift_right_logical3A_515 = arith.constant 15 : i32
    %shift_right_logical3A_516 = vector.broadcast %shift_right_logical3A_515 : i32 to vector<16x256x128xi32>
    %shift_right_logical3A_517 = arith.shrui %add3A_510, %shift_right_logical3A_516 : vector<16x256x128xi32>
    %or3A_518 = arith.ori %shift_left3A_514, %shift_right_logical3A_517 : vector<16x256x128xi32>
    %xor3A_519 = arith.xori %or3A_518, %add3A_511 : vector<16x256x128xi32>
    %add3A_520 = arith.addi %add3A_511, %xor3A_519 : vector<16x256x128xi32>
    %shift_left3A_521 = arith.constant 29 : i32
    %shift_left3A_522 = vector.broadcast %shift_left3A_521 : i32 to vector<16x256x128xi32>
    %shift_left3A_523 = arith.shli %xor3A_519, %shift_left3A_522 : vector<16x256x128xi32>
    %shift_right_logical3A_524 = arith.constant 3 : i32
    %shift_right_logical3A_525 = vector.broadcast %shift_right_logical3A_524 : i32 to vector<16x256x128xi32>
    %shift_right_logical3A_526 = arith.shrui %xor3A_519, %shift_right_logical3A_525 : vector<16x256x128xi32>
    %or3A_527 = arith.ori %shift_left3A_523, %shift_right_logical3A_526 : vector<16x256x128xi32>
    %xor3A_528 = arith.xori %or3A_527, %add3A_520 : vector<16x256x128xi32>
    %add3A_529 = arith.addi %add3A_520, %xor3A_528 : vector<16x256x128xi32>
    %shift_left3A_530 = arith.constant 16 : i32
    %shift_left3A_531 = vector.broadcast %shift_left3A_530 : i32 to vector<16x256x128xi32>
    %shift_left3A_532 = arith.shli %xor3A_528, %shift_left3A_531 : vector<16x256x128xi32>
    %shift_right_logical3A_533 = arith.constant 16 : i32
    %shift_right_logical3A_534 = vector.broadcast %shift_right_logical3A_533 : i32 to vector<16x256x128xi32>
    %shift_right_logical3A_535 = arith.shrui %xor3A_528, %shift_right_logical3A_534 : vector<16x256x128xi32>
    %or3A_536 = arith.ori %shift_left3A_532, %shift_right_logical3A_535 : vector<16x256x128xi32>
    %xor3A_537 = arith.xori %or3A_536, %add3A_529 : vector<16x256x128xi32>
    %add3A_538 = arith.addi %add3A_529, %xor3A_537 : vector<16x256x128xi32>
    %shift_left3A_539 = arith.constant 24 : i32
    %shift_left3A_540 = vector.broadcast %shift_left3A_539 : i32 to vector<16x256x128xi32>
    %shift_left3A_541 = arith.shli %xor3A_537, %shift_left3A_540 : vector<16x256x128xi32>
    %shift_right_logical3A_542 = arith.constant 8 : i32
    %shift_right_logical3A_543 = vector.broadcast %shift_right_logical3A_542 : i32 to vector<16x256x128xi32>
    %shift_right_logical3A_544 = arith.shrui %xor3A_537, %shift_right_logical3A_543 : vector<16x256x128xi32>
    %or3A_545 = arith.ori %shift_left3A_541, %shift_right_logical3A_544 : vector<16x256x128xi32>
    %xor3A_546 = arith.xori %or3A_545, %add3A_538 : vector<16x256x128xi32>
    %add3A_547 = arith.constant -962582351 : i32
    %add3A_548 = vector.broadcast %add3A_547 : i32 to vector<16x256x128xi32>
    %add3A_549 = arith.addi %add3A_538, %add3A_548 : vector<16x256x128xi32>
    %add3A_550 = arith.constant 1264997414 : i32
    %add3A_551 = vector.broadcast %add3A_550 : i32 to vector<16x256x128xi32>
    %add3A_552 = arith.addi %xor3A_546, %add3A_551 : vector<16x256x128xi32>
    %add3A_553 = arith.addi %add3A_549, %add3A_552 : vector<16x256x128xi32>
    %shift_left3A_554 = arith.constant 13 : i32
    %shift_left3A_555 = vector.broadcast %shift_left3A_554 : i32 to vector<16x256x128xi32>
    %shift_left3A_556 = arith.shli %add3A_552, %shift_left3A_555 : vector<16x256x128xi32>
    %shift_right_logical3A_557 = arith.constant 19 : i32
    %shift_right_logical3A_558 = vector.broadcast %shift_right_logical3A_557 : i32 to vector<16x256x128xi32>
    %shift_right_logical3A_559 = arith.shrui %add3A_552, %shift_right_logical3A_558 : vector<16x256x128xi32>
    %or3A_560 = arith.ori %shift_left3A_556, %shift_right_logical3A_559 : vector<16x256x128xi32>
    %xor3A_561 = arith.xori %or3A_560, %add3A_553 : vector<16x256x128xi32>
    %add3A_562 = arith.addi %add3A_553, %xor3A_561 : vector<16x256x128xi32>
    %shift_left3A_563 = arith.constant 15 : i32
    %shift_left3A_564 = vector.broadcast %shift_left3A_563 : i32 to vector<16x256x128xi32>
    %shift_left3A_565 = arith.shli %xor3A_561, %shift_left3A_564 : vector<16x256x128xi32>
    %shift_right_logical3A_566 = arith.constant 17 : i32
    %shift_right_logical3A_567 = vector.broadcast %shift_right_logical3A_566 : i32 to vector<16x256x128xi32>
    %shift_right_logical3A_568 = arith.shrui %xor3A_561, %shift_right_logical3A_567 : vector<16x256x128xi32>
    %or3A_569 = arith.ori %shift_left3A_565, %shift_right_logical3A_568 : vector<16x256x128xi32>
    %xor3A_570 = arith.xori %or3A_569, %add3A_562 : vector<16x256x128xi32>
    %add3A_571 = arith.addi %add3A_562, %xor3A_570 : vector<16x256x128xi32>
    %shift_left3A_572 = arith.constant 26 : i32
    %shift_left3A_573 = vector.broadcast %shift_left3A_572 : i32 to vector<16x256x128xi32>
    %shift_left3A_574 = arith.shli %xor3A_570, %shift_left3A_573 : vector<16x256x128xi32>
    %shift_right_logical3A_575 = arith.constant 6 : i32
    %shift_right_logical3A_576 = vector.broadcast %shift_right_logical3A_575 : i32 to vector<16x256x128xi32>
    %shift_right_logical3A_577 = arith.shrui %xor3A_570, %shift_right_logical3A_576 : vector<16x256x128xi32>
    %or3A_578 = arith.ori %shift_left3A_574, %shift_right_logical3A_577 : vector<16x256x128xi32>
    %xor3A_579 = arith.xori %or3A_578, %add3A_571 : vector<16x256x128xi32>
    %add3A_580 = arith.addi %add3A_571, %xor3A_579 : vector<16x256x128xi32>
    %shift_left3A_581 = arith.constant 6 : i32
    %shift_left3A_582 = vector.broadcast %shift_left3A_581 : i32 to vector<16x256x128xi32>
    %shift_left3A_583 = arith.shli %xor3A_579, %shift_left3A_582 : vector<16x256x128xi32>
    %shift_right_logical3A_584 = arith.constant 26 : i32
    %shift_right_logical3A_585 = vector.broadcast %shift_right_logical3A_584 : i32 to vector<16x256x128xi32>
    %shift_right_logical3A_586 = arith.shrui %xor3A_579, %shift_right_logical3A_585 : vector<16x256x128xi32>
    %or3A_587 = arith.ori %shift_left3A_583, %shift_right_logical3A_586 : vector<16x256x128xi32>
    %xor3A_588 = arith.xori %or3A_587, %add3A_580 : vector<16x256x128xi32>
    %add3A_589 = arith.constant 1264997412 : i32
    %add3A_590 = vector.broadcast %add3A_589 : i32 to vector<16x256x128xi32>
    %add3A_591 = arith.addi %add3A_580, %add3A_590 : vector<16x256x128xi32>
    %add3A_592 = arith.constant -1776851118 : i32
    %add3A_593 = vector.broadcast %add3A_592 : i32 to vector<16x256x128xi32>
    %add3A_594 = arith.addi %xor3A_588, %add3A_593 : vector<16x256x128xi32>
    %add3A_595 = arith.addi %add3A_591, %add3A_594 : vector<16x256x128xi32>
    %shift_left3A_596 = arith.constant 17 : i32
    %shift_left3A_597 = vector.broadcast %shift_left3A_596 : i32 to vector<16x256x128xi32>
    %shift_left3A_598 = arith.shli %add3A_594, %shift_left3A_597 : vector<16x256x128xi32>
    %shift_right_logical3A_599 = arith.constant 15 : i32
    %shift_right_logical3A_600 = vector.broadcast %shift_right_logical3A_599 : i32 to vector<16x256x128xi32>
    %shift_right_logical3A_601 = arith.shrui %add3A_594, %shift_right_logical3A_600 : vector<16x256x128xi32>
    %or3A_602 = arith.ori %shift_left3A_598, %shift_right_logical3A_601 : vector<16x256x128xi32>
    %xor3A_603 = arith.xori %or3A_602, %add3A_595 : vector<16x256x128xi32>
    %add3A_604 = arith.addi %add3A_595, %xor3A_603 : vector<16x256x128xi32>
    %shift_left3A_605 = arith.constant 29 : i32
    %shift_left3A_606 = vector.broadcast %shift_left3A_605 : i32 to vector<16x256x128xi32>
    %shift_left3A_607 = arith.shli %xor3A_603, %shift_left3A_606 : vector<16x256x128xi32>
    %shift_right_logical3A_608 = arith.constant 3 : i32
    %shift_right_logical3A_609 = vector.broadcast %shift_right_logical3A_608 : i32 to vector<16x256x128xi32>
    %shift_right_logical3A_610 = arith.shrui %xor3A_603, %shift_right_logical3A_609 : vector<16x256x128xi32>
    %or3A_611 = arith.ori %shift_left3A_607, %shift_right_logical3A_610 : vector<16x256x128xi32>
    %xor3A_612 = arith.xori %or3A_611, %add3A_604 : vector<16x256x128xi32>
    %add3A_613 = arith.addi %add3A_604, %xor3A_612 : vector<16x256x128xi32>
    %shift_left3A_614 = arith.constant 16 : i32
    %shift_left3A_615 = vector.broadcast %shift_left3A_614 : i32 to vector<16x256x128xi32>
    %shift_left3A_616 = arith.shli %xor3A_612, %shift_left3A_615 : vector<16x256x128xi32>
    %shift_right_logical3A_617 = arith.constant 16 : i32
    %shift_right_logical3A_618 = vector.broadcast %shift_right_logical3A_617 : i32 to vector<16x256x128xi32>
    %shift_right_logical3A_619 = arith.shrui %xor3A_612, %shift_right_logical3A_618 : vector<16x256x128xi32>
    %or3A_620 = arith.ori %shift_left3A_616, %shift_right_logical3A_619 : vector<16x256x128xi32>
    %xor3A_621 = arith.xori %or3A_620, %add3A_613 : vector<16x256x128xi32>
    %add3A_622 = arith.addi %add3A_613, %xor3A_621 : vector<16x256x128xi32>
    %shift_left3A_623 = arith.constant 24 : i32
    %shift_left3A_624 = vector.broadcast %shift_left3A_623 : i32 to vector<16x256x128xi32>
    %shift_left3A_625 = arith.shli %xor3A_621, %shift_left3A_624 : vector<16x256x128xi32>
    %shift_right_logical3A_626 = arith.constant 8 : i32
    %shift_right_logical3A_627 = vector.broadcast %shift_right_logical3A_626 : i32 to vector<16x256x128xi32>
    %shift_right_logical3A_628 = arith.shrui %xor3A_621, %shift_right_logical3A_627 : vector<16x256x128xi32>
    %or3A_629 = arith.ori %shift_left3A_625, %shift_right_logical3A_628 : vector<16x256x128xi32>
    %xor3A_630 = arith.xori %or3A_629, %add3A_622 : vector<16x256x128xi32>
    %add3A_631 = arith.constant -1776851121 : i32
    %add3A_632 = vector.broadcast %add3A_631 : i32 to vector<16x256x128xi32>
    %add3A_633 = arith.addi %add3A_622, %add3A_632 : vector<16x256x128xi32>
    %add3A_634 = arith.constant -962582347 : i32
    %add3A_635 = vector.broadcast %add3A_634 : i32 to vector<16x256x128xi32>
    %add3A_636 = arith.addi %xor3A_630, %add3A_635 : vector<16x256x128xi32>
    %add3A_637 = arith.addi %add3A_633, %add3A_636 : vector<16x256x128xi32>
    %shift_left3A_638 = arith.constant 13 : i32
    %shift_left3A_639 = vector.broadcast %shift_left3A_638 : i32 to vector<16x256x128xi32>
    %shift_left3A_640 = arith.shli %add3A_636, %shift_left3A_639 : vector<16x256x128xi32>
    %shift_right_logical3A_641 = arith.constant 19 : i32
    %shift_right_logical3A_642 = vector.broadcast %shift_right_logical3A_641 : i32 to vector<16x256x128xi32>
    %shift_right_logical3A_643 = arith.shrui %add3A_636, %shift_right_logical3A_642 : vector<16x256x128xi32>
    %or3A_644 = arith.ori %shift_left3A_640, %shift_right_logical3A_643 : vector<16x256x128xi32>
    %xor3A_645 = arith.xori %or3A_644, %add3A_637 : vector<16x256x128xi32>
    %add3A_646 = arith.addi %add3A_637, %xor3A_645 : vector<16x256x128xi32>
    %shift_left3A_647 = arith.constant 15 : i32
    %shift_left3A_648 = vector.broadcast %shift_left3A_647 : i32 to vector<16x256x128xi32>
    %shift_left3A_649 = arith.shli %xor3A_645, %shift_left3A_648 : vector<16x256x128xi32>
    %shift_right_logical3A_650 = arith.constant 17 : i32
    %shift_right_logical3A_651 = vector.broadcast %shift_right_logical3A_650 : i32 to vector<16x256x128xi32>
    %shift_right_logical3A_652 = arith.shrui %xor3A_645, %shift_right_logical3A_651 : vector<16x256x128xi32>
    %or3A_653 = arith.ori %shift_left3A_649, %shift_right_logical3A_652 : vector<16x256x128xi32>
    %xor3A_654 = arith.xori %or3A_653, %add3A_646 : vector<16x256x128xi32>
    %add3A_655 = arith.addi %add3A_646, %xor3A_654 : vector<16x256x128xi32>
    %shift_left3A_656 = arith.constant 26 : i32
    %shift_left3A_657 = vector.broadcast %shift_left3A_656 : i32 to vector<16x256x128xi32>
    %shift_left3A_658 = arith.shli %xor3A_654, %shift_left3A_657 : vector<16x256x128xi32>
    %shift_right_logical3A_659 = arith.constant 6 : i32
    %shift_right_logical3A_660 = vector.broadcast %shift_right_logical3A_659 : i32 to vector<16x256x128xi32>
    %shift_right_logical3A_661 = arith.shrui %xor3A_654, %shift_right_logical3A_660 : vector<16x256x128xi32>
    %or3A_662 = arith.ori %shift_left3A_658, %shift_right_logical3A_661 : vector<16x256x128xi32>
    %xor3A_663 = arith.xori %or3A_662, %add3A_655 : vector<16x256x128xi32>
    %add3A_664 = arith.addi %add3A_655, %xor3A_663 : vector<16x256x128xi32>
    %shift_left3A_665 = arith.constant 6 : i32
    %shift_left3A_666 = vector.broadcast %shift_left3A_665 : i32 to vector<16x256x128xi32>
    %shift_left3A_667 = arith.shli %xor3A_663, %shift_left3A_666 : vector<16x256x128xi32>
    %shift_right_logical3A_668 = arith.constant 26 : i32
    %shift_right_logical3A_669 = vector.broadcast %shift_right_logical3A_668 : i32 to vector<16x256x128xi32>
    %shift_right_logical3A_670 = arith.shrui %xor3A_663, %shift_right_logical3A_669 : vector<16x256x128xi32>
    %or3A_671 = arith.ori %shift_left3A_667, %shift_right_logical3A_670 : vector<16x256x128xi32>
    %xor3A_672 = arith.xori %or3A_671, %add3A_664 : vector<16x256x128xi32>
    %add3A_673 = arith.constant -962582351 : i32
    %add3A_674 = vector.broadcast %add3A_673 : i32 to vector<16x256x128xi32>
    %add3A_675 = arith.addi %add3A_664, %add3A_674 : vector<16x256x128xi32>
    %add3A_676 = arith.constant 1264997417 : i32
    %add3A_677 = vector.broadcast %add3A_676 : i32 to vector<16x256x128xi32>
    %add3A_678 = arith.addi %xor3A_672, %add3A_677 : vector<16x256x128xi32>
    %xor3A_679 = arith.xori %add3A_675, %add3A_678 : vector<16x256x128xi32>
    %shift_right_logical3A_680 = arith.constant 9 : i32
    %shift_right_logical3A_681 = vector.broadcast %shift_right_logical3A_680 : i32 to vector<16x256x128xi32>
    %shift_right_logical3A_682 = arith.shrui %xor3A_679, %shift_right_logical3A_681 : vector<16x256x128xi32>
    %gt3A = arith.cmpi sgt, %shift_right_logical3A_460, %shift_right_logical3A_238 : vector<16x256x128xi32>
    %max3A = arith.maxsi %shift_right_logical3A_238, %shift_right_logical3A_460 : vector<16x256x128xi32>
    %gt3A_683 = arith.cmpi sgt, %shift_right_logical3A_682, %max3A : vector<16x256x128xi32>
    %or3A_684 = arith.ori %gt3A, %gt3A_683 : vector<16x256x128xi1>
    %get3A = arith.constant 0 : index
    %get3A_685 = arith.constant 0 : index
    %get3A_686 = vector.load %arg2[%get3A, %get3A_685] : memref<16x128xf32, #tpu.memory_space<vmem>>, vector<16x128xf32>
    %broadcast_in_dim3A = vector.shape_cast %get3A_686 : vector<16x128xf32> to vector<16x1x128xf32>
    %sub3A = arith.constant 1.000000e+00 : f32
    %sub3A_687 = vector.broadcast %sub3A : f32 to vector<16x1x128xf32>
    %sub3A_688 = arith.subf %sub3A_687, %broadcast_in_dim3A : vector<16x1x128xf32>
    %broadcast_in_dim3A_689 = vector.shape_cast %broadcast_in_dim3A : vector<16x1x128xf32> to vector<16x1x128xf32>
    %broadcast_in_dim3A_690 = vector.broadcast %broadcast_in_dim3A_689 : vector<16x1x128xf32> to vector<16x256x128xf32>
    %broadcast_in_dim3A_691 = vector.shape_cast %sub3A_688 : vector<16x1x128xf32> to vector<16x1x128xf32>
    %broadcast_in_dim3A_692 = vector.broadcast %broadcast_in_dim3A_691 : vector<16x1x128xf32> to vector<16x256x128xf32>
    %select_n3A = arith.select %gt3A_683, %broadcast_in_dim3A_692, %broadcast_in_dim3A_690 : vector<16x256x128xi1>, vector<16x256x128xf32>
    %jit3A = arith.constant 1.000000e+01 : f32
    %broadcast_in_dim3A_693 = vector.broadcast %jit3A : f32 to vector<16x256x128xf32>
    %select_n3A_694 = arith.select %or3A_684, %select_n3A, %broadcast_in_dim3A_693 : vector<16x256x128xi1>, vector<16x256x128xf32>
    %reduce_min3A = arith.constant dense<0x7F800000> : vector<16x256xf32>
    %reduce_min3A_695 = vector.multi_reduction <minimumf>, %select_n3A_694, %reduce_min3A [2] : vector<16x256x128xf32> to vector<16x256xf32>
    %jit3A_696 = arith.constant -1.000000e+01 : f32
    %broadcast_in_dim3A_697 = vector.broadcast %jit3A_696 : f32 to vector<16x256x128xf32>
    %select_n3A_698 = arith.select %or3A_684, %select_n3A, %broadcast_in_dim3A_697 : vector<16x256x128xi1>, vector<16x256x128xf32>
    %reduce_max3A = arith.constant dense<0xFF800000> : vector<16x256xf32>
    %reduce_max3A_699 = vector.multi_reduction <maximumf>, %select_n3A_698, %reduce_max3A [2] : vector<16x256x128xf32> to vector<16x256xf32>
    %get3A_700 = arith.constant 0 : index
    %get3A_701 = arith.constant 0 : index
    %get3A_702 = vector.load %arg3[%get3A_700, %get3A_701] : memref<1x256xi32, #tpu.memory_space<vmem>>, vector<1x256xi32>
    %eq3A = arith.constant 0 : i32
    %eq3A_703 = vector.broadcast %eq3A : i32 to vector<1x256xi32>
    %eq3A_704 = arith.cmpi eq, %get3A_702, %eq3A_703 : vector<1x256xi32>
    %broadcast_in_dim3A_705 = vector.shape_cast %eq3A_704 : vector<1x256xi1> to vector<1x256xi1>
    %broadcast_in_dim3A_706 = vector.broadcast %broadcast_in_dim3A_705 : vector<1x256xi1> to vector<16x256xi1>
    %select_n3A_707 = arith.select %broadcast_in_dim3A_706, %reduce_min3A_695, %reduce_max3A_699 : vector<16x256xi1>, vector<16x256xf32>
    %swap3A = arith.constant 0 : index
    %swap3A_708 = arith.constant 0 : index
    %swap3A_709 = vector.load %arg4[%swap3A, %swap3A_708] : memref<16x256xf32, #tpu.memory_space<vmem>>, vector<16x256xf32>
    tpu.vector_store %arg4[%swap3A, %swap3A_708], %select_n3A_707 {strides = array<i32>} : memref<16x256xf32, #tpu.memory_space<vmem>>, vector<16x256xf32>,
    return
  }
  func.func @transform_0(%arg0: i32, %arg1: i32) -> (i32, i32) {
    %c0_i32 = arith.constant 0 : i32
    %c0_i32_0 = arith.constant 0 : i32
    return %arg0, %c0_i32 : i32, i32
  }
  func.func @transform_1(%arg0: i32, %arg1: i32) -> (i32, i32) {
    %c0_i32 = arith.constant 0 : i32
    %c0_i32_0 = arith.constant 0 : i32
    return %c0_i32, %arg1 : i32, i32
  }
  func.func @transform_2(%arg0: i32, %arg1: i32) -> (i32, i32) {
    %c0_i32 = arith.constant 0 : i32
    return %arg0, %arg1 : i32, i32
  }
}

</mosaic_0001>

<sc_bundles>
// kernel: kernel.4.cloned.1.call-start
scs
__scs_entry_jumppad:
0x0: {  	(pc) =	sbr.rel $0x88, $3  }
0x1: {  	(tag) =	ssettag $0x0;
	lr =	simm.s32 $0x1  }
0x2: {  	[smem:$0x3F9F] =	sst lr;
	_ =	strace $0xD0000000  }
0x3: {  	_ = 	snop  }
0x4: {  	_ = 	snop  }
0x5: {  	_ = 	snop  }
0x6: {  	_ = 	snop  }
0x7: {  	_ = 	snop  }
__scs_overlays_trampoline_lowered:
0x8: {  	[smem:$0x3FAE] =	sst s0  }
0x9: {  	[smem:$0x3FAF] =	sst s1  }
0xa: {  	[smem:$0x3FB0] =	sst s2  }
0xb: {  	[smem:$0x3FB1] =	sst s3  }
0xc: {  	[smem:$0x3FB2] =	sst s4  }
0xd: {  	[smem:$0x3FB3] =	sst s5  }
0xe: {  	[smem:$0x3FB4] =	sst s6  }
0xf: {  	[smem:$0x3FB5] =	sst s7  }
0x10: {  	[smem:$0x3FB6] =	sst s8  }
0x11: {  	[smem:$0x3FB7] =	sst s9;
	s0 =	simm.s32 @!p0 $0x0  }
0x12: {  	s1 =	sld [smem:$0x3F9D];
	s0 =	simm.s32 @p0 $0x1  }
0x13: {  	[smem:$0x3FB8] =	sst s0;
	s0 =	simm.s32 @!p1 $0x0  }
0x14: {  	s2 =	sld [smem:$0x3F9C];
	s0 =	simm.s32 @p1 $0x1  }
0x15: {  	[smem:$0x3FB9] =	sst s0;
	s0 =	simm.s32 @!p2 $0x0  }
0x16: {  	s3 =	sld [smem:$0x3FDB];
	s0 =	simm.s32 @p2 $0x1  }
0x17: {  	s4 =	simm.s32 $0x1BF5;
	[smem:$0x3FBB] =	sst s0  }
0x18: {  	s0 =	sld [smem:$0x3F9E];
	_ =	swait.ge [sflag:s4], $0x0  }
0x19: {  	s7 =	sld [smem:$0x3F9F]  }
0x1a: {  	s8 =	sadd.s32 $0xFFFFE003, lr  }
0x1b: {  	s9 =	sadd.s32 $0xFFFFFEF7, lr;
	s5 =	simm.s32 $0xFFFFFFFF;
	p2 =	slt.u32 s8, $0xFFFFF086  }
0x1c: {  	p1 =	slt.u32 s9, $0xF7A;
	s5 =	simm.s32 @!p2 $0x0  }
0x1d: {  	s5 =	simm.s32 @p1 $0x1;
	p0 =	seq.s32 s7, s2  }
0x1e: {  	s7 =	smul.u32 @!p0 $0xF7A, s2;
	p2 =	seq.s32 @!p0 s5, $0x0  }
0x1f: {  	s9 =	smul.u32 $0xF7A, s1;
	s8 =	simm.s32 @!p0 $0x1BF5;
	p2 =	por !p2, p0  }
0x20: {  	[sflag:s8] =	ssyncset.s32 @!p0 $0xFFFFF086;
	s6 =	sadd.s32 @!p0 s3, s7;
	s7 =	simm.s32 @!p0 $0x108  }
0x21: {  	s3 =	sadd.s32 s3, s9;
	s6 =	sadd.s32 @!p0 $0x88, s6;
	s7 =	simm.s32 @p2 $0x1082  }
0x22: {  	[simem:s7], [sflag:s8] =	dma.local @!p0 [hbm:s6], $0xF7A  }
0x23: {  	s9 =	sor.u32 $0xD0000000, s2;
	s6 =	simm.s32 $0x108;
	_ =	swait.ge @!p0 [sflag:s8], $0x0  }
0x24: {  	s3 =	sadd.s32 $0x88, s3;
	s6 =	simm.s32 @!p1 $0x1082;
	[sflag:s4] =	ssyncset.s32 $0xFFFFF086  }
0x25: {  	[simem:s6], [sflag:s4] =	dma.local [hbm:s3], $0xF7A  }
0x26: {  	[smem:$0x3F9F] =	sst s1;
	(tag) =	ssettag s2;
	_ =	strace s9  }
0x27: {  	s1 =	sld [smem:$0x3FAF]  }
0x28: {  	s2 =	sld [smem:$0x3FB0]  }
0x29: {  	s4 =	sld [smem:$0x3FB2]  }
0x2a: {  	p0 =	seq.s32 s5, $0x0;
	s5 =	sld [smem:$0x3FB3]  }
0x2b: {  	s6 =	sld [smem:$0x3FB4]  }
0x2c: {  	s7 =	sld [smem:$0x3FB5]  }
0x2d: {  	s3 =	simm.s32 $0x108;
	s8 =	sld [smem:$0x3FB6]  }
0x2e: {  	s3 =	simm.s32 @!p0 $0x1082;
	s9 =	sld [smem:$0x3FB7]  }
0x2f: {  	lr =	sadd.s32 s0, s3;
	s0 =	sld [smem:$0x3FAE]  }
0x30: {  	s3 =	sld [smem:$0x3FB1]  }
0x31: {  	[smem:$0x3FBA] =	sst s10  }
0x32: {  	s10 =	sld [smem:$0x3FB8];
	_ =	sdelay $0x3  }
0x33: {  	p0 =	seq.s32 s10, $0x1;
	s10 =	sld [smem:$0x3FBA];
	_ =	sdelay $0x3  }
0x34: {  	[smem:$0x3FBA] =	sst s10  }
0x35: {  	s10 =	sld [smem:$0x3FB9];
	_ =	sdelay $0x3  }
0x36: {  	p1 =	seq.s32 s10, $0x1;
	s10 =	sld [smem:$0x3FBA];
	_ =	sdelay $0x3  }
0x37: {  	[smem:$0x3FBA] =	sst s10  }
0x38: {  	s10 =	sld [smem:$0x3FBB]  }
0x39: {  	_ = 	snop;
	(pc) =	sbr.ind lr, $3  }
0x3a: {  	_ = 	snop  }
0x3b: {  	_ = 	snop  }
0x3c: {  	p2 =	seq.s32 s10, $0x1;
	s10 =	sld [smem:$0x3FBA]  }
0x3d: {  	_ =	shalt  }
0x3e: {  	_ =	shalt  }
0x3f: {  	_ =	shalt  }
0x40: {  	_ =	shalt  }
0x41: {  	_ =	shalt  }
0x42: {  	_ =	shalt  }
0x43: {  	_ =	shalt  }
0x44: {  	_ =	shalt  }
0x45: {  	_ =	shalt  }
0x46: {  	_ =	shalt  }
0x47: {  	_ =	shalt  }
0x48: {  	_ =	shalt  }
0x49: {  	_ =	shalt  }
0x4a: {  	_ =	shalt  }
0x4b: {  	_ =	shalt  }
0x4c: {  	_ =	shalt  }
0x4d: {  	_ =	shalt  }
0x4e: {  	_ =	shalt  }
0x4f: {  	_ =	shalt  }
0x50: {  	_ =	shalt  }
0x51: {  	_ =	shalt  }
0x52: {  	_ =	shalt  }
0x53: {  	_ =	shalt  }
0x54: {  	_ =	shalt  }
0x55: {  	_ =	shalt  }
0x56: {  	_ =	shalt  }
0x57: {  	_ =	shalt  }
0x58: {  	_ =	shalt  }
0x59: {  	_ =	shalt  }
0x5a: {  	_ =	shalt  }
0x5b: {  	_ =	shalt  }
0x5c: {  	_ =	shalt  }
0x5d: {  	_ =	shalt  }
0x5e: {  	_ =	shalt  }
0x5f: {  	_ =	shalt  }
0x60: {  	_ =	shalt  }
0x61: {  	_ =	shalt  }
0x62: {  	_ =	shalt  }
0x63: {  	_ =	shalt  }
0x64: {  	_ =	shalt  }
0x65: {  	_ =	shalt  }
0x66: {  	_ =	shalt  }
0x67: {  	_ =	shalt  }
0x68: {  	_ =	shalt  }
0x69: {  	_ =	shalt  }
0x6a: {  	_ =	shalt  }
0x6b: {  	_ =	shalt  }
0x6c: {  	_ =	shalt  }
0x6d: {  	_ =	shalt  }
0x6e: {  	_ =	shalt  }
0x6f: {  	_ =	shalt  }
0x70: {  	_ =	shalt  }
0x71: {  	_ =	shalt  }
0x72: {  	_ =	shalt  }
0x73: {  	_ =	shalt  }
0x74: {  	_ =	shalt  }
0x75: {  	_ =	shalt  }
0x76: {  	_ =	shalt  }
0x77: {  	_ =	shalt  }
0x78: {  	_ =	shalt  }
0x79: {  	_ =	shalt  }
0x7a: {  	_ =	shalt  }
0x7b: {  	_ =	shalt  }
0x7c: {  	_ =	shalt  }
0x7d: {  	_ =	shalt  }
0x7e: {  	_ =	shalt  }
0x7f: {  	_ =	shalt  }
0x80: {  	_ =	shalt  }
0x81: {  	_ =	shalt  }
0x82: {  	_ =	shalt  }
0x83: {  	_ =	shalt  }
0x84: {  	_ =	shalt  }
0x85: {  	_ =	shalt  }
0x86: {  	_ =	shalt  }
0x87: {  	_ =	shalt  }
.Lfunc_end0:
.L_simem_size_0:
called_computation_lowered:
.L_overlay_start_0:
0x88: {  	s2 =	sld [smem:$0x3FD9]  }
0x89: {  	s3 =	sld [smem:$0x3FFE];
	_ =	sdelay $0x1  }
0x8a: {  	s1 =	srdreg.scid  }
0x8b: {  	s0 =	sand.u32 $0x1, s1  }
0x8c: {  	s17 =	sshll.u32 s0, $0xA;
	s2 =	sadd.s32 s3, s2  }
0x8d: {  	s2 =	sadd.s32 s2, s17  }
0x8e: {  	[smem:$0x3FC6] =	sst s2  }
0x8f: {  	_ = 	snop  }
0x90: {  	s2 =	sld [smem:$0x3FD0];
	(tm) =	ssettm $0x1  }
0x91: {  	s18 =	sld [smem:$0x3FFB];
	_ =	sdelay $0x3  }
0x92: {  	_ =	strace s18  }
0x93: {  	s3 =	sld [smem:$0x3FFC];
	_ =	sdelay $0x3  }
0x94: {  	_ =	strace s3  }
0x95: {  	s3 =	sld [smem:$0x3FFD];
	_ =	sdelay $0x3  }
0x96: {  	_ =	strace s3  }
0x97: {  	_ =	strace $0x8FFFFFFF  }
0x98: {  	s19 =	sld [smem:$0x3FDB];
	_ =	sdelay $0x1  }
0x99: {  	s4 =	simm.s32 $_scs_section_size  }
0x9a: {  	s5 =	simm.s32 $_size__tile_overlayer_lowered;
	s6 =	simm.s32 $_tile_overlayer_lowered  }
0x9b: {  	s22 =	simm.s32 $0x1BFF;
	s21 =	sshll.u32 s6, $0x1;
	s3 =	sadd.s32 s4, s19  }
0x9c: {  	s7 =	simm.s32 $0x0;
	s20 =	sshll.u32 s5, $0x1;
	s5 =	sadd.s32 s21, s3  }
0x9d: {  	[timem:s7], [sflag:s22] =	dma.local [hbm:s5], s20  }
0x9e: {  	_ =	swait.ge [sflag:s22], s20  }
0x9f: {  	s4 =	ssub.s32 $0x0, s20;
	[sflag:s22] =	ssyncset.done $0x0  }
0xa0: {  	[sflag:s22] =	ssyncadd.s32 s4;
	_ =	sdelay $0x1  }
0xa1: {  	s23 =	simm.s32 $0x1B8B  }
0xa2: {  	_ =	swait.ge [sflag:s23], $0x1  }
0xa3: {  	[sflag:s23] =	ssyncset.done $0x0  }
0xa4: {  	s25 =	simm.s32 $0x1B8E;
	s24 =	sld [smem:$0x3FFE];
	[sflag:s23] =	ssyncadd.s32 $0xFFFFFFFF  }
0xa5: {  	s26 =	simm.s32 $execute0_lowered;
	[smem:$0x3FD2] =	sst s25  }
0xa6: {  	s5 =	sshll.u32 s26, $0x1;
	_ =	strace $0x80000046;
	[dreg:$0x1] =	wrdreg $0xFFFFFFFF  }
0xa7: {  	s28 =	simm.s32 $_size_execute0_lowered;
	s3 =	sadd.s32 s3, s5;
	[dreg:$0x0] =	wrdreg $0x0  }
0xa8: {  	s5 =	sshll.u32 s28, $0x1;
	[dreg:$0x2] =	wrdreg s3  }
0xa9: {  	[dreg:$0x3] =	wrdreg s5  }
0xaa: {  	[dreg:$0x4] =	wrdreg $0xC0  }
0xab: {  	_ =	task [dreg:s7], $0x5FFFF  }
0xac: {  	[dreg:$0x1] =	wrdreg $0xFFFFFFFF  }
0xad: {  	[dreg:$0x0] =	wrdreg $0x60  }
0xae: {  	[dreg:$0x2] =	wrdreg s24  }
0xaf: {  	[dreg:$0x3] =	wrdreg s2  }
0xb0: {  	[dreg:$0x4] =	wrdreg $0x9  }
0xb1: {  	_ =	task.clear_ibuf [dreg:s7], $0x5FFFF;
	_ =	strace $0x90000046  }
0xb2: {  	s29 =	simm.s32 $0x9;
	_ =	strace $0x80000048  }
0xb3: {  	_ =	swait.ge [sflag:s29], $0x1  }
0xb4: {  	[sflag:s29] =	ssyncadd.s32 $0xFFFFFFFF  }
0xb5: {  	_ =	strace $0x90000048  }
0xb6: {  	_ =	sfence  }
0xb7: {  	s30 =	sld [smem:$0x0];
	_ =	sdelay $0x2  }
0xb8: {  	s31 =	sshll.u32 s1, $0xD;
	s1 =	sshrl.u32 s1, $0x2  }
0xb9: {  	s3 =	sand.u32 $0x4000, s31;
	s1 =	sadd.s32 s1, s30  }
0xba: {  	s0 =	sor.u32 s3, s0;
	s1 =	sshll.u32 s1, $0x11  }
0xbb: {  	s0 =	sor.u32 s1, s0  }
0xbc: {  	s0 =	sadd.s32 $0x8F2B, s0  }
0xbd: {  	[sflag:s0] =	ssyncadd.remote.s32 $0x1  }
0xbe: {  	_ =	sfence.sel $0xFFFF  }
0xbf: {  	[dreg:$0x0] =	wrdreg $0xFFFFFFFF;
	(pc) =	sbr.abs _section_cstart, $3  }
0xc0: {  	[dreg:$0x1] =	wrdreg $0xFFFFFFFF  }
0xc1: {  	_ =	task.clear_ibuf [dreg:s7], $0x2FFFF;
	_ =	strace $0x9FFFFFFF  }
0xc2: {  	(tm) =	ssettm $0x7FFFFFFF  }
0xc3: {  	_ =	shalt  }
tec
execute0_lowered:
.L_overlay_start_1:
0x0: {  	(tag) =	ssettag $0x1  }
0x1: {  	s5 =	rddreg [dreg:$0x0];
	s0 =	srdreg.scid  }
0x2: {  	s2 =	rddreg [dreg:$0x1];
	s1 =	stileid.u32;
	s3 =	simm.s32 $0x0  }
0x3: {  	s9 =	simm.s32 $0x1;
	s10 =	simm.s32 $0x80;
	s11 =	simm.s32 $0x400  }
0x4: {  	s12 =	simm.s32 $0x4800;
	s13 =	simm.s32 $0x0;
	s6 =	sand.u32 $0x1, s0  }
0x5: {  	s0 =	rddreg [dreg:$0x2];
	s7 =	sshll.u32 s1, $0x3;
	s4 =	sshll.u32 s6, $0x7  }
0x6: {  	[smem:$0x7FF] =	sst s3;
	s6 =	ssub.s32 $0x2, s6;
	s4 =	sor.u32 s7, s4  }
0x7: {  	_ =	strace $0x80000047;
	s8 =	sshrl.u32 s6, $0x1;
	s7 =	sshll.u32 s4, $0x5  }
0x8: {  	v0 =	vlaneseq.u32;
	s8 =	ssub.s32 s6, s8;
	s7 =	sadd.s32 s7, s5;
	s5 =	sadd.s32 $0x800, s5  }
0x9: {  	v1 =	vimm.f32 $1.000000000e+01;
	v0 =	vmul.u32 $0x180, v0;
	s6 =	sadd.s32 $0x80800, s7;
	s7 =	smax.u32 s8, $0x1;
	s8 =	simm.s32 $0x4000  }
.LBB2_1:
0xa: {  	[tilespmem:s8], [sflag:$0x1] =	stream.linear.gather [hbm4b:s2+s3], $0x800, $0x38;
	[tilespmem:$0x4A00] =	vst v63  }
0xb: {  	_ =	swait.ge [sflag:s9], $0x800  }
0xc: {  	[sflag:s9] =	ssyncset.done $0x0  }
0xd: {  	s14 =	simm.s32 $0x0;
	[sflag:s9] =	ssyncadd.s32 $0xFFFFF800  }
.LBB2_2:
0xe: {  	s16 =	sor.u32 s4, s14  }
0xf: {  	s15 =	sshll.u32 s16, $0xB  }
0x10: {  	s16 =	smul.u32 $0x18000, s16;
	s17 =	sadd.s32 s5, s15;
	s15 =	simm.s32 $0x0  }
0x11: {  	[tilespmem:s15], [sflag:$0x1] =	stream.linear.gather [hbm4b:s17+s15], $0x4000, $0x38;
	[tilespmem:$0x4A00] =	vst v63  }
0x12: {  	_ =	swait.ge [sflag:s9], $0x4000  }
0x13: {  	s16 =	sadd.s32 $0x4800000, s16;
	[sflag:s9] =	ssyncset.done $0x0  }
0x14: {  	v2 =	vmov s16;
	[sflag:s9] =	ssyncadd.s32 $0xFFFFC000  }
.LBB2_3:
0x15: {  	s16 =	sshll.u32 s15, $0x4  }
0x16: {  	v3 =	vmov s16  }
0x17: {  	v3 =	vmul.u32 $0x180, v3;
	_ =	sdelay $0x1  }
0x18: {  	v3 =	vadd.s32 v2, v3  }
0x19: {  	v4 =	vbroadcast v3, $0x0  }
0x1a: {  	[tilespmem:$0x4900] =	vst v1;
	v3 =	vimm.f32 $-1.000000000e+01  }
0x1b: {  	s17 =	simm.s32 $0x3;
	s18 =	simm.s32 $0x80;
	[tilespmem:$0x4980] =	vst v3;
	v4 =	vadd.s32 v0, v4  }
.LBB2_4:
0x1c: {  	s19 =	sadd.s32 $0xFFFFFFFD, s17  }
0x1d: {  	v5 =	vadd.s32 s19, v4  }
0x1e: {  	v6 =	vadd.s32 $0x9617674F, v5  }
0x1f: {  	v7 =	vshrl.u32 v6, $0x13;
	v6 =	vshll.u32 v6, $0xD  }
0x20: {  	v8 =	vadd.s32 $0xE17DBB73, v5;
	v6 =	vor.u32 v7, v6  }
0x21: {  	v35 =	vadd.s32 $0x96176750, v5;
	v6 =	vxor.u32 v8, v6  }
0x22: {  	v10 =	vshrl.u32 v35, $0x13;
	v7 =	vshrl.u32 v6, $0x11;
	v9 =	vshll.u32 v6, $0xF  }
0x23: {  	v6 =	vadd.s32 v8, v6;
	v7 =	vor.u32 v7, v9;
	v9 =	vshll.u32 v35, $0xD  }
0x24: {  	v36 =	vadd.s32 $0xE17DBB74, v5;
	v7 =	vxor.u32 v6, v7;
	v9 =	vor.u32 v10, v9  }
0x25: {  	v18 =	vshrl.u32 v7, $0x6;
	v19 =	vshll.u32 v7, $0x1A;
	v9 =	vxor.u32 v36, v9  }
0x26: {  	v6 =	vadd.s32 v6, v7;
	v7 =	vor.u32 v18, v19;
	v37 =	vshrl.u32 v9, $0x11  }
0x27: {  	v11 =	vshll.u32 v9, $0xF;
	v8 =	vadd.s32 v36, v9;
	v7 =	vxor.u32 v6, v7  }
0x28: {  	v38 =	vor.u32 v37, v11;
	v20 =	vshrl.u32 v7, $0x1A;
	v21 =	vshll.u32 v7, $0x6  }
0x29: {  	v6 =	vadd.s32 v6, v7;
	v9 =	vxor.u32 v8, v38;
	v7 =	vor.u32 v20, v21  }
0x2a: {  	v40 =	vshrl.u32 v9, $0x6;
	v12 =	vshll.u32 v9, $0x1A;
	v7 =	vxor.u32 v6, v7  }
0x2b: {  	v8 =	vadd.s32 v8, v9;
	v41 =	vor.u32 v40, v12;
	v7 =	vadd.s32 $0xC6A028B2, v7  }
0x2c: {  	v9 =	vxor.u32 v8, v41;
	v6 =	vadd.s32 v7, v6;
	v22 =	vshrl.u32 v7, $0xF  }
0x2d: {  	v7 =	vshll.u32 v7, $0x11;
	v43 =	vshrl.u32 v9, $0x1A;
	v44 =	vshll.u32 v9, $0x6  }
0x2e: {  	v8 =	vadd.s32 v8, v9;
	v6 =	vadd.s32 $0x9617674F, v6;
	v7 =	vor.u32 v22, v7  }
0x2f: {  	v45 =	vor.u32 v43, v44;
	v22 =	vadd.s32 $0x96176751, v5;
	v5 =	vadd.s32 $0xE17DBB75, v5  }
0x30: {  	v7 =	vxor.u32 v6, v7;
	v9 =	vxor.u32 v8, v45;
	v11 =	vshll.u32 v22, $0xD  }
0x31: {  	v23 =	vshrl.u32 v7, $0x3;
	v24 =	vshll.u32 v7, $0x1D;
	v9 =	vadd.s32 $0xC6A028B2, v9  }
0x32: {  	v6 =	vadd.s32 v6, v7;
	v7 =	vor.u32 v23, v24;
	v8 =	vadd.s32 v9, v8  }
0x33: {  	v46 =	vshrl.u32 v9, $0xF;
	v9 =	vshll.u32 v9, $0x11;
	v23 =	vshrl.u32 v22, $0x13  }
0x34: {  	v7 =	vxor.u32 v6, v7;
	v8 =	vadd.s32 $0x9617674F, v8;
	v9 =	vor.u32 v46, v9  }
0x35: {  	v11 =	vor.u32 v23, v11;
	v25 =	vshrl.u32 v7, $0x10;
	v26 =	vshll.u32 v7, $0x10  }
0x36: {  	v6 =	vadd.s32 v6, v7;
	v9 =	vxor.u32 v8, v9;
	v11 =	vxor.u32 v5, v11  }
0x37: {  	v7 =	vor.u32 v25, v26;
	v48 =	vshrl.u32 v9, $0x3;
	v49 =	vshll.u32 v9, $0x1D  }
0x38: {  	v8 =	vadd.s32 v8, v9;
	v25 =	vshrl.u32 v11, $0x11;
	v26 =	vshll.u32 v11, $0xF  }
0x39: {  	v5 =	vadd.s32 v5, v11;
	v7 =	vxor.u32 v6, v7;
	v50 =	vor.u32 v48, v49  }
0x3a: {  	v27 =	vshrl.u32 v7, $0x8;
	v28 =	vshll.u32 v7, $0x18;
	v9 =	vxor.u32 v8, v50  }
0x3b: {  	v6 =	vadd.s32 v6, v7;
	v7 =	vor.u32 v27, v28;
	v52 =	vshrl.u32 v9, $0x10  }
0x3c: {  	v53 =	vshll.u32 v9, $0x10;
	v8 =	vadd.s32 v8, v9;
	v7 =	vxor.u32 v6, v7  }
0x3d: {  	v27 =	vor.u32 v25, v26;
	v54 =	vor.u32 v52, v53;
	v7 =	vadd.s32 $0x4B665426, v7  }
0x3e: {  	v6 =	vadd.s32 v7, v6;
	v29 =	vshrl.u32 v7, $0x13;
	v7 =	vshll.u32 v7, $0xD  }
0x3f: {  	v9 =	vxor.u32 v8, v54;
	v6 =	vadd.s32 $0xC6A028B1, v6;
	v7 =	vor.u32 v29, v7  }
0x40: {  	v55 =	vshrl.u32 v9, $0x8;
	v56 =	vshll.u32 v9, $0x18;
	v7 =	vxor.u32 v6, v7  }
0x41: {  	v8 =	vadd.s32 v8, v9;
	v30 =	vshrl.u32 v7, $0x11;
	v31 =	vshll.u32 v7, $0xF  }
0x42: {  	v57 =	vor.u32 v55, v56;
	v6 =	vadd.s32 v6, v7;
	v7 =	vor.u32 v30, v31  }
0x43: {  	v11 =	vxor.u32 v5, v27;
	v9 =	vxor.u32 v8, v57;
	v7 =	vxor.u32 v6, v7  }
0x44: {  	v9 =	vadd.s32 $0x4B665426, v9;
	v32 =	vshrl.u32 v7, $0x6;
	v33 =	vshll.u32 v7, $0x1A  }
0x45: {  	v8 =	vadd.s32 v9, v8;
	v6 =	vadd.s32 v6, v7;
	v7 =	vor.u32 v32, v33  }
0x46: {  	v59 =	vshrl.u32 v9, $0x13;
	v9 =	vshll.u32 v9, $0xD;
	v7 =	vxor.u32 v6, v7  }
0x47: {  	v6 =	vadd.s32 v6, v7;
	v34 =	vshrl.u32 v7, $0x1A;
	v7 =	vshll.u32 v7, $0x6  }
0x48: {  	v8 =	vadd.s32 $0xC6A028B1, v8;
	v9 =	vor.u32 v59, v9;
	v7 =	vor.u32 v34, v7  }
0x49: {  	v5 =	vadd.s32 v5, v11;
	v9 =	vxor.u32 v8, v9;
	v7 =	vxor.u32 v6, v7  }
0x4a: {  	v29 =	vshrl.u32 v11, $0x6;
	v61 =	vshrl.u32 v9, $0x11;
	v7 =	vadd.s32 $0x96176752, v7  }
0x4b: {  	v6 =	vadd.s32 v7, v6;
	v39 =	vshrl.u32 v7, $0xF;
	v7 =	vshll.u32 v7, $0x11  }
0x4c: {  	v62 =	vshll.u32 v9, $0xF;
	v6 =	vadd.s32 $0x4B665424, v6;
	v7 =	vor.u32 v39, v7  }
0x4d: {  	v8 =	vadd.s32 v8, v9;
	v12 =	vor.u32 v61, v62;
	v7 =	vxor.u32 v6, v7  }
0x4e: {  	v9 =	vxor.u32 v8, v12;
	v42 =	vshrl.u32 v7, $0x3;
	v13 =	vshll.u32 v7, $0x1D  }
0x4f: {  	v14 =	vshll.u32 v9, $0x1A;
	v6 =	vadd.s32 v6, v7;
	v7 =	vor.u32 v42, v13  }
0x50: {  	v8 =	vadd.s32 v8, v9;
	v13 =	vshrl.u32 v9, $0x6;
	v7 =	vxor.u32 v6, v7  }
0x51: {  	v15 =	vor.u32 v13, v14;
	v14 =	vshll.u32 v11, $0x1A;
	v6 =	vadd.s32 v6, v7  }
0x52: {  	v47 =	vshrl.u32 v7, $0x10;
	v7 =	vshll.u32 v7, $0x10;
	v9 =	vxor.u32 v8, v15  }
0x53: {  	v30 =	vor.u32 v29, v14;
	v7 =	vor.u32 v47, v7;
	v17 =	vshrl.u32 v9, $0x1A  }
0x54: {  	v18 =	vshll.u32 v9, $0x6;
	v8 =	vadd.s32 v8, v9;
	v31 =	vxor.u32 v5, v30  }
0x55: {  	v7 =	vxor.u32 v6, v7;
	v19 =	vor.u32 v17, v18;
	v33 =	vshrl.u32 v31, $0x1A  }
0x56: {  	v34 =	vshll.u32 v31, $0x6;
	v5 =	vadd.s32 v5, v31;
	v6 =	vadd.s32 v6, v7  }
0x57: {  	v51 =	vshrl.u32 v7, $0x8;
	v7 =	vshll.u32 v7, $0x18;
	v9 =	vxor.u32 v8, v19  }
0x58: {  	v36 =	vor.u32 v33, v34;
	v7 =	vor.u32 v51, v7;
	v9 =	vadd.s32 $0x96176752, v9  }
0x59: {  	v10 =	vxor.u32 v5, v36;
	v7 =	vxor.u32 v6, v7;
	v8 =	vadd.s32 v9, v8  }
0x5a: {  	v21 =	vshrl.u32 v9, $0xF;
	v9 =	vshll.u32 v9, $0x11;
	v10 =	vadd.s32 $0xC6A028B2, v10  }
0x5b: {  	v7 =	vadd.s32 $0xC6A028B5, v7;
	v8 =	vadd.s32 $0x4B665424, v8;
	v9 =	vor.u32 v21, v9  }
0x5c: {  	v5 =	vadd.s32 v10, v5;
	v38 =	vshrl.u32 v10, $0xF;
	v10 =	vshll.u32 v10, $0x11  }
0x5d: {  	v6 =	vadd.s32 v7, v6;
	v58 =	vshrl.u32 v7, $0x13;
	v7 =	vshll.u32 v7, $0xD  }
0x5e: {  	v9 =	vxor.u32 v8, v9;
	v5 =	vadd.s32 $0x9617674F, v5;
	v10 =	vor.u32 v38, v10  }
0x5f: {  	v6 =	vadd.s32 $0x9617674F, v6;
	v7 =	vor.u32 v58, v7;
	v8 =	vadd.s32 v8, v9  }
0x60: {  	v24 =	vshrl.u32 v9, $0x3;
	v9 =	vshll.u32 v9, $0x1D;
	v10 =	vxor.u32 v5, v10  }
0x61: {  	v7 =	vxor.u32 v6, v7;
	v9 =	vor.u32 v24, v9;
	v40 =	vshrl.u32 v10, $0x3  }
0x62: {  	v41 =	vshll.u32 v10, $0x1D;
	v5 =	vadd.s32 v5, v10;
	v60 =	vshrl.u32 v7, $0x11  }
0x63: {  	v63 =	vshll.u32 v7, $0xF;
	v6 =	vadd.s32 v6, v7;
	v9 =	vxor.u32 v8, v9  }
0x64: {  	v42 =	vor.u32 v40, v41;
	v7 =	vor.u32 v60, v63;
	v8 =	vadd.s32 v8, v9  }
0x65: {  	v28 =	vshrl.u32 v9, $0x10;
	v9 =	vshll.u32 v9, $0x10;
	v10 =	vxor.u32 v5, v42  }
0x66: {  	v7 =	vxor.u32 v6, v7;
	v9 =	vor.u32 v28, v9;
	v43 =	vshrl.u32 v10, $0x10  }
0x67: {  	v44 =	vshll.u32 v10, $0x10;
	v5 =	vadd.s32 v5, v10;
	v6 =	vadd.s32 v6, v7  }
0x68: {  	v16 =	vshrl.u32 v7, $0x6;
	v7 =	vshll.u32 v7, $0x1A;
	v9 =	vxor.u32 v8, v9  }
0x69: {  	v45 =	vor.u32 v43, v44;
	v7 =	vor.u32 v16, v7;
	v32 =	vshrl.u32 v9, $0x8  }
0x6a: {  	v35 =	vshll.u32 v9, $0x18;
	v8 =	vadd.s32 v8, v9;
	v10 =	vxor.u32 v5, v45  }
0x6b: {  	v7 =	vxor.u32 v6, v7;
	v37 =	vor.u32 v32, v35;
	v47 =	vshrl.u32 v10, $0x8  }
0x6c: {  	v48 =	vshll.u32 v10, $0x18;
	v5 =	vadd.s32 v5, v10;
	v6 =	vadd.s32 v6, v7  }
0x6d: {  	v20 =	vshrl.u32 v7, $0x1A;
	v7 =	vshll.u32 v7, $0x6;
	v9 =	vxor.u32 v8, v37  }
0x6e: {  	v49 =	vor.u32 v47, v48;
	v7 =	vor.u32 v20, v7;
	v9 =	vadd.s32 $0xC6A028B5, v9  }
0x6f: {  	v10 =	vxor.u32 v5, v49;
	v7 =	vxor.u32 v6, v7;
	v6 =	vadd.s32 $0xC6A028B1, v6  }
0x70: {  	v8 =	vadd.s32 v9, v8;
	v39 =	vshrl.u32 v9, $0x13;
	v9 =	vshll.u32 v9, $0xD  }
0x71: {  	v10 =	vadd.s32 $0x4B665426, v10;
	v8 =	vadd.s32 $0x9617674F, v8;
	v9 =	vor.u32 v39, v9  }
0x72: {  	v7 =	vadd.s32 $0x4B665429, v7;
	v5 =	vadd.s32 v10, v5;
	v51 =	vshrl.u32 v10, $0x13  }
0x73: {  	v10 =	vshll.u32 v10, $0xD;
	v9 =	vxor.u32 v8, v9;
	v52 =	vadd.s32 $0xC6A028B1, v5  }
0x74: {  	v5 =	vor.u32 v51, v10;
	v6 =	vxor.u32 v6, v7;
	v8 =	vadd.s32 v8, v9  }
0x75: {  	v46 =	vshrl.u32 v9, $0x11;
	v9 =	vshll.u32 v9, $0xF;
	v53 =	vxor.u32 v52, v5  }
0x76: {  	v5 =	vadd.s32 s17, v4;
	v6 =	vshrl.u32 v6, $0x9;
	v9 =	vor.u32 v46, v9  }
0x77: {  	v54 =	vshrl.u32 v53, $0x11;
	v55 =	vshll.u32 v53, $0xF;
	v56 =	vadd.s32 $0x9617674F, v5  }
0x78: {  	v9 =	vxor.u32 v8, v9;
	v57 =	vshrl.u32 v56, $0x13;
	v11 =	vshll.u32 v56, $0xD  }
0x79: {  	v8 =	vadd.s32 v8, v9;
	v50 =	vshrl.u32 v9, $0x6;
	v9 =	vshll.u32 v9, $0x1A  }
0x7a: {  	v58 =	vadd.s32 $0xE17DBB73, v5;
	v11 =	vor.u32 v57, v11;
	v9 =	vor.u32 v50, v9  }
0x7b: {  	v10 =	vor.u32 v54, v55;
	v11 =	vxor.u32 v58, v11;
	v7 =	vxor.u32 v8, v9  }
0x7c: {  	v9 =	vadd.s32 v52, v53;
	v60 =	vshrl.u32 v11, $0x11;
	v61 =	vshll.u32 v11, $0xF  }
0x7d: {  	v11 =	vadd.s32 v58, v11;
	v10 =	vxor.u32 v9, v10;
	v12 =	vor.u32 v60, v61  }
0x7e: {  	v8 =	vadd.s32 v8, v7;
	v20 =	vshrl.u32 v7, $0x1A;
	v7 =	vshll.u32 v7, $0x6  }
0x7f: {  	v60 =	vadd.s32 $0x96176750, v5;
	v9 =	vadd.s32 v9, v10;
	v59 =	vshrl.u32 v10, $0x6  }
0x80: {  	v10 =	vshll.u32 v10, $0x1A;
	v12 =	vxor.u32 v11, v12;
	v7 =	vor.u32 v20, v7  }
0x81: {  	v10 =	vor.u32 v59, v10;
	v63 =	vshrl.u32 v12, $0x6;
	v15 =	vshll.u32 v12, $0x1A  }
0x82: {  	v11 =	vadd.s32 v11, v12;
	v7 =	vxor.u32 v8, v7;
	v10 =	vxor.u32 v9, v10  }
0x83: {  	v8 =	vadd.s32 $0xC6A028B1, v8;
	v16 =	vor.u32 v63, v15;
	v9 =	vadd.s32 v9, v10  }
0x84: {  	v62 =	vshrl.u32 v10, $0x1A;
	v10 =	vshll.u32 v10, $0x6;
	v12 =	vxor.u32 v11, v16  }
0x85: {  	v10 =	vor.u32 v62, v10;
	v17 =	vshrl.u32 v12, $0x1A;
	v18 =	vshll.u32 v12, $0x6  }
0x86: {  	v11 =	vadd.s32 v11, v12;
	v10 =	vxor.u32 v9, v10;
	v19 =	vor.u32 v17, v18  }
0x87: {  	v7 =	vadd.s32 $0x4B665429, v7;
	v10 =	vadd.s32 $0x96176752, v10;
	v12 =	vxor.u32 v11, v19  }
0x88: {  	v9 =	vadd.s32 v10, v9;
	v21 =	vshrl.u32 v10, $0xF;
	v12 =	vadd.s32 $0xC6A028B2, v12  }
0x89: {  	v10 =	vshll.u32 v10, $0x11;
	v9 =	vadd.s32 $0x4B665424, v9;
	v11 =	vadd.s32 v12, v11  }
0x8a: {  	v22 =	vshrl.u32 v12, $0xF;
	v12 =	vshll.u32 v12, $0x11;
	v10 =	vor.u32 v21, v10  }
0x8b: {  	v11 =	vadd.s32 $0x9617674F, v11;
	v12 =	vor.u32 v22, v12;
	v10 =	vxor.u32 v9, v10  }
0x8c: {  	v7 =	vxor.u32 v8, v7;
	v12 =	vxor.u32 v11, v12;
	v24 =	vshrl.u32 v10, $0x3  }
0x8d: {  	v25 =	vshll.u32 v10, $0x1D;
	v9 =	vadd.s32 v9, v10;
	v11 =	vadd.s32 v11, v12  }
0x8e: {  	v23 =	vshrl.u32 v12, $0x3;
	v12 =	vshll.u32 v12, $0x1D;
	v26 =	vor.u32 v24, v25  }
0x8f: {  	v62 =	vshrl.u32 v60, $0x13;
	v12 =	vor.u32 v23, v12;
	v10 =	vxor.u32 v9, v26  }
0x90: {  	v12 =	vxor.u32 v11, v12;
	v9 =	vadd.s32 v9, v10;
	v30 =	vshrl.u32 v10, $0x10  }
0x91: {  	v10 =	vshll.u32 v10, $0x10;
	v27 =	vshrl.u32 v12, $0x10;
	v28 =	vshll.u32 v12, $0x10  }
0x92: {  	v11 =	vadd.s32 v11, v12;
	v10 =	vor.u32 v30, v10;
	v29 =	vor.u32 v27, v28  }
0x93: {  	v7 =	vshrl.u32 v7, $0x9;
	v10 =	vxor.u32 v9, v10;
	v12 =	vxor.u32 v11, v29  }
0x94: {  	v9 =	vadd.s32 v9, v10;
	v34 =	vshrl.u32 v10, $0x8;
	v10 =	vshll.u32 v10, $0x18  }
0x95: {  	v31 =	vshrl.u32 v12, $0x8;
	v32 =	vshll.u32 v12, $0x18;
	v10 =	vor.u32 v34, v10  }
0x96: {  	v11 =	vadd.s32 v11, v12;
	v33 =	vor.u32 v31, v32;
	v10 =	vxor.u32 v9, v10  }
0x97: {  	v18 =	vadd.s32 $0xE17DBB74, v5;
	v12 =	vxor.u32 v11, v33;
	v10 =	vadd.s32 $0xC6A028B5, v10  }
0x98: {  	vm0 =	vgt.u32 v7, v6;
	v12 =	vadd.s32 $0x4B665426, v12;
	v9 =	vadd.s32 v10, v9  }
0x99: {  	v11 =	vadd.s32 v12, v11;
	v35 =	vshrl.u32 v12, $0x13;
	v12 =	vshll.u32 v12, $0xD  }
0x9a: {  	v39 =	vshrl.u32 v10, $0x13;
	v11 =	vadd.s32 $0xC6A028B1, v11;
	v12 =	vor.u32 v35, v12  }
0x9b: {  	v10 =	vshll.u32 v10, $0xD;
	v9 =	vadd.s32 $0x9617674F, v9;
	v12 =	vxor.u32 v11, v12  }
0x9c: {  	v10 =	vor.u32 v39, v10;
	v36 =	vshrl.u32 v12, $0x11;
	v37 =	vshll.u32 v12, $0xF  }
0x9d: {  	v10 =	vxor.u32 v9, v10;
	v11 =	vadd.s32 v11, v12;
	v38 =	vor.u32 v36, v37  }
0x9e: {  	v43 =	vshrl.u32 v10, $0x11;
	v46 =	vshll.u32 v10, $0xF;
	v12 =	vxor.u32 v11, v38  }
0x9f: {  	v9 =	vadd.s32 v9, v10;
	v40 =	vshrl.u32 v12, $0x6;
	v41 =	vshll.u32 v12, $0x1A  }
0xa0: {  	v47 =	vor.u32 v43, v46;
	v11 =	vadd.s32 v11, v12;
	v42 =	vor.u32 v40, v41  }
0xa1: {  	v6 =	vmax.u32 v6, v7;
	v10 =	vxor.u32 v9, v47;
	v12 =	vxor.u32 v11, v42  }
0xa2: {  	v37 =	vadd.s32 $0x96176751, v5;
	v44 =	vshrl.u32 v12, $0x1A;
	v45 =	vshll.u32 v12, $0x6  }
0xa3: {  	v9 =	vadd.s32 v9, v10;
	v11 =	vadd.s32 v11, v12;
	v14 =	vor.u32 v44, v45  }
0xa4: {  	v50 =	vshrl.u32 v10, $0x6;
	v10 =	vshll.u32 v10, $0x1A;
	v48 =	vxor.u32 v11, v14  }
0xa5: {  	v5 =	vadd.s32 $0xE17DBB75, v5;
	v10 =	vor.u32 v50, v10;
	v12 =	vadd.s32 $0x96176752, v48  }
0xa6: {  	v11 =	vadd.s32 v12, v11;
	v49 =	vshrl.u32 v12, $0xF;
	v12 =	vshll.u32 v12, $0x11  }
0xa7: {  	v10 =	vxor.u32 v9, v10;
	v11 =	vadd.s32 $0x4B665424, v11;
	v12 =	vor.u32 v49, v12  }
0xa8: {  	v54 =	vadd.s32 v9, v10;
	v56 =	vshrl.u32 v10, $0x1A;
	v12 =	vxor.u32 v11, v12  }
0xa9: {  	v10 =	vshll.u32 v10, $0x6;
	v51 =	vshrl.u32 v12, $0x3;
	v52 =	vshll.u32 v12, $0x1D  }
0xaa: {  	v11 =	vadd.s32 v11, v12;
	v12 =	vshll.u32 v60, $0xD;
	v53 =	vor.u32 v51, v52  }
0xab: {  	v10 =	vor.u32 v56, v10;
	v12 =	vor.u32 v62, v12;
	v55 =	vxor.u32 v11, v53  }
0xac: {  	v8 =	vadd.s32 $0xC6A028B1, v54;
	v12 =	vxor.u32 v18, v12;
	v57 =	vshrl.u32 v55, $0x10  }
0xad: {  	v58 =	vshll.u32 v55, $0x10;
	v9 =	vadd.s32 v11, v55;
	v20 =	vadd.s32 v18, v12  }
0xae: {  	v21 =	vshrl.u32 v12, $0x11;
	v12 =	vshll.u32 v12, $0xF;
	v59 =	vor.u32 v57, v58  }
0xaf: {  	v10 =	vxor.u32 v54, v10;
	v12 =	vor.u32 v21, v12;
	v11 =	vxor.u32 v9, v59  }
0xb0: {  	v23 =	vxor.u32 v20, v12;
	v61 =	vshrl.u32 v11, $0x8;
	v63 =	vshll.u32 v11, $0x18  }
0xb1: {  	v9 =	vadd.s32 v9, v11;
	v24 =	vshrl.u32 v23, $0x6;
	v11 =	vshll.u32 v23, $0x1A  }
0xb2: {  	v12 =	vadd.s32 v20, v23;
	v19 =	vor.u32 v61, v63;
	v11 =	vor.u32 v24, v11  }
0xb3: {  	v10 =	vadd.s32 $0x4B665429, v10;
	v22 =	vxor.u32 v9, v19;
	v11 =	vxor.u32 v12, v11  }
0xb4: {  	v8 =	vxor.u32 v8, v10;
	v10 =	vadd.s32 $0xC6A028B5, v22;
	v12 =	vadd.s32 v12, v11  }
0xb5: {  	v25 =	vshrl.u32 v11, $0x1A;
	v11 =	vshll.u32 v11, $0x6;
	v9 =	vadd.s32 v10, v9  }
0xb6: {  	v11 =	vor.u32 v25, v11;
	v26 =	vshrl.u32 v10, $0x13;
	v10 =	vshll.u32 v10, $0xD  }
0xb7: {  	v9 =	vadd.s32 $0x9617674F, v9;
	v10 =	vor.u32 v26, v10;
	v11 =	vxor.u32 v12, v11  }
0xb8: {  	v38 =	vshrl.u32 v37, $0x13;
	v7 =	vxor.u32 v9, v10;
	v27 =	vadd.s32 $0xC6A028B2, v11  }
0xb9: {  	v11 =	vadd.s32 v27, v12;
	v28 =	vshrl.u32 v27, $0xF;
	v10 =	vshll.u32 v27, $0x11  }
0xba: {  	v8 =	vshrl.u32 v8, $0x9;
	v11 =	vadd.s32 $0x9617674F, v11;
	v10 =	vor.u32 v28, v10  }
0xbb: {  	v9 =	vadd.s32 v9, v7;
	v29 =	vshrl.u32 v7, $0x11;
	v10 =	vxor.u32 v11, v10  }
0xbc: {  	v7 =	vshll.u32 v7, $0xF;
	v30 =	vshrl.u32 v10, $0x3;
	v31 =	vshll.u32 v10, $0x1D  }
0xbd: {  	v7 =	vor.u32 v29, v7;
	v10 =	vadd.s32 v11, v10;
	v32 =	vor.u32 v30, v31  }
0xbe: {  	vm1 =	vgt.u32 v8, v6;
	v7 =	vxor.u32 v9, v7;
	v33 =	vxor.u32 v10, v32  }
0xbf: {  	v6 =	vadd.s32 v9, v7;
	v11 =	vshrl.u32 v33, $0x10;
	v35 =	vshll.u32 v33, $0x10  }
0xc0: {  	v8 =	vadd.s32 v10, v33;
	v36 =	vor.u32 v11, v35;
	v11 =	vshll.u32 v37, $0xD  }
0xc1: {  	v34 =	vshrl.u32 v7, $0x6;
	v10 =	vxor.u32 v8, v36;
	v11 =	vor.u32 v38, v11  }
0xc2: {  	v8 =	vadd.s32 v8, v10;
	v39 =	vshrl.u32 v10, $0x8;
	v11 =	vxor.u32 v5, v11  }
0xc3: {  	v10 =	vshll.u32 v10, $0x18;
	v40 =	vshrl.u32 v11, $0x11;
	v41 =	vshll.u32 v11, $0xF  }
0xc4: {  	v10 =	vor.u32 v39, v10;
	v5 =	vadd.s32 v5, v11;
	v42 =	vor.u32 v40, v41  }
0xc5: {  	v7 =	vshll.u32 v7, $0x1A;
	v43 =	vxor.u32 v8, v10;
	v44 =	vxor.u32 v5, v42  }
0xc6: {  	v7 =	vor.u32 v34, v7;
	v9 =	vadd.s32 $0x4B665426, v43;
	v11 =	vshrl.u32 v44, $0x6  }
0xc7: {  	v45 =	vshll.u32 v44, $0x1A;
	v8 =	vadd.s32 v9, v8;
	v5 =	vadd.s32 v5, v44  }
0xc8: {  	v47 =	vshrl.u32 v9, $0x13;
	v9 =	vshll.u32 v9, $0xD;
	v46 =	vor.u32 v11, v45  }
0xc9: {  	v8 =	vadd.s32 $0xC6A028B1, v8;
	v9 =	vor.u32 v47, v9;
	v10 =	vxor.u32 v5, v46  }
0xca: {  	v9 =	vxor.u32 v8, v9;
	v48 =	vshrl.u32 v10, $0x1A;
	v49 =	vshll.u32 v10, $0x6  }
0xcb: {  	v5 =	vadd.s32 v5, v10;
	v51 =	vshrl.u32 v9, $0x11;
	v53 =	vshll.u32 v9, $0xF  }
0xcc: {  	v8 =	vadd.s32 v8, v9;
	v50 =	vor.u32 v48, v49;
	v54 =	vor.u32 v51, v53  }
0xcd: {  	v7 =	vxor.u32 v6, v7;
	v10 =	vxor.u32 v5, v50;
	v9 =	vxor.u32 v8, v54  }
0xce: {  	v10 =	vadd.s32 $0xC6A028B2, v10;
	v8 =	vadd.s32 v8, v9;
	v58 =	vshrl.u32 v9, $0x6  }
0xcf: {  	v5 =	vadd.s32 v10, v5;
	v52 =	vshrl.u32 v10, $0xF;
	v10 =	vshll.u32 v10, $0x11  }
0xd0: {  	v9 =	vshll.u32 v9, $0x1A;
	v5 =	vadd.s32 $0x9617674F, v5;
	v10 =	vor.u32 v52, v10  }
0xd1: {  	v6 =	vadd.s32 v6, v7;
	v9 =	vor.u32 v58, v9;
	v10 =	vxor.u32 v5, v10  }
0xd2: {  	v9 =	vxor.u32 v8, v9;
	v55 =	vshrl.u32 v10, $0x3;
	v56 =	vshll.u32 v10, $0x1D  }
0xd3: {  	v16 =	vshrl.u32 v9, $0x1A;
	v5 =	vadd.s32 v5, v10;
	v57 =	vor.u32 v55, v56  }
0xd4: {  	v17 =	vshll.u32 v9, $0x6;
	v8 =	vadd.s32 v8, v9;
	v10 =	vxor.u32 v5, v57  }
0xd5: {  	v18 =	vor.u32 v16, v17;
	v59 =	vshrl.u32 v10, $0x10;
	v60 =	vshll.u32 v10, $0x10  }
0xd6: {  	v9 =	vxor.u32 v8, v18;
	v5 =	vadd.s32 v5, v10;
	v62 =	vor.u32 v59, v60  }
0xd7: {  	v61 =	vshrl.u32 v7, $0x1A;
	v9 =	vadd.s32 $0x96176752, v9;
	v10 =	vxor.u32 v5, v62  }
0xd8: {  	v5 =	vadd.s32 v5, v10;
	v63 =	vshrl.u32 v10, $0x8;
	v10 =	vshll.u32 v10, $0x18  }
0xd9: {  	v7 =	vshll.u32 v7, $0x6;
	v8 =	vadd.s32 v9, v8;
	v10 =	vor.u32 v63, v10  }
0xda: {  	v20 =	vshrl.u32 v9, $0xF;
	v9 =	vshll.u32 v9, $0x11;
	v10 =	vxor.u32 v5, v10  }
0xdb: {  	v8 =	vadd.s32 $0x4B665424, v8;
	v9 =	vor.u32 v20, v9;
	v10 =	vadd.s32 $0x4B665426, v10  }
0xdc: {  	v5 =	vadd.s32 v10, v5;
	v19 =	vshrl.u32 v10, $0x13;
	v10 =	vshll.u32 v10, $0xD  }
0xdd: {  	v9 =	vxor.u32 v8, v9;
	v5 =	vadd.s32 $0xC6A028B1, v5;
	v10 =	vor.u32 v19, v10  }
0xde: {  	v7 =	vor.u32 v61, v7;
	v8 =	vadd.s32 v8, v9;
	v10 =	vxor.u32 v5, v10  }
0xdf: {  	v27 =	vshrl.u32 v9, $0x3;
	v21 =	vshrl.u32 v10, $0x11;
	v22 =	vshll.u32 v10, $0xF  }
0xe0: {  	v9 =	vshll.u32 v9, $0x1D;
	v5 =	vadd.s32 v5, v10;
	v23 =	vor.u32 v21, v22  }
0xe1: {  	v7 =	vxor.u32 v6, v7;
	v9 =	vor.u32 v27, v9;
	v10 =	vxor.u32 v5, v23  }
0xe2: {  	v9 =	vxor.u32 v8, v9;
	v24 =	vshrl.u32 v10, $0x6;
	v25 =	vshll.u32 v10, $0x1A  }
0xe3: {  	v31 =	vshrl.u32 v9, $0x10;
	v5 =	vadd.s32 v5, v10;
	v26 =	vor.u32 v24, v25  }
0xe4: {  	v32 =	vshll.u32 v9, $0x10;
	v8 =	vadd.s32 v8, v9;
	v10 =	vxor.u32 v5, v26  }
0xe5: {  	v33 =	vor.u32 v31, v32;
	v28 =	vshrl.u32 v10, $0x1A;
	v29 =	vshll.u32 v10, $0x6  }
0xe6: {  	v9 =	vxor.u32 v8, v33;
	v5 =	vadd.s32 v5, v10;
	v30 =	vor.u32 v28, v29  }
0xe7: {  	v6 =	vadd.s32 $0xC6A028B1, v6;
	v8 =	vadd.s32 v8, v9;
	v10 =	vxor.u32 v5, v30  }
0xe8: {  	v35 =	vshrl.u32 v9, $0x8;
	v9 =	vshll.u32 v9, $0x18;
	v10 =	vadd.s32 $0x96176752, v10  }
0xe9: {  	v5 =	vadd.s32 v10, v5;
	v34 =	vshrl.u32 v10, $0xF;
	v10 =	vshll.u32 v10, $0x11  }
0xea: {  	v9 =	vor.u32 v35, v9;
	v5 =	vadd.s32 $0x4B665424, v5;
	v10 =	vor.u32 v34, v10  }
0xeb: {  	v7 =	vadd.s32 $0x4B665429, v7;
	v9 =	vxor.u32 v8, v9;
	v10 =	vxor.u32 v5, v10  }
0xec: {  	v9 =	vadd.s32 $0xC6A028B5, v9;
	v36 =	vshrl.u32 v10, $0x3;
	v37 =	vshll.u32 v10, $0x1D  }
0xed: {  	v8 =	vadd.s32 v9, v8;
	v5 =	vadd.s32 v5, v10;
	v38 =	vor.u32 v36, v37  }
0xee: {  	v42 =	vshrl.u32 v9, $0x13;
	v9 =	vshll.u32 v9, $0xD;
	v10 =	vxor.u32 v5, v38  }
0xef: {  	v8 =	vadd.s32 $0x9617674F, v8;
	v39 =	vshrl.u32 v10, $0x10;
	v40 =	vshll.u32 v10, $0x10  }
0xf0: {  	v9 =	vor.u32 v42, v9;
	v5 =	vadd.s32 v5, v10;
	v41 =	vor.u32 v39, v40  }
0xf1: {  	v6 =	vxor.u32 v6, v7;
	v9 =	vxor.u32 v8, v9;
	v10 =	vxor.u32 v5, v41  }
0xf2: {  	v7 =	vshrl.u32 v9, $0x11;
	v43 =	vshrl.u32 v10, $0x8;
	v44 =	vshll.u32 v10, $0x18  }
0xf3: {  	v47 =	vshll.u32 v9, $0xF;
	v5 =	vadd.s32 v5, v10;
	v45 =	vor.u32 v43, v44  }
0xf4: {  	v8 =	vadd.s32 v8, v9;
	v7 =	vor.u32 v7, v47;
	v10 =	vxor.u32 v5, v45  }
0xf5: {  	v7 =	vxor.u32 v8, v7;
	v10 =	vadd.s32 $0xC6A028B5, v10  }
0xf6: {  	v5 =	vadd.s32 v10, v5;
	v46 =	vshrl.u32 v10, $0x13;
	v10 =	vshll.u32 v10, $0xD  }
0xf7: {  	v8 =	vadd.s32 v8, v7;
	v5 =	vadd.s32 $0x9617674F, v5;
	v10 =	vor.u32 v46, v10  }
0xf8: {  	v51 =	vshrl.u32 v7, $0x6;
	v7 =	vshll.u32 v7, $0x1A;
	v48 =	vxor.u32 v5, v10  }
0xf9: {  	v7 =	vor.u32 v51, v7;
	v10 =	vshrl.u32 v48, $0x11;
	v49 =	vshll.u32 v48, $0xF  }
0xfa: {  	v7 =	vxor.u32 v8, v7;
	v5 =	vadd.s32 v5, v48;
	v50 =	vor.u32 v10, v49  }
0xfb: {  	v8 =	vadd.s32 v8, v7;
	v56 =	vshrl.u32 v7, $0x1A;
	v9 =	vxor.u32 v5, v50  }
0xfc: {  	v7 =	vshll.u32 v7, $0x6;
	v52 =	vshrl.u32 v9, $0x6;
	v53 =	vshll.u32 v9, $0x1A  }
0xfd: {  	v7 =	vor.u32 v56, v7;
	v5 =	vadd.s32 v5, v9;
	v54 =	vor.u32 v52, v53  }
0xfe: {  	v55 =	vld [tilespmem:s18+$0xFFFFFF80];
	v7 =	vxor.u32 v8, v7;
	v9 =	vxor.u32 v5, v54  }
0xff: {  	v60 =	vld [tilespmem:s18+$0x0];
	v8 =	vadd.s32 $0xC6A028B1, v8;
	v57 =	vshrl.u32 v9, $0x1A;
	v58 =	vshll.u32 v9, $0x6  }
0x100: {  	v7 =	vadd.s32 $0x4B665429, v7;
	v5 =	vadd.s32 v5, v9;
	v59 =	vor.u32 v57, v58  }
0x101: {  	v6 =	vshrl.u32 v6, $0x9;
	v7 =	vxor.u32 v8, v7;
	v9 =	vxor.u32 v5, v59  }
0x102: {  	v61 =	vld [tilespmem:$0x4900];
	v7 =	vshrl.u32 v7, $0x9;
	v5 =	vadd.s32 $0xC6A028B1, v5;
	v9 =	vadd.s32 $0x4B665429, v9  }
0x103: {  	v62 =	vsub.f32 $1.000000000e+00, v55;
	vm2 =	vgt.u32 v7, v6;
	v5 =	vxor.u32 v5, v9  }
0x104: {  	v6 =	vmax.u32 v6, v7;
	v7 =	vsub.f32 $1.000000000e+00, v60;
	v5 =	vshrl.u32 v5, $0x9  }
0x105: {  	p0 =	sne.s32 s17, $0x17D;
	vm0 =	vmor vm0, vm1;
	v9 =	vsel vm1, v62, v55;
	vm15 =	vgt.u32 v5, v6  }
.Ltmp0:
0x106: {  	v6 =	vnsel vm0, $0x41200000, v9;
	vm2 =	vmor vm2, vm15;
	v5 =	vsel vm15, v7, v60;
	(pc) =	sbr.rel @p0 .LBB2_4-.Ltmp0, $4  }
0x107: {  	v6 =	vmin.f32 v61, v6;
	v7 =	vnsel vm0, $0xC1200000, v9;
	v63 =	vnsel vm2, $0x41200000, v5  }
0x108: {  	v3 =	vmax.f32 v3, v7;
	v5 =	vnsel vm2, $0xC1200000, v5;
	v6 =	vmin.f32 v6, v63  }
0x109: {  	v3 =	vmax.f32 v3, v5;
	[tilespmem:$0x4900] =	vst v6  }
0x10a: {  	s17 =	sadd.s32 $0x6, s17;
	s18 =	sadd.s32 $0x100, s18;
	[tilespmem:$0x4980] =	vst v3  }
0x10b: {  	s17 =	sshll.u32 s15, $0x7  }
0x10c: {  	s17 =	sand.u32 $0x3FFFFF80, s17  }
0x10d: {  	v4 =	vld [tilespmem:s17+$0x4000]  }
0x10e: {  	v5 =	vld [tilespmem:$0x4900];
	s15 =	sadd.s32 $0x1, s15  }
0x10f: {  	p0 =	sne.s32 s15, $0x10  }
.Ltmp1:
0x110: {  	_ = 	snop;
	(pc) =	sbr.rel @p0 .LBB2_3-.Ltmp1, $4  }
0x111: {  	_ = 	snop  }
0x112: {  	vm0 =	veq.s32 v4, $0x0  }
0x113: {  	v3 =	vsel vm0, v5, v3  }
0x114: {  	[tilespmem:s16+$0x4800] =	vst v3  }
0x115: {  	s15 =	sshll.u32 s14, $0x4;
	s14 =	sadd.s32 $0x1, s14  }
0x116: {  	p0 =	sne.s32 s14, $0x8  }
.Ltmp2:
0x117: {  	s15 =	sadd.s32 s15, s6;
	(pc) =	sbr.rel @p0 .LBB2_2-.Ltmp2, $4  }
0x118: {  	[hbm4b:s15+s10] =	stream.strided.scatter [tilespmem:s12], [sflag:$0x1], $0x100, s11, s10, $0x38;
	[tilespmem:$0x4A00] =	vst v63  }
0x119: {  	_ =	swait.ge [sflag:s9], $0x100  }
0x11a: {  	[sflag:s9] =	ssyncset.done $0x0  }
0x11b: {  	[sflag:s9] =	ssyncadd.s32 $0xFFFFFF00  }
0x11c: {  	s13 =	sadd.s32 $0x1, s13  }
0x11d: {  	p0 =	sne.s32 s13, s7  }
.Ltmp3:
0x11e: {  	_ = 	snop;
	(pc) =	sbr.rel @p0 .LBB2_1-.Ltmp3, $1  }
0x11f: {  	_ =	sdelay $0x3  }
0x120: {  	_ =	sfence.sel $0x180000  }
0x121: {  	[bflag:$0x0] =	sbarrier.arrive $0xFFFF  }
0x122: {  	p0 =	sne.s32 s1, $0x0;
	_ =	strace $0x90000047  }
0x123: {  	s0 =	sadd.s32 @!p0 $0x100000, s0;
	[bflag:$0x2] =	sbarrier.arrive $0xFFFF  }
0x124: {  	[sflag:s0] =	ssyncadd.tile.s32 @!p0 $0x1;
	_ =	shalt  }
.Lfunc_end2:
_tile_overlayer_lowered:
.L_overlay_start_2:
0x125: {  	(tag) =	ssettag $0x2  }
0x126: {  	s0 =	rddreg [dreg:$0x0];
	s2 =	stileid.u32  }
0x127: {  	s1 =	rddreg [dreg:$0x1];
	p0 =	sne.s32 s2, $0x0  }
0x128: {  	s3 =	rddreg [dreg:$0x2];
	[bflag:$0x3] =	sbarrier.arrive $0xFFFF;
	s2 =	simm.s32 @!p0 $0x1C01  }
0x129: {  	[timem:s3], [sflag:s2] =	dma.local @!p0 [hbm:s0], s1  }
0x12a: {  	s0 =	simm.s32 @!p0 $0x1  }
0x12b: {  	_ =	swait.ge @!p0 [sflag:s0], s1  }
0x12c: {  	s1 =	ssub.s32 @!p0 $0x0, s1;
	[sflag:s0] =	ssyncset.done @!p0 $0x0  }
0x12d: {  	[sflag:s0] =	ssyncadd.s32 @!p0 s1  }
0x12e: {  	[bflag:$0x3] =	sbarrier.arrive $0xFFFF  }
0x12f: {  	_ =	shalt  }

</sc_bundles>
